<compile_context>
chip_gen: v7x
topology: tpu7x:2x2x1
jax: 0.10.2.dev20260603
libtpu: 0.0.44.dev20260713+nightly
codegen_flags: <defaults>
</compile_context>

<pallas_src>
import functools

import jax
import jax.numpy as jnp
from jax import lax
from jax.experimental import pallas as pl
from jax.experimental.pallas import tpu as pltpu
from jax.experimental.pallas import tpu_sc as plsc

N_NODES = 10000
D = 128
Wout = 64
E = 320000
NC = 2
NS = 16
NW = NC * NS
E_PAD = 327680
E_PER_TILE = E_PAD // NW
CHUNK = 128
NCHUNK = E_PER_TILE // CHUNK
BLK = 16
NBLK = NCHUNK // BLK
ACC_N = 10240

_MESH = plsc.VectorSubcoreMesh(core_axis_name="c", subcore_axis_name="s")


def _sc_feat_body(x_hbm, src_hbm, dst_hbm, zeros_hbm, out_hbm,
                  src_v, dst_v, rows_a, rows_b, acc, sem_a, sem_s):
    c = lax.axis_index("c")
    s = lax.axis_index("s")
    wid = s * NC + c

    @pl.when(s == 0)
    def _init():
        pltpu.sync_copy(zeros_hbm, acc)

    plsc.subcore_barrier()

    def gather(j, buf):
        pltpu.async_copy(x_hbm.at[src_v.at[j]], buf, sem_a).wait()

    def scat_start(buf, j):
        pltpu.async_copy(buf, acc.at[dst_v.at[j]], sem_s, add=True)

    def scat_wait(buf):
        pltpu.make_async_copy(zeros_hbm.at[pl.ds(0, CHUNK)], buf, sem_s).wait()

    def blk_body(b, carry):
        pltpu.sync_copy(src_hbm.at[wid].at[pl.ds(b * BLK, BLK)], src_v)
        pltpu.sync_copy(dst_hbm.at[wid].at[pl.ds(b * BLK, BLK)], dst_v)
        gather(0, rows_a)

        def pair_body(i, carry2):
            scat_start(rows_a, 2 * i)
            gather(2 * i + 1, rows_b)
            scat_wait(rows_a)
            scat_start(rows_b, 2 * i + 1)

            @pl.when(i < BLK // 2 - 1)
            def _next():
                gather(2 * i + 2, rows_a)

            scat_wait(rows_b)
            return carry2

        return lax.fori_loop(0, BLK // 2, pair_body, carry)

    lax.fori_loop(0, NBLK, blk_body, 0)
    plsc.subcore_barrier()

    @pl.when(s == 0)
    def _copy_out():
        pltpu.sync_copy(acc, out_hbm.at[c])


_sc_feat = functools.partial(
    pl.kernel,
    mesh=_MESH,
    out_type=jax.ShapeDtypeStruct((NC, ACC_N, D), jnp.float32),
    scratch_types=[
        pltpu.VMEM((BLK, CHUNK), jnp.int32),
        pltpu.VMEM((BLK, CHUNK), jnp.int32),
        pltpu.VMEM((CHUNK, D), jnp.float32),
        pltpu.VMEM((CHUNK, D), jnp.float32),
        pltpu.VMEM_SHARED((ACC_N, D), jnp.float32),
        pltpu.SemaphoreType.DMA,
        pltpu.SemaphoreType.DMA,
    ],
)(_sc_feat_body)


def _sc_deg_body(dst_hbm, zeros_hbm, ones_hbm, out_hbm,
                 dst_v, ones_v, acc):
    c = lax.axis_index("c")
    s = lax.axis_index("s")
    wid = s * NC + c

    @pl.when(s == 0)
    def _init():
        pltpu.sync_copy(zeros_hbm, acc)

    pltpu.sync_copy(dst_hbm.at[wid], dst_v)
    pltpu.sync_copy(ones_hbm, ones_v)
    plsc.subcore_barrier()

    def chunk_body(i, carry):
        pltpu.sync_copy(ones_v, acc.at[dst_v.at[i]], add=True)
        return carry

    lax.fori_loop(0, NCHUNK, chunk_body, 0)
    plsc.subcore_barrier()

    @pl.when(s == 0)
    def _copy_out():
        pltpu.sync_copy(acc, out_hbm.at[c])


_sc_deg = functools.partial(
    pl.kernel,
    mesh=_MESH,
    out_type=jax.ShapeDtypeStruct((NC, ACC_N, D), jnp.float32),
    scratch_types=[
        pltpu.VMEM((NCHUNK, CHUNK), jnp.int32),
        pltpu.VMEM((CHUNK, D), jnp.float32),
        pltpu.VMEM_SHARED((ACC_N, D), jnp.float32),
    ],
)(_sc_deg_body)


def _tc_layer_body(x_ref, p_ref, deg_ref, wl_ref, bl_ref, wr_ref, o_ref):
    agg_sum = p_ref[0, 0:N_NODES, :] + p_ref[1, 0:N_NODES, :]
    deg = deg_ref[0, 0:N_NODES, 0:1] + deg_ref[1, 0:N_NODES, 0:1]
    scale = 1.0 / jnp.maximum(deg, 1.0)
    agg = agg_sum * scale
    h = (jnp.dot(agg, wl_ref[...], preferred_element_type=jnp.float32)
         + bl_ref[...]
         + jnp.dot(x_ref[...], wr_ref[...], preferred_element_type=jnp.float32))
    o_ref[...] = jnp.tanh(h)


def _tc_proj_body(x_ref, wlin_ref, blin_ref, o_ref):
    o_ref[...] = (jnp.dot(x_ref[...], wlin_ref[...],
                          preferred_element_type=jnp.float32)
                  + blin_ref[...])


def _tc_layer(x, p, deg, wlT, bl, wrT):
    return pl.pallas_call(
        _tc_layer_body,
        out_shape=jax.ShapeDtypeStruct((N_NODES, D), jnp.float32),
    )(x, p, deg, wlT, bl, wrT)


def _tc_proj(x, wlinT, blin):
    return pl.pallas_call(
        _tc_proj_body,
        out_shape=jax.ShapeDtypeStruct((N_NODES, Wout), jnp.float32),
    )(x, wlinT, blin)


def kernel(x0, edge_index, W1l, b1l, W1r, W2l, b2l, W2r, W3l, b3l, W3r,
           Wlin, blin):
    pad = E_PAD - E
    src = jnp.concatenate(
        [edge_index[0].astype(jnp.int32), jnp.zeros((pad,), jnp.int32)]
    ).reshape(NW, NCHUNK, CHUNK)
    dst = jnp.concatenate(
        [edge_index[1].astype(jnp.int32),
         N_NODES + 16 + (jnp.arange(pad, dtype=jnp.int32) % 128)]
    ).reshape(NW, NCHUNK, CHUNK)
    zeros_acc = jnp.zeros((ACC_N, D), jnp.float32)
    ones_wide = jnp.ones((CHUNK, D), jnp.float32)

    degp = _sc_deg(dst, zeros_acc, ones_wide)

    def sage(x, Wl, bl, Wr):
        p = _sc_feat(x, src, dst, zeros_acc)
        return _tc_layer(x, p, degp, Wl.T, bl.reshape(1, D), Wr.T)

    x1 = sage(x0, W1l, b1l, W1r)
    x2 = sage(x1, W2l, b2l, W2r)
    x3 = sage(x2, W3l, b3l, W3r)
    return _tc_proj(x3, Wlin.T, blin.reshape(1, Wout))

# --- scband reference (transcript-rebuilt; emitter-appended) ---
"""Pipeline reference for scband-net-352187318592 (READ-ONLY COPY).

The authoritative reference and input builder live on the scoring server;
editing this copy changes nothing except your own understanding.
"""

import jax, jax.numpy as jnp
import numpy as np

N_NODES = 10000
D_IN = 128
D_HID = 128
D_OUT = 64
N_EDGES = 320000


def setup_inputs(seed: int = 0) -> dict:
    key = jax.random.key(seed)
    ks = [jax.random.fold_in(key, i) for i in range(16)]
    x0 = jax.random.normal(ks[0], (N_NODES, D_IN), dtype=jnp.float32)
    edge_index = jax.random.randint(ks[1], (2, N_EDGES), 0, N_NODES, dtype=jnp.int64)

    def glorot(k, shape):
        fan_in = shape[1]
        bound = 1.0 / np.sqrt(fan_in)
        return jax.random.uniform(k, shape, dtype=jnp.float32, minval=-bound, maxval=bound)

    # SAGEConv layers: lin_l (with bias) applied to aggregated neighbors,
    # lin_r (no bias) applied to root/self features. Weights stored torch-style [out, in].
    W1l = glorot(ks[2], (D_HID, D_IN)); b1l = glorot(ks[3], (D_HID, D_IN))[:, 0]
    W1r = glorot(ks[4], (D_HID, D_IN))
    W2l = glorot(ks[5], (D_HID, D_HID)); b2l = glorot(ks[6], (D_HID, D_HID))[:, 0]
    W2r = glorot(ks[7], (D_HID, D_HID))
    W3l = glorot(ks[8], (D_HID, D_HID)); b3l = glorot(ks[9], (D_HID, D_HID))[:, 0]
    W3r = glorot(ks[10], (D_HID, D_HID))
    Wlin = glorot(ks[11], (D_OUT, D_HID)); blin = glorot(ks[12], (D_OUT, D_HID))[:, 0]
    return {
        "x0": x0, "edge_index": edge_index,
        "W1l": W1l, "b1l": b1l, "W1r": W1r,
        "W2l": W2l, "b2l": b2l, "W2r": W2r,
        "W3l": W3l, "b3l": b3l, "W3r": W3r,
        "Wlin": Wlin, "blin": blin,
    }


def _sage_conv(x, edge_index, Wl, bl, Wr, num_nodes):
    # PyG SAGEConv with default aggr='mean':
    #   out = lin_l(mean_{j in N(i)} x_j) + lin_r(x_i)
    src = edge_index[0]
    dst = edge_index[1]
    msg = jnp.take(x, src, axis=0)  # gather source node features per edge
    agg_sum = jax.ops.segment_sum(msg, dst, num_segments=num_nodes)
    deg = jax.ops.segment_sum(jnp.ones((msg.shape[0],), dtype=x.dtype), dst,
                              num_segments=num_nodes)
    agg = agg_sum / jnp.clip(deg, 1.0, None)[:, None]
    return agg @ Wl.T + bl + x @ Wr.T


def reference(x0, edge_index, W1l, b1l, W1r, W2l, b2l, W2r, W3l, b3l, W3r, Wlin, blin):
    n = x0.shape[0]
    x1 = jnp.tanh(_sage_conv(x0, edge_index, W1l, b1l, W1r, n))
    # dropout p=0.2 is identity in eval mode
    x2 = jnp.tanh(_sage_conv(x1, edge_index, W2l, b2l, W2r, n))
    x3 = jnp.tanh(_sage_conv(x2, edge_index, W3l, b3l, W3r, n))
    x = x3 @ Wlin.T + blin
    return x

if __name__ == "__main__":
    import jax
    _d = setup_inputs()
    print(jax.jit(kernel)(*tuple(_d.values())))

</pallas_src>

<mosaic_0001>
#map = affine_map<(d0, d1) -> (0, 0)>
#map1 = affine_map<(d0, d1) -> (0, 0, 0)>
module attributes {stable_mosaic.version = 14 : i64} {
  func.func @_sc_feat_body(%arg0: i32, %arg1: i32, %arg2: memref<10000x128xf32, #tpu.memory_space<hbm>>, %arg3: memref<32x80x128xi32, #tpu.memory_space<hbm>>, %arg4: memref<32x80x128xi32, #tpu.memory_space<hbm>>, %arg5: memref<10240x128xf32, #tpu.memory_space<hbm>>, %arg6: memref<2x10240x128xf32, #tpu.memory_space<hbm>>, %arg7: memref<16x128xi32, #tpu.memory_space<vmem>>, %arg8: memref<16x128xi32, #tpu.memory_space<vmem>>, %arg9: memref<128x128xf32, #tpu.memory_space<vmem>>, %arg10: memref<128x128xf32, #tpu.memory_space<vmem>>, %arg11: memref<10240x128xf32, #tpu.memory_space<vmem_shared>>, %arg12: memref<!tpu.dma_semaphore, #tpu.memory_space<semaphore_mem>>, %arg13: memref<!tpu.dma_semaphore, #tpu.memory_space<semaphore_mem>>) attributes {dimension_semantics = [#tpu.dimension_semantics<core_parallel>, #tpu.dimension_semantics<subcore_parallel>], iteration_bounds = array<i64: 2, 16>, scalar_prefetch = 0 : i64, scratch_operands = 7 : i64, tpu.core_type = #tpu.core_type<sc_vector_subcore>, window_params = [{transform_indices = #map}, {transform_indices = #map1}, {transform_indices = #map1}, {transform_indices = #map}, {transform_indices = #map1}]} {
    %mul3A = arith.constant 2 : i32
    %mul3A_0 = arith.muli %arg1, %mul3A : i32
    %add3A = arith.addi %mul3A_0, %arg0 : i32
    %eq3A = arith.constant 0 : i32
    %eq3A_1 = arith.cmpi eq, %arg1, %eq3A : i32
    %convert_element_type3A = arith.extui %eq3A_1 : i1 to i32
    %cond3A = arith.constant 0 : i32
    %cond3A_2 = arith.cmpi ne, %convert_element_type3A, %cond3A : i32
    scf.if %cond3A_2 {
      "tpu.region"() ({
        %run_scoped3A = tpu.sem_alloc : memref<!tpu.dma_semaphore, #tpu.memory_space<semaphore_mem>>
        tpu.enqueue_dma source(%arg5 : memref<10240x128xf32, #tpu.memory_space<hbm>>) target(%arg11 : memref<10240x128xf32, #tpu.memory_space<vmem_shared>>) target_semaphore(%run_scoped3A : memref<!tpu.dma_semaphore, #tpu.memory_space<semaphore_mem>>)
        tpu.wait_dma2 semaphore(%run_scoped3A : memref<!tpu.dma_semaphore, #tpu.memory_space<semaphore_mem>>) src(%arg5 : memref<10240x128xf32, #tpu.memory_space<hbm>>) dst(%arg11 : memref<10240x128xf32, #tpu.memory_space<vmem_shared>>)
        tpu.yield
      }) : () -> ()
    } else {
    }
    %barrier3A = arith.constant 0 : index
    tpu.barrier barrier_id(%barrier3A)
    %scan3A = arith.constant 0 : i32
    %scan3A_3 = arith.constant 0 : i32
    %scan3A_4 = arith.constant 5 : i32
    %scan3A_5 = arith.addi %scan3A_3, %scan3A_4 : i32
    %scan3A_6 = arith.constant 1 : i32
    scf.for %scan3A_14 = %scan3A_3 to %scan3A_5 step %scan3A_6  : i32 {
      %mul3A_15 = arith.constant 16 : i32
      %mul3A_16 = arith.muli %scan3A_14, %mul3A_15 : i32
      "tpu.region"() ({
        %run_scoped3A = tpu.sem_alloc : memref<!tpu.dma_semaphore, #tpu.memory_space<semaphore_mem>>
        %dma_start3A_36 = arith.constant 0 : i32
        %dma_start3A_37 = arith.constant 0 : i32
        %dma_start3A_38 = tpu.memref_slice %arg3[%add3A, %dma_start3A_36, %dma_start3A_37] : memref<32x80x128xi32, #tpu.memory_space<hbm>> -> memref<1x80x128xi32, #tpu.memory_space<hbm>>
        %dma_start3A_39 = tpu.memref_squeeze %dma_start3A_38 : memref<1x80x128xi32, #tpu.memory_space<hbm>> -> memref<80x128xi32, #tpu.memory_space<hbm>>
        %dma_start3A_40 = arith.constant 0 : i32
        %dma_start3A_41 = tpu.memref_slice %dma_start3A_39[%mul3A_16, %dma_start3A_40] : memref<80x128xi32, #tpu.memory_space<hbm>> -> memref<16x128xi32, #tpu.memory_space<hbm>>
        %dma_start3A_42 = arith.constant 0 : i32
        %dma_start3A_43 = arith.constant 0 : i32
        %dma_start3A_44 = tpu.memref_slice %arg3[%add3A, %dma_start3A_42, %dma_start3A_43] : memref<32x80x128xi32, #tpu.memory_space<hbm>> -> memref<1x80x128xi32, #tpu.memory_space<hbm>>
        %dma_start3A_45 = tpu.memref_squeeze %dma_start3A_44 : memref<1x80x128xi32, #tpu.memory_space<hbm>> -> memref<80x128xi32, #tpu.memory_space<hbm>>
        %dma_start3A_46 = arith.constant 0 : i32
        %dma_start3A_47 = tpu.memref_slice %dma_start3A_45[%mul3A_16, %dma_start3A_46] : memref<80x128xi32, #tpu.memory_space<hbm>> -> memref<16x128xi32, #tpu.memory_space<hbm>>
        tpu.enqueue_dma source(%dma_start3A_47 : memref<16x128xi32, #tpu.memory_space<hbm>>) target(%arg7 : memref<16x128xi32, #tpu.memory_space<vmem>>) target_semaphore(%run_scoped3A : memref<!tpu.dma_semaphore, #tpu.memory_space<semaphore_mem>>)
        %dma_wait3A_48 = arith.constant 0 : i32
        %dma_wait3A_49 = arith.constant 0 : i32
        %dma_wait3A_50 = tpu.memref_slice %arg3[%add3A, %dma_wait3A_48, %dma_wait3A_49] : memref<32x80x128xi32, #tpu.memory_space<hbm>> -> memref<1x80x128xi32, #tpu.memory_space<hbm>>
        %dma_wait3A_51 = tpu.memref_squeeze %dma_wait3A_50 : memref<1x80x128xi32, #tpu.memory_space<hbm>> -> memref<80x128xi32, #tpu.memory_space<hbm>>
        %dma_wait3A_52 = arith.constant 0 : i32
        %dma_wait3A_53 = tpu.memref_slice %dma_wait3A_51[%mul3A_16, %dma_wait3A_52] : memref<80x128xi32, #tpu.memory_space<hbm>> -> memref<16x128xi32, #tpu.memory_space<hbm>>
        %dma_wait3A_54 = arith.constant 0 : i32
        %dma_wait3A_55 = arith.constant 0 : i32
        %dma_wait3A_56 = tpu.memref_slice %arg3[%add3A, %dma_wait3A_54, %dma_wait3A_55] : memref<32x80x128xi32, #tpu.memory_space<hbm>> -> memref<1x80x128xi32, #tpu.memory_space<hbm>>
        %dma_wait3A_57 = tpu.memref_squeeze %dma_wait3A_56 : memref<1x80x128xi32, #tpu.memory_space<hbm>> -> memref<80x128xi32, #tpu.memory_space<hbm>>
        %dma_wait3A_58 = arith.constant 0 : i32
        %dma_wait3A_59 = tpu.memref_slice %dma_wait3A_57[%mul3A_16, %dma_wait3A_58] : memref<80x128xi32, #tpu.memory_space<hbm>> -> memref<16x128xi32, #tpu.memory_space<hbm>>
        tpu.wait_dma2 semaphore(%run_scoped3A : memref<!tpu.dma_semaphore, #tpu.memory_space<semaphore_mem>>) src(%dma_wait3A_59 : memref<16x128xi32, #tpu.memory_space<hbm>>) dst(%arg7 : memref<16x128xi32, #tpu.memory_space<vmem>>)
        tpu.yield
      }) : () -> ()
      %mul3A_17 = arith.constant 16 : i32
      %mul3A_18 = arith.muli %scan3A_14, %mul3A_17 : i32
      "tpu.region"() ({
        %run_scoped3A = tpu.sem_alloc : memref<!tpu.dma_semaphore, #tpu.memory_space<semaphore_mem>>
        %dma_start3A_36 = arith.constant 0 : i32
        %dma_start3A_37 = arith.constant 0 : i32
        %dma_start3A_38 = tpu.memref_slice %arg4[%add3A, %dma_start3A_36, %dma_start3A_37] : memref<32x80x128xi32, #tpu.memory_space<hbm>> -> memref<1x80x128xi32, #tpu.memory_space<hbm>>
        %dma_start3A_39 = tpu.memref_squeeze %dma_start3A_38 : memref<1x80x128xi32, #tpu.memory_space<hbm>> -> memref<80x128xi32, #tpu.memory_space<hbm>>
        %dma_start3A_40 = arith.constant 0 : i32
        %dma_start3A_41 = tpu.memref_slice %dma_start3A_39[%mul3A_18, %dma_start3A_40] : memref<80x128xi32, #tpu.memory_space<hbm>> -> memref<16x128xi32, #tpu.memory_space<hbm>>
        %dma_start3A_42 = arith.constant 0 : i32
        %dma_start3A_43 = arith.constant 0 : i32
        %dma_start3A_44 = tpu.memref_slice %arg4[%add3A, %dma_start3A_42, %dma_start3A_43] : memref<32x80x128xi32, #tpu.memory_space<hbm>> -> memref<1x80x128xi32, #tpu.memory_space<hbm>>
        %dma_start3A_45 = tpu.memref_squeeze %dma_start3A_44 : memref<1x80x128xi32, #tpu.memory_space<hbm>> -> memref<80x128xi32, #tpu.memory_space<hbm>>
        %dma_start3A_46 = arith.constant 0 : i32
        %dma_start3A_47 = tpu.memref_slice %dma_start3A_45[%mul3A_18, %dma_start3A_46] : memref<80x128xi32, #tpu.memory_space<hbm>> -> memref<16x128xi32, #tpu.memory_space<hbm>>
        tpu.enqueue_dma source(%dma_start3A_47 : memref<16x128xi32, #tpu.memory_space<hbm>>) target(%arg8 : memref<16x128xi32, #tpu.memory_space<vmem>>) target_semaphore(%run_scoped3A : memref<!tpu.dma_semaphore, #tpu.memory_space<semaphore_mem>>)
        %dma_wait3A_48 = arith.constant 0 : i32
        %dma_wait3A_49 = arith.constant 0 : i32
        %dma_wait3A_50 = tpu.memref_slice %arg4[%add3A, %dma_wait3A_48, %dma_wait3A_49] : memref<32x80x128xi32, #tpu.memory_space<hbm>> -> memref<1x80x128xi32, #tpu.memory_space<hbm>>
        %dma_wait3A_51 = tpu.memref_squeeze %dma_wait3A_50 : memref<1x80x128xi32, #tpu.memory_space<hbm>> -> memref<80x128xi32, #tpu.memory_space<hbm>>
        %dma_wait3A_52 = arith.constant 0 : i32
        %dma_wait3A_53 = tpu.memref_slice %dma_wait3A_51[%mul3A_18, %dma_wait3A_52] : memref<80x128xi32, #tpu.memory_space<hbm>> -> memref<16x128xi32, #tpu.memory_space<hbm>>
        %dma_wait3A_54 = arith.constant 0 : i32
        %dma_wait3A_55 = arith.constant 0 : i32
        %dma_wait3A_56 = tpu.memref_slice %arg4[%add3A, %dma_wait3A_54, %dma_wait3A_55] : memref<32x80x128xi32, #tpu.memory_space<hbm>> -> memref<1x80x128xi32, #tpu.memory_space<hbm>>
        %dma_wait3A_57 = tpu.memref_squeeze %dma_wait3A_56 : memref<1x80x128xi32, #tpu.memory_space<hbm>> -> memref<80x128xi32, #tpu.memory_space<hbm>>
        %dma_wait3A_58 = arith.constant 0 : i32
        %dma_wait3A_59 = tpu.memref_slice %dma_wait3A_57[%mul3A_18, %dma_wait3A_58] : memref<80x128xi32, #tpu.memory_space<hbm>> -> memref<16x128xi32, #tpu.memory_space<hbm>>
        tpu.wait_dma2 semaphore(%run_scoped3A : memref<!tpu.dma_semaphore, #tpu.memory_space<semaphore_mem>>) src(%dma_wait3A_59 : memref<16x128xi32, #tpu.memory_space<hbm>>) dst(%arg8 : memref<16x128xi32, #tpu.memory_space<vmem>>)
        tpu.yield
      }) : () -> ()
      %dma_start3A = arith.constant 0 : i32
      %dma_start3A_19 = arith.constant 0 : i32
      %dma_start3A_20 = tpu.memref_slice %arg7[%dma_start3A, %dma_start3A_19] : memref<16x128xi32, #tpu.memory_space<vmem>> -> memref<1x128xi32, #tpu.memory_space<vmem>>
      %dma_start3A_21 = tpu.memref_squeeze %dma_start3A_20 : memref<1x128xi32, #tpu.memory_space<vmem>> -> memref<128xi32, #tpu.memory_space<vmem>>
      %dma_start3A_22 = arith.constant 0 : i32
      %dma_start3A_23 = arith.constant 0 : i32
      %dma_start3A_24 = tpu.memref_slice %arg2[%dma_start3A_22, %dma_start3A_23] : memref<10000x128xf32, #tpu.memory_space<hbm>> -> memref<10000x128xf32, #tpu.memory_space<hbm>>
      tpu.enqueue_indirect_dma source(%dma_start3A_24 : memref<10000x128xf32, #tpu.memory_space<hbm>>) target(%arg9 : memref<128x128xf32, #tpu.memory_space<vmem>>) offsets(%dma_start3A_21 : memref<128xi32, #tpu.memory_space<vmem>>) semaphore(%arg12 : memref<!tpu.dma_semaphore, #tpu.memory_space<semaphore_mem>>)
      %dma_wait3A = arith.constant 0 : i32
      %dma_wait3A_25 = arith.constant 0 : i32
      %dma_wait3A_26 = tpu.memref_slice %arg7[%dma_wait3A, %dma_wait3A_25] : memref<16x128xi32, #tpu.memory_space<vmem>> -> memref<1x128xi32, #tpu.memory_space<vmem>>
      %dma_wait3A_27 = tpu.memref_squeeze %dma_wait3A_26 : memref<1x128xi32, #tpu.memory_space<vmem>> -> memref<128xi32, #tpu.memory_space<vmem>>
      %dma_wait3A_28 = arith.constant 0 : i32
      %dma_wait3A_29 = arith.constant 0 : i32
      %dma_wait3A_30 = tpu.memref_slice %arg2[%dma_wait3A_28, %dma_wait3A_29] : memref<10000x128xf32, #tpu.memory_space<hbm>> -> memref<10000x128xf32, #tpu.memory_space<hbm>>
      tpu.wait_indirect_dma semaphore(%arg12 : memref<!tpu.dma_semaphore, #tpu.memory_space<semaphore_mem>>) src(%dma_wait3A_30 : memref<10000x128xf32, #tpu.memory_space<hbm>>) dst(%arg9 : memref<128x128xf32, #tpu.memory_space<vmem>>)
      %scan3A_31 = arith.constant 0 : i32
      %scan3A_32 = arith.constant 8 : i32
      %scan3A_33 = arith.addi %scan3A_31, %scan3A_32 : i32
      %scan3A_34 = arith.constant 1 : i32
      scf.for %scan3A_36 = %scan3A_31 to %scan3A_33 step %scan3A_34  : i32 {
        %mul3A_37 = arith.constant 2 : i32
        %mul3A_38 = arith.muli %mul3A_37, %scan3A_36 : i32
        %dma_start3A_39 = arith.constant 0 : i32
        %dma_start3A_40 = tpu.memref_slice %arg8[%mul3A_38, %dma_start3A_39] : memref<16x128xi32, #tpu.memory_space<vmem>> -> memref<1x128xi32, #tpu.memory_space<vmem>>
        %dma_start3A_41 = tpu.memref_squeeze %dma_start3A_40 : memref<1x128xi32, #tpu.memory_space<vmem>> -> memref<128xi32, #tpu.memory_space<vmem>>
        %dma_start3A_42 = arith.constant 0 : i32
        %dma_start3A_43 = arith.constant 0 : i32
        %dma_start3A_44 = tpu.memref_slice %arg11[%dma_start3A_42, %dma_start3A_43] : memref<10240x128xf32, #tpu.memory_space<vmem_shared>> -> memref<10240x128xf32, #tpu.memory_space<vmem_shared>>
        tpu.enqueue_indirect_dma source(%arg9 : memref<128x128xf32, #tpu.memory_space<vmem>>) target(%dma_start3A_44 : memref<10240x128xf32, #tpu.memory_space<vmem_shared>>) offsets(%dma_start3A_41 : memref<128xi32, #tpu.memory_space<vmem>>) semaphore(%arg13 : memref<!tpu.dma_semaphore, #tpu.memory_space<semaphore_mem>>) {add = true}
        %mul3A_45 = arith.constant 2 : i32
        %mul3A_46 = arith.muli %mul3A_45, %scan3A_36 : i32
        %add3A_47 = arith.constant 1 : i32
        %add3A_48 = arith.addi %mul3A_46, %add3A_47 : i32
        %dma_start3A_49 = arith.constant 0 : i32
        %dma_start3A_50 = tpu.memref_slice %arg7[%add3A_48, %dma_start3A_49] : memref<16x128xi32, #tpu.memory_space<vmem>> -> memref<1x128xi32, #tpu.memory_space<vmem>>
        %dma_start3A_51 = tpu.memref_squeeze %dma_start3A_50 : memref<1x128xi32, #tpu.memory_space<vmem>> -> memref<128xi32, #tpu.memory_space<vmem>>
        %dma_start3A_52 = arith.constant 0 : i32
        %dma_start3A_53 = arith.constant 0 : i32
        %dma_start3A_54 = tpu.memref_slice %arg2[%dma_start3A_52, %dma_start3A_53] : memref<10000x128xf32, #tpu.memory_space<hbm>> -> memref<10000x128xf32, #tpu.memory_space<hbm>>
        tpu.enqueue_indirect_dma source(%dma_start3A_54 : memref<10000x128xf32, #tpu.memory_space<hbm>>) target(%arg10 : memref<128x128xf32, #tpu.memory_space<vmem>>) offsets(%dma_start3A_51 : memref<128xi32, #tpu.memory_space<vmem>>) semaphore(%arg12 : memref<!tpu.dma_semaphore, #tpu.memory_space<semaphore_mem>>)
        %dma_wait3A_55 = arith.constant 0 : i32
        %dma_wait3A_56 = tpu.memref_slice %arg7[%add3A_48, %dma_wait3A_55] : memref<16x128xi32, #tpu.memory_space<vmem>> -> memref<1x128xi32, #tpu.memory_space<vmem>>
        %dma_wait3A_57 = tpu.memref_squeeze %dma_wait3A_56 : memref<1x128xi32, #tpu.memory_space<vmem>> -> memref<128xi32, #tpu.memory_space<vmem>>
        %dma_wait3A_58 = arith.constant 0 : i32
        %dma_wait3A_59 = arith.constant 0 : i32
        %dma_wait3A_60 = tpu.memref_slice %arg2[%dma_wait3A_58, %dma_wait3A_59] : memref<10000x128xf32, #tpu.memory_space<hbm>> -> memref<10000x128xf32, #tpu.memory_space<hbm>>
        tpu.wait_indirect_dma semaphore(%arg12 : memref<!tpu.dma_semaphore, #tpu.memory_space<semaphore_mem>>) src(%dma_wait3A_60 : memref<10000x128xf32, #tpu.memory_space<hbm>>) dst(%arg10 : memref<128x128xf32, #tpu.memory_space<vmem>>)
        %dma_wait3A_61 = arith.constant 0 : i32
        %dma_wait3A_62 = arith.constant 0 : i32
        %dma_wait3A_63 = tpu.memref_slice %arg5[%dma_wait3A_61, %dma_wait3A_62] : memref<10240x128xf32, #tpu.memory_space<hbm>> -> memref<128x128xf32, #tpu.memory_space<hbm>>
        %dma_wait3A_64 = arith.constant 0 : i32
        %dma_wait3A_65 = arith.constant 0 : i32
        %dma_wait3A_66 = tpu.memref_slice %arg5[%dma_wait3A_64, %dma_wait3A_65] : memref<10240x128xf32, #tpu.memory_space<hbm>> -> memref<128x128xf32, #tpu.memory_space<hbm>>
        tpu.wait_dma2 semaphore(%arg13 : memref<!tpu.dma_semaphore, #tpu.memory_space<semaphore_mem>>) src(%dma_wait3A_66 : memref<128x128xf32, #tpu.memory_space<hbm>>) dst(%arg9 : memref<128x128xf32, #tpu.memory_space<vmem>>)
        %mul3A_67 = arith.constant 2 : i32
        %mul3A_68 = arith.muli %mul3A_67, %scan3A_36 : i32
        %add3A_69 = arith.constant 1 : i32
        %add3A_70 = arith.addi %mul3A_68, %add3A_69 : i32
        %dma_start3A_71 = arith.constant 0 : i32
        %dma_start3A_72 = tpu.memref_slice %arg8[%add3A_70, %dma_start3A_71] : memref<16x128xi32, #tpu.memory_space<vmem>> -> memref<1x128xi32, #tpu.memory_space<vmem>>
        %dma_start3A_73 = tpu.memref_squeeze %dma_start3A_72 : memref<1x128xi32, #tpu.memory_space<vmem>> -> memref<128xi32, #tpu.memory_space<vmem>>
        %dma_start3A_74 = arith.constant 0 : i32
        %dma_start3A_75 = arith.constant 0 : i32
        %dma_start3A_76 = tpu.memref_slice %arg11[%dma_start3A_74, %dma_start3A_75] : memref<10240x128xf32, #tpu.memory_space<vmem_shared>> -> memref<10240x128xf32, #tpu.memory_space<vmem_shared>>
        tpu.enqueue_indirect_dma source(%arg10 : memref<128x128xf32, #tpu.memory_space<vmem>>) target(%dma_start3A_76 : memref<10240x128xf32, #tpu.memory_space<vmem_shared>>) offsets(%dma_start3A_73 : memref<128xi32, #tpu.memory_space<vmem>>) semaphore(%arg13 : memref<!tpu.dma_semaphore, #tpu.memory_space<semaphore_mem>>) {add = true}
        %lt3A = arith.constant 7 : i32
        %lt3A_77 = arith.cmpi slt, %scan3A_36, %lt3A : i32
        %convert_element_type3A_78 = arith.extui %lt3A_77 : i1 to i32
        %cond3A_79 = arith.constant 0 : i32
        %cond3A_80 = arith.cmpi ne, %convert_element_type3A_78, %cond3A_79 : i32
        scf.if %cond3A_80 {
          %mul3A_87 = arith.constant 2 : i32
          %mul3A_88 = arith.muli %mul3A_87, %scan3A_36 : i32
          %add3A_89 = arith.constant 2 : i32
          %add3A_90 = arith.addi %mul3A_88, %add3A_89 : i32
          %dma_start3A_91 = arith.constant 0 : i32
          %dma_start3A_92 = tpu.memref_slice %arg7[%add3A_90, %dma_start3A_91] : memref<16x128xi32, #tpu.memory_space<vmem>> -> memref<1x128xi32, #tpu.memory_space<vmem>>
          %dma_start3A_93 = tpu.memref_squeeze %dma_start3A_92 : memref<1x128xi32, #tpu.memory_space<vmem>> -> memref<128xi32, #tpu.memory_space<vmem>>
          %dma_start3A_94 = arith.constant 0 : i32
          %dma_start3A_95 = arith.constant 0 : i32
          %dma_start3A_96 = tpu.memref_slice %arg2[%dma_start3A_94, %dma_start3A_95] : memref<10000x128xf32, #tpu.memory_space<hbm>> -> memref<10000x128xf32, #tpu.memory_space<hbm>>
          tpu.enqueue_indirect_dma source(%dma_start3A_96 : memref<10000x128xf32, #tpu.memory_space<hbm>>) target(%arg9 : memref<128x128xf32, #tpu.memory_space<vmem>>) offsets(%dma_start3A_93 : memref<128xi32, #tpu.memory_space<vmem>>) semaphore(%arg12 : memref<!tpu.dma_semaphore, #tpu.memory_space<semaphore_mem>>)
          %dma_wait3A_97 = arith.constant 0 : i32
          %dma_wait3A_98 = tpu.memref_slice %arg7[%add3A_90, %dma_wait3A_97] : memref<16x128xi32, #tpu.memory_space<vmem>> -> memref<1x128xi32, #tpu.memory_space<vmem>>
          %dma_wait3A_99 = tpu.memref_squeeze %dma_wait3A_98 : memref<1x128xi32, #tpu.memory_space<vmem>> -> memref<128xi32, #tpu.memory_space<vmem>>
          %dma_wait3A_100 = arith.constant 0 : i32
          %dma_wait3A_101 = arith.constant 0 : i32
          %dma_wait3A_102 = tpu.memref_slice %arg2[%dma_wait3A_100, %dma_wait3A_101] : memref<10000x128xf32, #tpu.memory_space<hbm>> -> memref<10000x128xf32, #tpu.memory_space<hbm>>
          tpu.wait_indirect_dma semaphore(%arg12 : memref<!tpu.dma_semaphore, #tpu.memory_space<semaphore_mem>>) src(%dma_wait3A_102 : memref<10000x128xf32, #tpu.memory_space<hbm>>) dst(%arg9 : memref<128x128xf32, #tpu.memory_space<vmem>>)
        } else {
        }
        %dma_wait3A_81 = arith.constant 0 : i32
        %dma_wait3A_82 = arith.constant 0 : i32
        %dma_wait3A_83 = tpu.memref_slice %arg5[%dma_wait3A_81, %dma_wait3A_82] : memref<10240x128xf32, #tpu.memory_space<hbm>> -> memref<128x128xf32, #tpu.memory_space<hbm>>
        %dma_wait3A_84 = arith.constant 0 : i32
        %dma_wait3A_85 = arith.constant 0 : i32
        %dma_wait3A_86 = tpu.memref_slice %arg5[%dma_wait3A_84, %dma_wait3A_85] : memref<10240x128xf32, #tpu.memory_space<hbm>> -> memref<128x128xf32, #tpu.memory_space<hbm>>
        tpu.wait_dma2 semaphore(%arg13 : memref<!tpu.dma_semaphore, #tpu.memory_space<semaphore_mem>>) src(%dma_wait3A_86 : memref<128x128xf32, #tpu.memory_space<hbm>>) dst(%arg10 : memref<128x128xf32, #tpu.memory_space<vmem>>)
      }
      %scan3A_35 = arith.constant 8 : i32
    }
    %scan3A_7 = arith.constant 5 : i32
    %barrier3A_8 = arith.constant 0 : index
    tpu.barrier barrier_id(%barrier3A_8)
    %eq3A_9 = arith.constant 0 : i32
    %eq3A_10 = arith.cmpi eq, %arg1, %eq3A_9 : i32
    %convert_element_type3A_11 = arith.extui %eq3A_10 : i1 to i32
    %cond3A_12 = arith.constant 0 : i32
    %cond3A_13 = arith.cmpi ne, %convert_element_type3A_11, %cond3A_12 : i32
    scf.if %cond3A_13 {
      "tpu.region"() ({
        %run_scoped3A = tpu.sem_alloc : memref<!tpu.dma_semaphore, #tpu.memory_space<semaphore_mem>>
        %dma_start3A = arith.constant 0 : i32
        %dma_start3A_14 = arith.constant 0 : i32
        %dma_start3A_15 = tpu.memref_slice %arg6[%arg0, %dma_start3A, %dma_start3A_14] : memref<2x10240x128xf32, #tpu.memory_space<hbm>> -> memref<1x10240x128xf32, #tpu.memory_space<hbm>>
        %dma_start3A_16 = tpu.memref_squeeze %dma_start3A_15 : memref<1x10240x128xf32, #tpu.memory_space<hbm>> -> memref<10240x128xf32, #tpu.memory_space<hbm>>
        tpu.enqueue_dma source(%arg11 : memref<10240x128xf32, #tpu.memory_space<vmem_shared>>) target(%dma_start3A_16 : memref<10240x128xf32, #tpu.memory_space<hbm>>) target_semaphore(%run_scoped3A : memref<!tpu.dma_semaphore, #tpu.memory_space<semaphore_mem>>)
        %dma_wait3A = arith.constant 0 : i32
        %dma_wait3A_17 = arith.constant 0 : i32
        %dma_wait3A_18 = tpu.memref_slice %arg6[%arg0, %dma_wait3A, %dma_wait3A_17] : memref<2x10240x128xf32, #tpu.memory_space<hbm>> -> memref<1x10240x128xf32, #tpu.memory_space<hbm>>
        %dma_wait3A_19 = tpu.memref_squeeze %dma_wait3A_18 : memref<1x10240x128xf32, #tpu.memory_space<hbm>> -> memref<10240x128xf32, #tpu.memory_space<hbm>>
        tpu.wait_dma2 semaphore(%run_scoped3A : memref<!tpu.dma_semaphore, #tpu.memory_space<semaphore_mem>>) src(%arg11 : memref<10240x128xf32, #tpu.memory_space<vmem_shared>>) dst(%dma_wait3A_19 : memref<10240x128xf32, #tpu.memory_space<hbm>>)
        tpu.yield
      }) : () -> ()
    } else {
    }
    return
  }
}

#map = affine_map<(d0, d1) -> (0, 0)>
#map1 = affine_map<(d0, d1) -> (0, 0, 0)>
module attributes {stable_mosaic.version = 14 : i64} {
  func.func @_sc_feat_body(%arg0: i32, %arg1: i32, %arg2: memref<10000x128xf32, #tpu.memory_space<hbm>>, %arg3: memref<32x80x128xi32, #tpu.memory_space<hbm>>, %arg4: memref<32x80x128xi32, #tpu.memory_space<hbm>>, %arg5: memref<10240x128xf32, #tpu.memory_space<hbm>>, %arg6: memref<2x10240x128xf32, #tpu.memory_space<hbm>>, %arg7: memref<16x128xi32, #tpu.memory_space<vmem>>, %arg8: memref<16x128xi32, #tpu.memory_space<vmem>>, %arg9: memref<128x128xf32, #tpu.memory_space<vmem>>, %arg10: memref<128x128xf32, #tpu.memory_space<vmem>>, %arg11: memref<10240x128xf32, #tpu.memory_space<vmem_shared>>, %arg12: memref<!tpu.dma_semaphore, #tpu.memory_space<semaphore_mem>>, %arg13: memref<!tpu.dma_semaphore, #tpu.memory_space<semaphore_mem>>) attributes {dimension_semantics = [#tpu.dimension_semantics<core_parallel>, #tpu.dimension_semantics<subcore_parallel>], iteration_bounds = array<i64: 2, 16>, scalar_prefetch = 0 : i64, scratch_operands = 7 : i64, tpu.core_type = #tpu.core_type<sc_vector_subcore>, window_params = [{transform_indices = #map}, {transform_indices = #map1}, {transform_indices = #map1}, {transform_indices = #map}, {transform_indices = #map1}]} {
    %mul3A = arith.constant 2 : i32
    %mul3A_0 = arith.muli %arg1, %mul3A : i32
    %add3A = arith.addi %mul3A_0, %arg0 : i32
    %eq3A = arith.constant 0 : i32
    %eq3A_1 = arith.cmpi eq, %arg1, %eq3A : i32
    %convert_element_type3A = arith.extui %eq3A_1 : i1 to i32
    %cond3A = arith.constant 0 : i32
    %cond3A_2 = arith.cmpi ne, %convert_element_type3A, %cond3A : i32
    scf.if %cond3A_2 {
      "tpu.region"() ({
        %run_scoped3A = tpu.sem_alloc : memref<!tpu.dma_semaphore, #tpu.memory_space<semaphore_mem>>
        tpu.enqueue_dma source(%arg5 : memref<10240x128xf32, #tpu.memory_space<hbm>>) target(%arg11 : memref<10240x128xf32, #tpu.memory_space<vmem_shared>>) target_semaphore(%run_scoped3A : memref<!tpu.dma_semaphore, #tpu.memory_space<semaphore_mem>>)
        tpu.wait_dma2 semaphore(%run_scoped3A : memref<!tpu.dma_semaphore, #tpu.memory_space<semaphore_mem>>) src(%arg5 : memref<10240x128xf32, #tpu.memory_space<hbm>>) dst(%arg11 : memref<10240x128xf32, #tpu.memory_space<vmem_shared>>)
        tpu.yield
      }) : () -> ()
    } else {
    }
    %barrier3A = arith.constant 0 : index
    tpu.barrier barrier_id(%barrier3A)
    %scan3A = arith.constant 0 : i32
    %scan3A_3 = arith.constant 0 : i32
    %scan3A_4 = arith.constant 5 : i32
    %scan3A_5 = arith.addi %scan3A_3, %scan3A_4 : i32
    %scan3A_6 = arith.constant 1 : i32
    scf.for %scan3A_14 = %scan3A_3 to %scan3A_5 step %scan3A_6  : i32 {
      %mul3A_15 = arith.constant 16 : i32
      %mul3A_16 = arith.muli %scan3A_14, %mul3A_15 : i32
      "tpu.region"() ({
        %run_scoped3A = tpu.sem_alloc : memref<!tpu.dma_semaphore, #tpu.memory_space<semaphore_mem>>
        %dma_start3A_36 = arith.constant 0 : i32
        %dma_start3A_37 = arith.constant 0 : i32
        %dma_start3A_38 = tpu.memref_slice %arg3[%add3A, %dma_start3A_36, %dma_start3A_37] : memref<32x80x128xi32, #tpu.memory_space<hbm>> -> memref<1x80x128xi32, #tpu.memory_space<hbm>>
        %dma_start3A_39 = tpu.memref_squeeze %dma_start3A_38 : memref<1x80x128xi32, #tpu.memory_space<hbm>> -> memref<80x128xi32, #tpu.memory_space<hbm>>
        %dma_start3A_40 = arith.constant 0 : i32
        %dma_start3A_41 = tpu.memref_slice %dma_start3A_39[%mul3A_16, %dma_start3A_40] : memref<80x128xi32, #tpu.memory_space<hbm>> -> memref<16x128xi32, #tpu.memory_space<hbm>>
        %dma_start3A_42 = arith.constant 0 : i32
        %dma_start3A_43 = arith.constant 0 : i32
        %dma_start3A_44 = tpu.memref_slice %arg3[%add3A, %dma_start3A_42, %dma_start3A_43] : memref<32x80x128xi32, #tpu.memory_space<hbm>> -> memref<1x80x128xi32, #tpu.memory_space<hbm>>
        %dma_start3A_45 = tpu.memref_squeeze %dma_start3A_44 : memref<1x80x128xi32, #tpu.memory_space<hbm>> -> memref<80x128xi32, #tpu.memory_space<hbm>>
        %dma_start3A_46 = arith.constant 0 : i32
        %dma_start3A_47 = tpu.memref_slice %dma_start3A_45[%mul3A_16, %dma_start3A_46] : memref<80x128xi32, #tpu.memory_space<hbm>> -> memref<16x128xi32, #tpu.memory_space<hbm>>
        tpu.enqueue_dma source(%dma_start3A_47 : memref<16x128xi32, #tpu.memory_space<hbm>>) target(%arg7 : memref<16x128xi32, #tpu.memory_space<vmem>>) target_semaphore(%run_scoped3A : memref<!tpu.dma_semaphore, #tpu.memory_space<semaphore_mem>>)
        %dma_wait3A_48 = arith.constant 0 : i32
        %dma_wait3A_49 = arith.constant 0 : i32
        %dma_wait3A_50 = tpu.memref_slice %arg3[%add3A, %dma_wait3A_48, %dma_wait3A_49] : memref<32x80x128xi32, #tpu.memory_space<hbm>> -> memref<1x80x128xi32, #tpu.memory_space<hbm>>
        %dma_wait3A_51 = tpu.memref_squeeze %dma_wait3A_50 : memref<1x80x128xi32, #tpu.memory_space<hbm>> -> memref<80x128xi32, #tpu.memory_space<hbm>>
        %dma_wait3A_52 = arith.constant 0 : i32
        %dma_wait3A_53 = tpu.memref_slice %dma_wait3A_51[%mul3A_16, %dma_wait3A_52] : memref<80x128xi32, #tpu.memory_space<hbm>> -> memref<16x128xi32, #tpu.memory_space<hbm>>
        %dma_wait3A_54 = arith.constant 0 : i32
        %dma_wait3A_55 = arith.constant 0 : i32
        %dma_wait3A_56 = tpu.memref_slice %arg3[%add3A, %dma_wait3A_54, %dma_wait3A_55] : memref<32x80x128xi32, #tpu.memory_space<hbm>> -> memref<1x80x128xi32, #tpu.memory_space<hbm>>
        %dma_wait3A_57 = tpu.memref_squeeze %dma_wait3A_56 : memref<1x80x128xi32, #tpu.memory_space<hbm>> -> memref<80x128xi32, #tpu.memory_space<hbm>>
        %dma_wait3A_58 = arith.constant 0 : i32
        %dma_wait3A_59 = tpu.memref_slice %dma_wait3A_57[%mul3A_16, %dma_wait3A_58] : memref<80x128xi32, #tpu.memory_space<hbm>> -> memref<16x128xi32, #tpu.memory_space<hbm>>
        tpu.wait_dma2 semaphore(%run_scoped3A : memref<!tpu.dma_semaphore, #tpu.memory_space<semaphore_mem>>) src(%dma_wait3A_59 : memref<16x128xi32, #tpu.memory_space<hbm>>) dst(%arg7 : memref<16x128xi32, #tpu.memory_space<vmem>>)
        tpu.yield
      }) : () -> ()
      %mul3A_17 = arith.constant 16 : i32
      %mul3A_18 = arith.muli %scan3A_14, %mul3A_17 : i32
      "tpu.region"() ({
        %run_scoped3A = tpu.sem_alloc : memref<!tpu.dma_semaphore, #tpu.memory_space<semaphore_mem>>
        %dma_start3A_36 = arith.constant 0 : i32
        %dma_start3A_37 = arith.constant 0 : i32
        %dma_start3A_38 = tpu.memref_slice %arg4[%add3A, %dma_start3A_36, %dma_start3A_37] : memref<32x80x128xi32, #tpu.memory_space<hbm>> -> memref<1x80x128xi32, #tpu.memory_space<hbm>>
        %dma_start3A_39 = tpu.memref_squeeze %dma_start3A_38 : memref<1x80x128xi32, #tpu.memory_space<hbm>> -> memref<80x128xi32, #tpu.memory_space<hbm>>
        %dma_start3A_40 = arith.constant 0 : i32
        %dma_start3A_41 = tpu.memref_slice %dma_start3A_39[%mul3A_18, %dma_start3A_40] : memref<80x128xi32, #tpu.memory_space<hbm>> -> memref<16x128xi32, #tpu.memory_space<hbm>>
        %dma_start3A_42 = arith.constant 0 : i32
        %dma_start3A_43 = arith.constant 0 : i32
        %dma_start3A_44 = tpu.memref_slice %arg4[%add3A, %dma_start3A_42, %dma_start3A_43] : memref<32x80x128xi32, #tpu.memory_space<hbm>> -> memref<1x80x128xi32, #tpu.memory_space<hbm>>
        %dma_start3A_45 = tpu.memref_squeeze %dma_start3A_44 : memref<1x80x128xi32, #tpu.memory_space<hbm>> -> memref<80x128xi32, #tpu.memory_space<hbm>>
        %dma_start3A_46 = arith.constant 0 : i32
        %dma_start3A_47 = tpu.memref_slice %dma_start3A_45[%mul3A_18, %dma_start3A_46] : memref<80x128xi32, #tpu.memory_space<hbm>> -> memref<16x128xi32, #tpu.memory_space<hbm>>
        tpu.enqueue_dma source(%dma_start3A_47 : memref<16x128xi32, #tpu.memory_space<hbm>>) target(%arg8 : memref<16x128xi32, #tpu.memory_space<vmem>>) target_semaphore(%run_scoped3A : memref<!tpu.dma_semaphore, #tpu.memory_space<semaphore_mem>>)
        %dma_wait3A_48 = arith.constant 0 : i32
        %dma_wait3A_49 = arith.constant 0 : i32
        %dma_wait3A_50 = tpu.memref_slice %arg4[%add3A, %dma_wait3A_48, %dma_wait3A_49] : memref<32x80x128xi32, #tpu.memory_space<hbm>> -> memref<1x80x128xi32, #tpu.memory_space<hbm>>
        %dma_wait3A_51 = tpu.memref_squeeze %dma_wait3A_50 : memref<1x80x128xi32, #tpu.memory_space<hbm>> -> memref<80x128xi32, #tpu.memory_space<hbm>>
        %dma_wait3A_52 = arith.constant 0 : i32
        %dma_wait3A_53 = tpu.memref_slice %dma_wait3A_51[%mul3A_18, %dma_wait3A_52] : memref<80x128xi32, #tpu.memory_space<hbm>> -> memref<16x128xi32, #tpu.memory_space<hbm>>
        %dma_wait3A_54 = arith.constant 0 : i32
        %dma_wait3A_55 = arith.constant 0 : i32
        %dma_wait3A_56 = tpu.memref_slice %arg4[%add3A, %dma_wait3A_54, %dma_wait3A_55] : memref<32x80x128xi32, #tpu.memory_space<hbm>> -> memref<1x80x128xi32, #tpu.memory_space<hbm>>
        %dma_wait3A_57 = tpu.memref_squeeze %dma_wait3A_56 : memref<1x80x128xi32, #tpu.memory_space<hbm>> -> memref<80x128xi32, #tpu.memory_space<hbm>>
        %dma_wait3A_58 = arith.constant 0 : i32
        %dma_wait3A_59 = tpu.memref_slice %dma_wait3A_57[%mul3A_18, %dma_wait3A_58] : memref<80x128xi32, #tpu.memory_space<hbm>> -> memref<16x128xi32, #tpu.memory_space<hbm>>
        tpu.wait_dma2 semaphore(%run_scoped3A : memref<!tpu.dma_semaphore, #tpu.memory_space<semaphore_mem>>) src(%dma_wait3A_59 : memref<16x128xi32, #tpu.memory_space<hbm>>) dst(%arg8 : memref<16x128xi32, #tpu.memory_space<vmem>>)
        tpu.yield
      }) : () -> ()
      %dma_start3A = arith.constant 0 : i32
      %dma_start3A_19 = arith.constant 0 : i32
      %dma_start3A_20 = tpu.memref_slice %arg7[%dma_start3A, %dma_start3A_19] : memref<16x128xi32, #tpu.memory_space<vmem>> -> memref<1x128xi32, #tpu.memory_space<vmem>>
      %dma_start3A_21 = tpu.memref_squeeze %dma_start3A_20 : memref<1x128xi32, #tpu.memory_space<vmem>> -> memref<128xi32, #tpu.memory_space<vmem>>
      %dma_start3A_22 = arith.constant 0 : i32
      %dma_start3A_23 = arith.constant 0 : i32
      %dma_start3A_24 = tpu.memref_slice %arg2[%dma_start3A_22, %dma_start3A_23] : memref<10000x128xf32, #tpu.memory_space<hbm>> -> memref<10000x128xf32, #tpu.memory_space<hbm>>
      tpu.enqueue_indirect_dma source(%dma_start3A_24 : memref<10000x128xf32, #tpu.memory_space<hbm>>) target(%arg9 : memref<128x128xf32, #tpu.memory_space<vmem>>) offsets(%dma_start3A_21 : memref<128xi32, #tpu.memory_space<vmem>>) semaphore(%arg12 : memref<!tpu.dma_semaphore, #tpu.memory_space<semaphore_mem>>)
      %dma_wait3A = arith.constant 0 : i32
      %dma_wait3A_25 = arith.constant 0 : i32
      %dma_wait3A_26 = tpu.memref_slice %arg7[%dma_wait3A, %dma_wait3A_25] : memref<16x128xi32, #tpu.memory_space<vmem>> -> memref<1x128xi32, #tpu.memory_space<vmem>>
      %dma_wait3A_27 = tpu.memref_squeeze %dma_wait3A_26 : memref<1x128xi32, #tpu.memory_space<vmem>> -> memref<128xi32, #tpu.memory_space<vmem>>
      %dma_wait3A_28 = arith.constant 0 : i32
      %dma_wait3A_29 = arith.constant 0 : i32
      %dma_wait3A_30 = tpu.memref_slice %arg2[%dma_wait3A_28, %dma_wait3A_29] : memref<10000x128xf32, #tpu.memory_space<hbm>> -> memref<10000x128xf32, #tpu.memory_space<hbm>>
      tpu.wait_indirect_dma semaphore(%arg12 : memref<!tpu.dma_semaphore, #tpu.memory_space<semaphore_mem>>) src(%dma_wait3A_30 : memref<10000x128xf32, #tpu.memory_space<hbm>>) dst(%arg9 : memref<128x128xf32, #tpu.memory_space<vmem>>)
      %scan3A_31 = arith.constant 0 : i32
      %scan3A_32 = arith.constant 8 : i32
      %scan3A_33 = arith.addi %scan3A_31, %scan3A_32 : i32
      %scan3A_34 = arith.constant 1 : i32
      scf.for %scan3A_36 = %scan3A_31 to %scan3A_33 step %scan3A_34  : i32 {
        %mul3A_37 = arith.constant 2 : i32
        %mul3A_38 = arith.muli %mul3A_37, %scan3A_36 : i32
        %dma_start3A_39 = arith.constant 0 : i32
        %dma_start3A_40 = tpu.memref_slice %arg8[%mul3A_38, %dma_start3A_39] : memref<16x128xi32, #tpu.memory_space<vmem>> -> memref<1x128xi32, #tpu.memory_space<vmem>>
        %dma_start3A_41 = tpu.memref_squeeze %dma_start3A_40 : memref<1x128xi32, #tpu.memory_space<vmem>> -> memref<128xi32, #tpu.memory_space<vmem>>
        %dma_start3A_42 = arith.constant 0 : i32
        %dma_start3A_43 = arith.constant 0 : i32
        %dma_start3A_44 = tpu.memref_slice %arg11[%dma_start3A_42, %dma_start3A_43] : memref<10240x128xf32, #tpu.memory_space<vmem_shared>> -> memref<10240x128xf32, #tpu.memory_space<vmem_shared>>
        tpu.enqueue_indirect_dma source(%arg9 : memref<128x128xf32, #tpu.memory_space<vmem>>) target(%dma_start3A_44 : memref<10240x128xf32, #tpu.memory_space<vmem_shared>>) offsets(%dma_start3A_41 : memref<128xi32, #tpu.memory_space<vmem>>) semaphore(%arg13 : memref<!tpu.dma_semaphore, #tpu.memory_space<semaphore_mem>>) {add = true}
        %mul3A_45 = arith.constant 2 : i32
        %mul3A_46 = arith.muli %mul3A_45, %scan3A_36 : i32
        %add3A_47 = arith.constant 1 : i32
        %add3A_48 = arith.addi %mul3A_46, %add3A_47 : i32
        %dma_start3A_49 = arith.constant 0 : i32
        %dma_start3A_50 = tpu.memref_slice %arg7[%add3A_48, %dma_start3A_49] : memref<16x128xi32, #tpu.memory_space<vmem>> -> memref<1x128xi32, #tpu.memory_space<vmem>>
        %dma_start3A_51 = tpu.memref_squeeze %dma_start3A_50 : memref<1x128xi32, #tpu.memory_space<vmem>> -> memref<128xi32, #tpu.memory_space<vmem>>
        %dma_start3A_52 = arith.constant 0 : i32
        %dma_start3A_53 = arith.constant 0 : i32
        %dma_start3A_54 = tpu.memref_slice %arg2[%dma_start3A_52, %dma_start3A_53] : memref<10000x128xf32, #tpu.memory_space<hbm>> -> memref<10000x128xf32, #tpu.memory_space<hbm>>
        tpu.enqueue_indirect_dma source(%dma_start3A_54 : memref<10000x128xf32, #tpu.memory_space<hbm>>) target(%arg10 : memref<128x128xf32, #tpu.memory_space<vmem>>) offsets(%dma_start3A_51 : memref<128xi32, #tpu.memory_space<vmem>>) semaphore(%arg12 : memref<!tpu.dma_semaphore, #tpu.memory_space<semaphore_mem>>)
        %dma_wait3A_55 = arith.constant 0 : i32
        %dma_wait3A_56 = tpu.memref_slice %arg7[%add3A_48, %dma_wait3A_55] : memref<16x128xi32, #tpu.memory_space<vmem>> -> memref<1x128xi32, #tpu.memory_space<vmem>>
        %dma_wait3A_57 = tpu.memref_squeeze %dma_wait3A_56 : memref<1x128xi32, #tpu.memory_space<vmem>> -> memref<128xi32, #tpu.memory_space<vmem>>
        %dma_wait3A_58 = arith.constant 0 : i32
        %dma_wait3A_59 = arith.constant 0 : i32
        %dma_wait3A_60 = tpu.memref_slice %arg2[%dma_wait3A_58, %dma_wait3A_59] : memref<10000x128xf32, #tpu.memory_space<hbm>> -> memref<10000x128xf32, #tpu.memory_space<hbm>>
        tpu.wait_indirect_dma semaphore(%arg12 : memref<!tpu.dma_semaphore, #tpu.memory_space<semaphore_mem>>) src(%dma_wait3A_60 : memref<10000x128xf32, #tpu.memory_space<hbm>>) dst(%arg10 : memref<128x128xf32, #tpu.memory_space<vmem>>)
        %dma_wait3A_61 = arith.constant 0 : i32
        %dma_wait3A_62 = arith.constant 0 : i32
        %dma_wait3A_63 = tpu.memref_slice %arg5[%dma_wait3A_61, %dma_wait3A_62] : memref<10240x128xf32, #tpu.memory_space<hbm>> -> memref<128x128xf32, #tpu.memory_space<hbm>>
        %dma_wait3A_64 = arith.constant 0 : i32
        %dma_wait3A_65 = arith.constant 0 : i32
        %dma_wait3A_66 = tpu.memref_slice %arg5[%dma_wait3A_64, %dma_wait3A_65] : memref<10240x128xf32, #tpu.memory_space<hbm>> -> memref<128x128xf32, #tpu.memory_space<hbm>>
        tpu.wait_dma2 semaphore(%arg13 : memref<!tpu.dma_semaphore, #tpu.memory_space<semaphore_mem>>) src(%dma_wait3A_66 : memref<128x128xf32, #tpu.memory_space<hbm>>) dst(%arg9 : memref<128x128xf32, #tpu.memory_space<vmem>>)
        %mul3A_67 = arith.constant 2 : i32
        %mul3A_68 = arith.muli %mul3A_67, %scan3A_36 : i32
        %add3A_69 = arith.constant 1 : i32
        %add3A_70 = arith.addi %mul3A_68, %add3A_69 : i32
        %dma_start3A_71 = arith.constant 0 : i32
        %dma_start3A_72 = tpu.memref_slice %arg8[%add3A_70, %dma_start3A_71] : memref<16x128xi32, #tpu.memory_space<vmem>> -> memref<1x128xi32, #tpu.memory_space<vmem>>
        %dma_start3A_73 = tpu.memref_squeeze %dma_start3A_72 : memref<1x128xi32, #tpu.memory_space<vmem>> -> memref<128xi32, #tpu.memory_space<vmem>>
        %dma_start3A_74 = arith.constant 0 : i32
        %dma_start3A_75 = arith.constant 0 : i32
        %dma_start3A_76 = tpu.memref_slice %arg11[%dma_start3A_74, %dma_start3A_75] : memref<10240x128xf32, #tpu.memory_space<vmem_shared>> -> memref<10240x128xf32, #tpu.memory_space<vmem_shared>>
        tpu.enqueue_indirect_dma source(%arg10 : memref<128x128xf32, #tpu.memory_space<vmem>>) target(%dma_start3A_76 : memref<10240x128xf32, #tpu.memory_space<vmem_shared>>) offsets(%dma_start3A_73 : memref<128xi32, #tpu.memory_space<vmem>>) semaphore(%arg13 : memref<!tpu.dma_semaphore, #tpu.memory_space<semaphore_mem>>) {add = true}
        %lt3A = arith.constant 7 : i32
        %lt3A_77 = arith.cmpi slt, %scan3A_36, %lt3A : i32
        %convert_element_type3A_78 = arith.extui %lt3A_77 : i1 to i32
        %cond3A_79 = arith.constant 0 : i32
        %cond3A_80 = arith.cmpi ne, %convert_element_type3A_78, %cond3A_79 : i32
        scf.if %cond3A_80 {
          %mul3A_87 = arith.constant 2 : i32
          %mul3A_88 = arith.muli %mul3A_87, %scan3A_36 : i32
          %add3A_89 = arith.constant 2 : i32
          %add3A_90 = arith.addi %mul3A_88, %add3A_89 : i32
          %dma_start3A_91 = arith.constant 0 : i32
          %dma_start3A_92 = tpu.memref_slice %arg7[%add3A_90, %dma_start3A_91] : memref<16x128xi32, #tpu.memory_space<vmem>> -> memref<1x128xi32, #tpu.memory_space<vmem>>
          %dma_start3A_93 = tpu.memref_squeeze %dma_start3A_92 : memref<1x128xi32, #tpu.memory_space<vmem>> -> memref<128xi32, #tpu.memory_space<vmem>>
          %dma_start3A_94 = arith.constant 0 : i32
          %dma_start3A_95 = arith.constant 0 : i32
          %dma_start3A_96 = tpu.memref_slice %arg2[%dma_start3A_94, %dma_start3A_95] : memref<10000x128xf32, #tpu.memory_space<hbm>> -> memref<10000x128xf32, #tpu.memory_space<hbm>>
          tpu.enqueue_indirect_dma source(%dma_start3A_96 : memref<10000x128xf32, #tpu.memory_space<hbm>>) target(%arg9 : memref<128x128xf32, #tpu.memory_space<vmem>>) offsets(%dma_start3A_93 : memref<128xi32, #tpu.memory_space<vmem>>) semaphore(%arg12 : memref<!tpu.dma_semaphore, #tpu.memory_space<semaphore_mem>>)
          %dma_wait3A_97 = arith.constant 0 : i32
          %dma_wait3A_98 = tpu.memref_slice %arg7[%add3A_90, %dma_wait3A_97] : memref<16x128xi32, #tpu.memory_space<vmem>> -> memref<1x128xi32, #tpu.memory_space<vmem>>
          %dma_wait3A_99 = tpu.memref_squeeze %dma_wait3A_98 : memref<1x128xi32, #tpu.memory_space<vmem>> -> memref<128xi32, #tpu.memory_space<vmem>>
          %dma_wait3A_100 = arith.constant 0 : i32
          %dma_wait3A_101 = arith.constant 0 : i32
          %dma_wait3A_102 = tpu.memref_slice %arg2[%dma_wait3A_100, %dma_wait3A_101] : memref<10000x128xf32, #tpu.memory_space<hbm>> -> memref<10000x128xf32, #tpu.memory_space<hbm>>
          tpu.wait_indirect_dma semaphore(%arg12 : memref<!tpu.dma_semaphore, #tpu.memory_space<semaphore_mem>>) src(%dma_wait3A_102 : memref<10000x128xf32, #tpu.memory_space<hbm>>) dst(%arg9 : memref<128x128xf32, #tpu.memory_space<vmem>>)
        } else {
        }
        %dma_wait3A_81 = arith.constant 0 : i32
        %dma_wait3A_82 = arith.constant 0 : i32
        %dma_wait3A_83 = tpu.memref_slice %arg5[%dma_wait3A_81, %dma_wait3A_82] : memref<10240x128xf32, #tpu.memory_space<hbm>> -> memref<128x128xf32, #tpu.memory_space<hbm>>
        %dma_wait3A_84 = arith.constant 0 : i32
        %dma_wait3A_85 = arith.constant 0 : i32
        %dma_wait3A_86 = tpu.memref_slice %arg5[%dma_wait3A_84, %dma_wait3A_85] : memref<10240x128xf32, #tpu.memory_space<hbm>> -> memref<128x128xf32, #tpu.memory_space<hbm>>
        tpu.wait_dma2 semaphore(%arg13 : memref<!tpu.dma_semaphore, #tpu.memory_space<semaphore_mem>>) src(%dma_wait3A_86 : memref<128x128xf32, #tpu.memory_space<hbm>>) dst(%arg10 : memref<128x128xf32, #tpu.memory_space<vmem>>)
      }
      %scan3A_35 = arith.constant 8 : i32
    }
    %scan3A_7 = arith.constant 5 : i32
    %barrier3A_8 = arith.constant 0 : index
    tpu.barrier barrier_id(%barrier3A_8)
    %eq3A_9 = arith.constant 0 : i32
    %eq3A_10 = arith.cmpi eq, %arg1, %eq3A_9 : i32
    %convert_element_type3A_11 = arith.extui %eq3A_10 : i1 to i32
    %cond3A_12 = arith.constant 0 : i32
    %cond3A_13 = arith.cmpi ne, %convert_element_type3A_11, %cond3A_12 : i32
    scf.if %cond3A_13 {
      "tpu.region"() ({
        %run_scoped3A = tpu.sem_alloc : memref<!tpu.dma_semaphore, #tpu.memory_space<semaphore_mem>>
        %dma_start3A = arith.constant 0 : i32
        %dma_start3A_14 = arith.constant 0 : i32
        %dma_start3A_15 = tpu.memref_slice %arg6[%arg0, %dma_start3A, %dma_start3A_14] : memref<2x10240x128xf32, #tpu.memory_space<hbm>> -> memref<1x10240x128xf32, #tpu.memory_space<hbm>>
        %dma_start3A_16 = tpu.memref_squeeze %dma_start3A_15 : memref<1x10240x128xf32, #tpu.memory_space<hbm>> -> memref<10240x128xf32, #tpu.memory_space<hbm>>
        tpu.enqueue_dma source(%arg11 : memref<10240x128xf32, #tpu.memory_space<vmem_shared>>) target(%dma_start3A_16 : memref<10240x128xf32, #tpu.memory_space<hbm>>) target_semaphore(%run_scoped3A : memref<!tpu.dma_semaphore, #tpu.memory_space<semaphore_mem>>)
        %dma_wait3A = arith.constant 0 : i32
        %dma_wait3A_17 = arith.constant 0 : i32
        %dma_wait3A_18 = tpu.memref_slice %arg6[%arg0, %dma_wait3A, %dma_wait3A_17] : memref<2x10240x128xf32, #tpu.memory_space<hbm>> -> memref<1x10240x128xf32, #tpu.memory_space<hbm>>
        %dma_wait3A_19 = tpu.memref_squeeze %dma_wait3A_18 : memref<1x10240x128xf32, #tpu.memory_space<hbm>> -> memref<10240x128xf32, #tpu.memory_space<hbm>>
        tpu.wait_dma2 semaphore(%run_scoped3A : memref<!tpu.dma_semaphore, #tpu.memory_space<semaphore_mem>>) src(%arg11 : memref<10240x128xf32, #tpu.memory_space<vmem_shared>>) dst(%dma_wait3A_19 : memref<10240x128xf32, #tpu.memory_space<hbm>>)
        tpu.yield
      }) : () -> ()
    } else {
    }
    return
  }
}

#map = affine_map<(d0, d1) -> (0, 0)>
#map1 = affine_map<(d0, d1) -> (0, 0, 0)>
module attributes {stable_mosaic.version = 14 : i64} {
  func.func @_sc_feat_body(%arg0: i32, %arg1: i32, %arg2: memref<10000x128xf32, #tpu.memory_space<hbm>>, %arg3: memref<32x80x128xi32, #tpu.memory_space<hbm>>, %arg4: memref<32x80x128xi32, #tpu.memory_space<hbm>>, %arg5: memref<10240x128xf32, #tpu.memory_space<hbm>>, %arg6: memref<2x10240x128xf32, #tpu.memory_space<hbm>>, %arg7: memref<16x128xi32, #tpu.memory_space<vmem>>, %arg8: memref<16x128xi32, #tpu.memory_space<vmem>>, %arg9: memref<128x128xf32, #tpu.memory_space<vmem>>, %arg10: memref<128x128xf32, #tpu.memory_space<vmem>>, %arg11: memref<10240x128xf32, #tpu.memory_space<vmem_shared>>, %arg12: memref<!tpu.dma_semaphore, #tpu.memory_space<semaphore_mem>>, %arg13: memref<!tpu.dma_semaphore, #tpu.memory_space<semaphore_mem>>) attributes {dimension_semantics = [#tpu.dimension_semantics<core_parallel>, #tpu.dimension_semantics<subcore_parallel>], iteration_bounds = array<i64: 2, 16>, scalar_prefetch = 0 : i64, scratch_operands = 7 : i64, tpu.core_type = #tpu.core_type<sc_vector_subcore>, window_params = [{transform_indices = #map}, {transform_indices = #map1}, {transform_indices = #map1}, {transform_indices = #map}, {transform_indices = #map1}]} {
    %mul3A = arith.constant 2 : i32
    %mul3A_0 = arith.muli %arg1, %mul3A : i32
    %add3A = arith.addi %mul3A_0, %arg0 : i32
    %eq3A = arith.constant 0 : i32
    %eq3A_1 = arith.cmpi eq, %arg1, %eq3A : i32
    %convert_element_type3A = arith.extui %eq3A_1 : i1 to i32
    %cond3A = arith.constant 0 : i32
    %cond3A_2 = arith.cmpi ne, %convert_element_type3A, %cond3A : i32
    scf.if %cond3A_2 {
      "tpu.region"() ({
        %run_scoped3A = tpu.sem_alloc : memref<!tpu.dma_semaphore, #tpu.memory_space<semaphore_mem>>
        tpu.enqueue_dma source(%arg5 : memref<10240x128xf32, #tpu.memory_space<hbm>>) target(%arg11 : memref<10240x128xf32, #tpu.memory_space<vmem_shared>>) target_semaphore(%run_scoped3A : memref<!tpu.dma_semaphore, #tpu.memory_space<semaphore_mem>>)
        tpu.wait_dma2 semaphore(%run_scoped3A : memref<!tpu.dma_semaphore, #tpu.memory_space<semaphore_mem>>) src(%arg5 : memref<10240x128xf32, #tpu.memory_space<hbm>>) dst(%arg11 : memref<10240x128xf32, #tpu.memory_space<vmem_shared>>)
        tpu.yield
      }) : () -> ()
    } else {
    }
    %barrier3A = arith.constant 0 : index
    tpu.barrier barrier_id(%barrier3A)
    %scan3A = arith.constant 0 : i32
    %scan3A_3 = arith.constant 0 : i32
    %scan3A_4 = arith.constant 5 : i32
    %scan3A_5 = arith.addi %scan3A_3, %scan3A_4 : i32
    %scan3A_6 = arith.constant 1 : i32
    scf.for %scan3A_14 = %scan3A_3 to %scan3A_5 step %scan3A_6  : i32 {
      %mul3A_15 = arith.constant 16 : i32
      %mul3A_16 = arith.muli %scan3A_14, %mul3A_15 : i32
      "tpu.region"() ({
        %run_scoped3A = tpu.sem_alloc : memref<!tpu.dma_semaphore, #tpu.memory_space<semaphore_mem>>
        %dma_start3A_36 = arith.constant 0 : i32
        %dma_start3A_37 = arith.constant 0 : i32
        %dma_start3A_38 = tpu.memref_slice %arg3[%add3A, %dma_start3A_36, %dma_start3A_37] : memref<32x80x128xi32, #tpu.memory_space<hbm>> -> memref<1x80x128xi32, #tpu.memory_space<hbm>>
        %dma_start3A_39 = tpu.memref_squeeze %dma_start3A_38 : memref<1x80x128xi32, #tpu.memory_space<hbm>> -> memref<80x128xi32, #tpu.memory_space<hbm>>
        %dma_start3A_40 = arith.constant 0 : i32
        %dma_start3A_41 = tpu.memref_slice %dma_start3A_39[%mul3A_16, %dma_start3A_40] : memref<80x128xi32, #tpu.memory_space<hbm>> -> memref<16x128xi32, #tpu.memory_space<hbm>>
        %dma_start3A_42 = arith.constant 0 : i32
        %dma_start3A_43 = arith.constant 0 : i32
        %dma_start3A_44 = tpu.memref_slice %arg3[%add3A, %dma_start3A_42, %dma_start3A_43] : memref<32x80x128xi32, #tpu.memory_space<hbm>> -> memref<1x80x128xi32, #tpu.memory_space<hbm>>
        %dma_start3A_45 = tpu.memref_squeeze %dma_start3A_44 : memref<1x80x128xi32, #tpu.memory_space<hbm>> -> memref<80x128xi32, #tpu.memory_space<hbm>>
        %dma_start3A_46 = arith.constant 0 : i32
        %dma_start3A_47 = tpu.memref_slice %dma_start3A_45[%mul3A_16, %dma_start3A_46] : memref<80x128xi32, #tpu.memory_space<hbm>> -> memref<16x128xi32, #tpu.memory_space<hbm>>
        tpu.enqueue_dma source(%dma_start3A_47 : memref<16x128xi32, #tpu.memory_space<hbm>>) target(%arg7 : memref<16x128xi32, #tpu.memory_space<vmem>>) target_semaphore(%run_scoped3A : memref<!tpu.dma_semaphore, #tpu.memory_space<semaphore_mem>>)
        %dma_wait3A_48 = arith.constant 0 : i32
        %dma_wait3A_49 = arith.constant 0 : i32
        %dma_wait3A_50 = tpu.memref_slice %arg3[%add3A, %dma_wait3A_48, %dma_wait3A_49] : memref<32x80x128xi32, #tpu.memory_space<hbm>> -> memref<1x80x128xi32, #tpu.memory_space<hbm>>
        %dma_wait3A_51 = tpu.memref_squeeze %dma_wait3A_50 : memref<1x80x128xi32, #tpu.memory_space<hbm>> -> memref<80x128xi32, #tpu.memory_space<hbm>>
        %dma_wait3A_52 = arith.constant 0 : i32
        %dma_wait3A_53 = tpu.memref_slice %dma_wait3A_51[%mul3A_16, %dma_wait3A_52] : memref<80x128xi32, #tpu.memory_space<hbm>> -> memref<16x128xi32, #tpu.memory_space<hbm>>
        %dma_wait3A_54 = arith.constant 0 : i32
        %dma_wait3A_55 = arith.constant 0 : i32
        %dma_wait3A_56 = tpu.memref_slice %arg3[%add3A, %dma_wait3A_54, %dma_wait3A_55] : memref<32x80x128xi32, #tpu.memory_space<hbm>> -> memref<1x80x128xi32, #tpu.memory_space<hbm>>
        %dma_wait3A_57 = tpu.memref_squeeze %dma_wait3A_56 : memref<1x80x128xi32, #tpu.memory_space<hbm>> -> memref<80x128xi32, #tpu.memory_space<hbm>>
        %dma_wait3A_58 = arith.constant 0 : i32
        %dma_wait3A_59 = tpu.memref_slice %dma_wait3A_57[%mul3A_16, %dma_wait3A_58] : memref<80x128xi32, #tpu.memory_space<hbm>> -> memref<16x128xi32, #tpu.memory_space<hbm>>
        tpu.wait_dma2 semaphore(%run_scoped3A : memref<!tpu.dma_semaphore, #tpu.memory_space<semaphore_mem>>) src(%dma_wait3A_59 : memref<16x128xi32, #tpu.memory_space<hbm>>) dst(%arg7 : memref<16x128xi32, #tpu.memory_space<vmem>>)
        tpu.yield
      }) : () -> ()
      %mul3A_17 = arith.constant 16 : i32
      %mul3A_18 = arith.muli %scan3A_14, %mul3A_17 : i32
      "tpu.region"() ({
        %run_scoped3A = tpu.sem_alloc : memref<!tpu.dma_semaphore, #tpu.memory_space<semaphore_mem>>
        %dma_start3A_36 = arith.constant 0 : i32
        %dma_start3A_37 = arith.constant 0 : i32
        %dma_start3A_38 = tpu.memref_slice %arg4[%add3A, %dma_start3A_36, %dma_start3A_37] : memref<32x80x128xi32, #tpu.memory_space<hbm>> -> memref<1x80x128xi32, #tpu.memory_space<hbm>>
        %dma_start3A_39 = tpu.memref_squeeze %dma_start3A_38 : memref<1x80x128xi32, #tpu.memory_space<hbm>> -> memref<80x128xi32, #tpu.memory_space<hbm>>
        %dma_start3A_40 = arith.constant 0 : i32
        %dma_start3A_41 = tpu.memref_slice %dma_start3A_39[%mul3A_18, %dma_start3A_40] : memref<80x128xi32, #tpu.memory_space<hbm>> -> memref<16x128xi32, #tpu.memory_space<hbm>>
        %dma_start3A_42 = arith.constant 0 : i32
        %dma_start3A_43 = arith.constant 0 : i32
        %dma_start3A_44 = tpu.memref_slice %arg4[%add3A, %dma_start3A_42, %dma_start3A_43] : memref<32x80x128xi32, #tpu.memory_space<hbm>> -> memref<1x80x128xi32, #tpu.memory_space<hbm>>
        %dma_start3A_45 = tpu.memref_squeeze %dma_start3A_44 : memref<1x80x128xi32, #tpu.memory_space<hbm>> -> memref<80x128xi32, #tpu.memory_space<hbm>>
        %dma_start3A_46 = arith.constant 0 : i32
        %dma_start3A_47 = tpu.memref_slice %dma_start3A_45[%mul3A_18, %dma_start3A_46] : memref<80x128xi32, #tpu.memory_space<hbm>> -> memref<16x128xi32, #tpu.memory_space<hbm>>
        tpu.enqueue_dma source(%dma_start3A_47 : memref<16x128xi32, #tpu.memory_space<hbm>>) target(%arg8 : memref<16x128xi32, #tpu.memory_space<vmem>>) target_semaphore(%run_scoped3A : memref<!tpu.dma_semaphore, #tpu.memory_space<semaphore_mem>>)
        %dma_wait3A_48 = arith.constant 0 : i32
        %dma_wait3A_49 = arith.constant 0 : i32
        %dma_wait3A_50 = tpu.memref_slice %arg4[%add3A, %dma_wait3A_48, %dma_wait3A_49] : memref<32x80x128xi32, #tpu.memory_space<hbm>> -> memref<1x80x128xi32, #tpu.memory_space<hbm>>
        %dma_wait3A_51 = tpu.memref_squeeze %dma_wait3A_50 : memref<1x80x128xi32, #tpu.memory_space<hbm>> -> memref<80x128xi32, #tpu.memory_space<hbm>>
        %dma_wait3A_52 = arith.constant 0 : i32
        %dma_wait3A_53 = tpu.memref_slice %dma_wait3A_51[%mul3A_18, %dma_wait3A_52] : memref<80x128xi32, #tpu.memory_space<hbm>> -> memref<16x128xi32, #tpu.memory_space<hbm>>
        %dma_wait3A_54 = arith.constant 0 : i32
        %dma_wait3A_55 = arith.constant 0 : i32
        %dma_wait3A_56 = tpu.memref_slice %arg4[%add3A, %dma_wait3A_54, %dma_wait3A_55] : memref<32x80x128xi32, #tpu.memory_space<hbm>> -> memref<1x80x128xi32, #tpu.memory_space<hbm>>
        %dma_wait3A_57 = tpu.memref_squeeze %dma_wait3A_56 : memref<1x80x128xi32, #tpu.memory_space<hbm>> -> memref<80x128xi32, #tpu.memory_space<hbm>>
        %dma_wait3A_58 = arith.constant 0 : i32
        %dma_wait3A_59 = tpu.memref_slice %dma_wait3A_57[%mul3A_18, %dma_wait3A_58] : memref<80x128xi32, #tpu.memory_space<hbm>> -> memref<16x128xi32, #tpu.memory_space<hbm>>
        tpu.wait_dma2 semaphore(%run_scoped3A : memref<!tpu.dma_semaphore, #tpu.memory_space<semaphore_mem>>) src(%dma_wait3A_59 : memref<16x128xi32, #tpu.memory_space<hbm>>) dst(%arg8 : memref<16x128xi32, #tpu.memory_space<vmem>>)
        tpu.yield
      }) : () -> ()
      %dma_start3A = arith.constant 0 : i32
      %dma_start3A_19 = arith.constant 0 : i32
      %dma_start3A_20 = tpu.memref_slice %arg7[%dma_start3A, %dma_start3A_19] : memref<16x128xi32, #tpu.memory_space<vmem>> -> memref<1x128xi32, #tpu.memory_space<vmem>>
      %dma_start3A_21 = tpu.memref_squeeze %dma_start3A_20 : memref<1x128xi32, #tpu.memory_space<vmem>> -> memref<128xi32, #tpu.memory_space<vmem>>
      %dma_start3A_22 = arith.constant 0 : i32
      %dma_start3A_23 = arith.constant 0 : i32
      %dma_start3A_24 = tpu.memref_slice %arg2[%dma_start3A_22, %dma_start3A_23] : memref<10000x128xf32, #tpu.memory_space<hbm>> -> memref<10000x128xf32, #tpu.memory_space<hbm>>
      tpu.enqueue_indirect_dma source(%dma_start3A_24 : memref<10000x128xf32, #tpu.memory_space<hbm>>) target(%arg9 : memref<128x128xf32, #tpu.memory_space<vmem>>) offsets(%dma_start3A_21 : memref<128xi32, #tpu.memory_space<vmem>>) semaphore(%arg12 : memref<!tpu.dma_semaphore, #tpu.memory_space<semaphore_mem>>)
      %dma_wait3A = arith.constant 0 : i32
      %dma_wait3A_25 = arith.constant 0 : i32
      %dma_wait3A_26 = tpu.memref_slice %arg7[%dma_wait3A, %dma_wait3A_25] : memref<16x128xi32, #tpu.memory_space<vmem>> -> memref<1x128xi32, #tpu.memory_space<vmem>>
      %dma_wait3A_27 = tpu.memref_squeeze %dma_wait3A_26 : memref<1x128xi32, #tpu.memory_space<vmem>> -> memref<128xi32, #tpu.memory_space<vmem>>
      %dma_wait3A_28 = arith.constant 0 : i32
      %dma_wait3A_29 = arith.constant 0 : i32
      %dma_wait3A_30 = tpu.memref_slice %arg2[%dma_wait3A_28, %dma_wait3A_29] : memref<10000x128xf32, #tpu.memory_space<hbm>> -> memref<10000x128xf32, #tpu.memory_space<hbm>>
      tpu.wait_indirect_dma semaphore(%arg12 : memref<!tpu.dma_semaphore, #tpu.memory_space<semaphore_mem>>) src(%dma_wait3A_30 : memref<10000x128xf32, #tpu.memory_space<hbm>>) dst(%arg9 : memref<128x128xf32, #tpu.memory_space<vmem>>)
      %scan3A_31 = arith.constant 0 : i32
      %scan3A_32 = arith.constant 8 : i32
      %scan3A_33 = arith.addi %scan3A_31, %scan3A_32 : i32
      %scan3A_34 = arith.constant 1 : i32
      scf.for %scan3A_36 = %scan3A_31 to %scan3A_33 step %scan3A_34  : i32 {
        %mul3A_37 = arith.constant 2 : i32
        %mul3A_38 = arith.muli %mul3A_37, %scan3A_36 : i32
        %dma_start3A_39 = arith.constant 0 : i32
        %dma_start3A_40 = tpu.memref_slice %arg8[%mul3A_38, %dma_start3A_39] : memref<16x128xi32, #tpu.memory_space<vmem>> -> memref<1x128xi32, #tpu.memory_space<vmem>>
        %dma_start3A_41 = tpu.memref_squeeze %dma_start3A_40 : memref<1x128xi32, #tpu.memory_space<vmem>> -> memref<128xi32, #tpu.memory_space<vmem>>
        %dma_start3A_42 = arith.constant 0 : i32
        %dma_start3A_43 = arith.constant 0 : i32
        %dma_start3A_44 = tpu.memref_slice %arg11[%dma_start3A_42, %dma_start3A_43] : memref<10240x128xf32, #tpu.memory_space<vmem_shared>> -> memref<10240x128xf32, #tpu.memory_space<vmem_shared>>
        tpu.enqueue_indirect_dma source(%arg9 : memref<128x128xf32, #tpu.memory_space<vmem>>) target(%dma_start3A_44 : memref<10240x128xf32, #tpu.memory_space<vmem_shared>>) offsets(%dma_start3A_41 : memref<128xi32, #tpu.memory_space<vmem>>) semaphore(%arg13 : memref<!tpu.dma_semaphore, #tpu.memory_space<semaphore_mem>>) {add = true}
        %mul3A_45 = arith.constant 2 : i32
        %mul3A_46 = arith.muli %mul3A_45, %scan3A_36 : i32
        %add3A_47 = arith.constant 1 : i32
        %add3A_48 = arith.addi %mul3A_46, %add3A_47 : i32
        %dma_start3A_49 = arith.constant 0 : i32
        %dma_start3A_50 = tpu.memref_slice %arg7[%add3A_48, %dma_start3A_49] : memref<16x128xi32, #tpu.memory_space<vmem>> -> memref<1x128xi32, #tpu.memory_space<vmem>>
        %dma_start3A_51 = tpu.memref_squeeze %dma_start3A_50 : memref<1x128xi32, #tpu.memory_space<vmem>> -> memref<128xi32, #tpu.memory_space<vmem>>
        %dma_start3A_52 = arith.constant 0 : i32
        %dma_start3A_53 = arith.constant 0 : i32
        %dma_start3A_54 = tpu.memref_slice %arg2[%dma_start3A_52, %dma_start3A_53] : memref<10000x128xf32, #tpu.memory_space<hbm>> -> memref<10000x128xf32, #tpu.memory_space<hbm>>
        tpu.enqueue_indirect_dma source(%dma_start3A_54 : memref<10000x128xf32, #tpu.memory_space<hbm>>) target(%arg10 : memref<128x128xf32, #tpu.memory_space<vmem>>) offsets(%dma_start3A_51 : memref<128xi32, #tpu.memory_space<vmem>>) semaphore(%arg12 : memref<!tpu.dma_semaphore, #tpu.memory_space<semaphore_mem>>)
        %dma_wait3A_55 = arith.constant 0 : i32
        %dma_wait3A_56 = tpu.memref_slice %arg7[%add3A_48, %dma_wait3A_55] : memref<16x128xi32, #tpu.memory_space<vmem>> -> memref<1x128xi32, #tpu.memory_space<vmem>>
        %dma_wait3A_57 = tpu.memref_squeeze %dma_wait3A_56 : memref<1x128xi32, #tpu.memory_space<vmem>> -> memref<128xi32, #tpu.memory_space<vmem>>
        %dma_wait3A_58 = arith.constant 0 : i32
        %dma_wait3A_59 = arith.constant 0 : i32
        %dma_wait3A_60 = tpu.memref_slice %arg2[%dma_wait3A_58, %dma_wait3A_59] : memref<10000x128xf32, #tpu.memory_space<hbm>> -> memref<10000x128xf32, #tpu.memory_space<hbm>>
        tpu.wait_indirect_dma semaphore(%arg12 : memref<!tpu.dma_semaphore, #tpu.memory_space<semaphore_mem>>) src(%dma_wait3A_60 : memref<10000x128xf32, #tpu.memory_space<hbm>>) dst(%arg10 : memref<128x128xf32, #tpu.memory_space<vmem>>)
        %dma_wait3A_61 = arith.constant 0 : i32
        %dma_wait3A_62 = arith.constant 0 : i32
        %dma_wait3A_63 = tpu.memref_slice %arg5[%dma_wait3A_61, %dma_wait3A_62] : memref<10240x128xf32, #tpu.memory_space<hbm>> -> memref<128x128xf32, #tpu.memory_space<hbm>>
        %dma_wait3A_64 = arith.constant 0 : i32
        %dma_wait3A_65 = arith.constant 0 : i32
        %dma_wait3A_66 = tpu.memref_slice %arg5[%dma_wait3A_64, %dma_wait3A_65] : memref<10240x128xf32, #tpu.memory_space<hbm>> -> memref<128x128xf32, #tpu.memory_space<hbm>>
        tpu.wait_dma2 semaphore(%arg13 : memref<!tpu.dma_semaphore, #tpu.memory_space<semaphore_mem>>) src(%dma_wait3A_66 : memref<128x128xf32, #tpu.memory_space<hbm>>) dst(%arg9 : memref<128x128xf32, #tpu.memory_space<vmem>>)
        %mul3A_67 = arith.constant 2 : i32
        %mul3A_68 = arith.muli %mul3A_67, %scan3A_36 : i32
        %add3A_69 = arith.constant 1 : i32
        %add3A_70 = arith.addi %mul3A_68, %add3A_69 : i32
        %dma_start3A_71 = arith.constant 0 : i32
        %dma_start3A_72 = tpu.memref_slice %arg8[%add3A_70, %dma_start3A_71] : memref<16x128xi32, #tpu.memory_space<vmem>> -> memref<1x128xi32, #tpu.memory_space<vmem>>
        %dma_start3A_73 = tpu.memref_squeeze %dma_start3A_72 : memref<1x128xi32, #tpu.memory_space<vmem>> -> memref<128xi32, #tpu.memory_space<vmem>>
        %dma_start3A_74 = arith.constant 0 : i32
        %dma_start3A_75 = arith.constant 0 : i32
        %dma_start3A_76 = tpu.memref_slice %arg11[%dma_start3A_74, %dma_start3A_75] : memref<10240x128xf32, #tpu.memory_space<vmem_shared>> -> memref<10240x128xf32, #tpu.memory_space<vmem_shared>>
        tpu.enqueue_indirect_dma source(%arg10 : memref<128x128xf32, #tpu.memory_space<vmem>>) target(%dma_start3A_76 : memref<10240x128xf32, #tpu.memory_space<vmem_shared>>) offsets(%dma_start3A_73 : memref<128xi32, #tpu.memory_space<vmem>>) semaphore(%arg13 : memref<!tpu.dma_semaphore, #tpu.memory_space<semaphore_mem>>) {add = true}
        %lt3A = arith.constant 7 : i32
        %lt3A_77 = arith.cmpi slt, %scan3A_36, %lt3A : i32
        %convert_element_type3A_78 = arith.extui %lt3A_77 : i1 to i32
        %cond3A_79 = arith.constant 0 : i32
        %cond3A_80 = arith.cmpi ne, %convert_element_type3A_78, %cond3A_79 : i32
        scf.if %cond3A_80 {
          %mul3A_87 = arith.constant 2 : i32
          %mul3A_88 = arith.muli %mul3A_87, %scan3A_36 : i32
          %add3A_89 = arith.constant 2 : i32
          %add3A_90 = arith.addi %mul3A_88, %add3A_89 : i32
          %dma_start3A_91 = arith.constant 0 : i32
          %dma_start3A_92 = tpu.memref_slice %arg7[%add3A_90, %dma_start3A_91] : memref<16x128xi32, #tpu.memory_space<vmem>> -> memref<1x128xi32, #tpu.memory_space<vmem>>
          %dma_start3A_93 = tpu.memref_squeeze %dma_start3A_92 : memref<1x128xi32, #tpu.memory_space<vmem>> -> memref<128xi32, #tpu.memory_space<vmem>>
          %dma_start3A_94 = arith.constant 0 : i32
          %dma_start3A_95 = arith.constant 0 : i32
          %dma_start3A_96 = tpu.memref_slice %arg2[%dma_start3A_94, %dma_start3A_95] : memref<10000x128xf32, #tpu.memory_space<hbm>> -> memref<10000x128xf32, #tpu.memory_space<hbm>>
          tpu.enqueue_indirect_dma source(%dma_start3A_96 : memref<10000x128xf32, #tpu.memory_space<hbm>>) target(%arg9 : memref<128x128xf32, #tpu.memory_space<vmem>>) offsets(%dma_start3A_93 : memref<128xi32, #tpu.memory_space<vmem>>) semaphore(%arg12 : memref<!tpu.dma_semaphore, #tpu.memory_space<semaphore_mem>>)
          %dma_wait3A_97 = arith.constant 0 : i32
          %dma_wait3A_98 = tpu.memref_slice %arg7[%add3A_90, %dma_wait3A_97] : memref<16x128xi32, #tpu.memory_space<vmem>> -> memref<1x128xi32, #tpu.memory_space<vmem>>
          %dma_wait3A_99 = tpu.memref_squeeze %dma_wait3A_98 : memref<1x128xi32, #tpu.memory_space<vmem>> -> memref<128xi32, #tpu.memory_space<vmem>>
          %dma_wait3A_100 = arith.constant 0 : i32
          %dma_wait3A_101 = arith.constant 0 : i32
          %dma_wait3A_102 = tpu.memref_slice %arg2[%dma_wait3A_100, %dma_wait3A_101] : memref<10000x128xf32, #tpu.memory_space<hbm>> -> memref<10000x128xf32, #tpu.memory_space<hbm>>
          tpu.wait_indirect_dma semaphore(%arg12 : memref<!tpu.dma_semaphore, #tpu.memory_space<semaphore_mem>>) src(%dma_wait3A_102 : memref<10000x128xf32, #tpu.memory_space<hbm>>) dst(%arg9 : memref<128x128xf32, #tpu.memory_space<vmem>>)
        } else {
        }
        %dma_wait3A_81 = arith.constant 0 : i32
        %dma_wait3A_82 = arith.constant 0 : i32
        %dma_wait3A_83 = tpu.memref_slice %arg5[%dma_wait3A_81, %dma_wait3A_82] : memref<10240x128xf32, #tpu.memory_space<hbm>> -> memref<128x128xf32, #tpu.memory_space<hbm>>
        %dma_wait3A_84 = arith.constant 0 : i32
        %dma_wait3A_85 = arith.constant 0 : i32
        %dma_wait3A_86 = tpu.memref_slice %arg5[%dma_wait3A_84, %dma_wait3A_85] : memref<10240x128xf32, #tpu.memory_space<hbm>> -> memref<128x128xf32, #tpu.memory_space<hbm>>
        tpu.wait_dma2 semaphore(%arg13 : memref<!tpu.dma_semaphore, #tpu.memory_space<semaphore_mem>>) src(%dma_wait3A_86 : memref<128x128xf32, #tpu.memory_space<hbm>>) dst(%arg10 : memref<128x128xf32, #tpu.memory_space<vmem>>)
      }
      %scan3A_35 = arith.constant 8 : i32
    }
    %scan3A_7 = arith.constant 5 : i32
    %barrier3A_8 = arith.constant 0 : index
    tpu.barrier barrier_id(%barrier3A_8)
    %eq3A_9 = arith.constant 0 : i32
    %eq3A_10 = arith.cmpi eq, %arg1, %eq3A_9 : i32
    %convert_element_type3A_11 = arith.extui %eq3A_10 : i1 to i32
    %cond3A_12 = arith.constant 0 : i32
    %cond3A_13 = arith.cmpi ne, %convert_element_type3A_11, %cond3A_12 : i32
    scf.if %cond3A_13 {
      "tpu.region"() ({
        %run_scoped3A = tpu.sem_alloc : memref<!tpu.dma_semaphore, #tpu.memory_space<semaphore_mem>>
        %dma_start3A = arith.constant 0 : i32
        %dma_start3A_14 = arith.constant 0 : i32
        %dma_start3A_15 = tpu.memref_slice %arg6[%arg0, %dma_start3A, %dma_start3A_14] : memref<2x10240x128xf32, #tpu.memory_space<hbm>> -> memref<1x10240x128xf32, #tpu.memory_space<hbm>>
        %dma_start3A_16 = tpu.memref_squeeze %dma_start3A_15 : memref<1x10240x128xf32, #tpu.memory_space<hbm>> -> memref<10240x128xf32, #tpu.memory_space<hbm>>
        tpu.enqueue_dma source(%arg11 : memref<10240x128xf32, #tpu.memory_space<vmem_shared>>) target(%dma_start3A_16 : memref<10240x128xf32, #tpu.memory_space<hbm>>) target_semaphore(%run_scoped3A : memref<!tpu.dma_semaphore, #tpu.memory_space<semaphore_mem>>)
        %dma_wait3A = arith.constant 0 : i32
        %dma_wait3A_17 = arith.constant 0 : i32
        %dma_wait3A_18 = tpu.memref_slice %arg6[%arg0, %dma_wait3A, %dma_wait3A_17] : memref<2x10240x128xf32, #tpu.memory_space<hbm>> -> memref<1x10240x128xf32, #tpu.memory_space<hbm>>
        %dma_wait3A_19 = tpu.memref_squeeze %dma_wait3A_18 : memref<1x10240x128xf32, #tpu.memory_space<hbm>> -> memref<10240x128xf32, #tpu.memory_space<hbm>>
        tpu.wait_dma2 semaphore(%run_scoped3A : memref<!tpu.dma_semaphore, #tpu.memory_space<semaphore_mem>>) src(%arg11 : memref<10240x128xf32, #tpu.memory_space<vmem_shared>>) dst(%dma_wait3A_19 : memref<10240x128xf32, #tpu.memory_space<hbm>>)
        tpu.yield
      }) : () -> ()
    } else {
    }
    return
  }
}

#map = affine_map<(d0, d1) -> (0, 0, 0)>
#map1 = affine_map<(d0, d1) -> (0, 0)>
module attributes {stable_mosaic.version = 14 : i64} {
  func.func @_sc_deg_body(%arg0: i32, %arg1: i32, %arg2: memref<32x80x128xi32, #tpu.memory_space<hbm>>, %arg3: memref<10240x128xf32, #tpu.memory_space<hbm>>, %arg4: memref<128x128xf32, #tpu.memory_space<hbm>>, %arg5: memref<2x10240x128xf32, #tpu.memory_space<hbm>>, %arg6: memref<80x128xi32, #tpu.memory_space<vmem>>, %arg7: memref<128x128xf32, #tpu.memory_space<vmem>>, %arg8: memref<10240x128xf32, #tpu.memory_space<vmem_shared>>) attributes {dimension_semantics = [#tpu.dimension_semantics<core_parallel>, #tpu.dimension_semantics<subcore_parallel>], iteration_bounds = array<i64: 2, 16>, scalar_prefetch = 0 : i64, scratch_operands = 3 : i64, tpu.core_type = #tpu.core_type<sc_vector_subcore>, window_params = [{transform_indices = #map}, {transform_indices = #map1}, {transform_indices = #map1}, {transform_indices = #map}]} {
    %mul3A = arith.constant 2 : i32
    %mul3A_0 = arith.muli %arg1, %mul3A : i32
    %add3A = arith.addi %mul3A_0, %arg0 : i32
    %eq3A = arith.constant 0 : i32
    %eq3A_1 = arith.cmpi eq, %arg1, %eq3A : i32
    %convert_element_type3A = arith.extui %eq3A_1 : i1 to i32
    %cond3A = arith.constant 0 : i32
    %cond3A_2 = arith.cmpi ne, %convert_element_type3A, %cond3A : i32
    scf.if %cond3A_2 {
      "tpu.region"() ({
        %run_scoped3A = tpu.sem_alloc : memref<!tpu.dma_semaphore, #tpu.memory_space<semaphore_mem>>
        tpu.enqueue_dma source(%arg3 : memref<10240x128xf32, #tpu.memory_space<hbm>>) target(%arg8 : memref<10240x128xf32, #tpu.memory_space<vmem_shared>>) target_semaphore(%run_scoped3A : memref<!tpu.dma_semaphore, #tpu.memory_space<semaphore_mem>>)
        tpu.wait_dma2 semaphore(%run_scoped3A : memref<!tpu.dma_semaphore, #tpu.memory_space<semaphore_mem>>) src(%arg3 : memref<10240x128xf32, #tpu.memory_space<hbm>>) dst(%arg8 : memref<10240x128xf32, #tpu.memory_space<vmem_shared>>)
        tpu.yield
      }) : () -> ()
    } else {
    }
    "tpu.region"() ({
      %run_scoped3A = tpu.sem_alloc : memref<!tpu.dma_semaphore, #tpu.memory_space<semaphore_mem>>
      %dma_start3A = arith.constant 0 : i32
      %dma_start3A_14 = arith.constant 0 : i32
      %dma_start3A_15 = tpu.memref_slice %arg2[%add3A, %dma_start3A, %dma_start3A_14] : memref<32x80x128xi32, #tpu.memory_space<hbm>> -> memref<1x80x128xi32, #tpu.memory_space<hbm>>
      %dma_start3A_16 = tpu.memref_squeeze %dma_start3A_15 : memref<1x80x128xi32, #tpu.memory_space<hbm>> -> memref<80x128xi32, #tpu.memory_space<hbm>>
      %dma_start3A_17 = arith.constant 0 : i32
      %dma_start3A_18 = arith.constant 0 : i32
      %dma_start3A_19 = tpu.memref_slice %arg2[%add3A, %dma_start3A_17, %dma_start3A_18] : memref<32x80x128xi32, #tpu.memory_space<hbm>> -> memref<1x80x128xi32, #tpu.memory_space<hbm>>
      %dma_start3A_20 = tpu.memref_squeeze %dma_start3A_19 : memref<1x80x128xi32, #tpu.memory_space<hbm>> -> memref<80x128xi32, #tpu.memory_space<hbm>>
      tpu.enqueue_dma source(%dma_start3A_20 : memref<80x128xi32, #tpu.memory_space<hbm>>) target(%arg6 : memref<80x128xi32, #tpu.memory_space<vmem>>) target_semaphore(%run_scoped3A : memref<!tpu.dma_semaphore, #tpu.memory_space<semaphore_mem>>)
      %dma_wait3A = arith.constant 0 : i32
      %dma_wait3A_21 = arith.constant 0 : i32
      %dma_wait3A_22 = tpu.memref_slice %arg2[%add3A, %dma_wait3A, %dma_wait3A_21] : memref<32x80x128xi32, #tpu.memory_space<hbm>> -> memref<1x80x128xi32, #tpu.memory_space<hbm>>
      %dma_wait3A_23 = tpu.memref_squeeze %dma_wait3A_22 : memref<1x80x128xi32, #tpu.memory_space<hbm>> -> memref<80x128xi32, #tpu.memory_space<hbm>>
      %dma_wait3A_24 = arith.constant 0 : i32
      %dma_wait3A_25 = arith.constant 0 : i32
      %dma_wait3A_26 = tpu.memref_slice %arg2[%add3A, %dma_wait3A_24, %dma_wait3A_25] : memref<32x80x128xi32, #tpu.memory_space<hbm>> -> memref<1x80x128xi32, #tpu.memory_space<hbm>>
      %dma_wait3A_27 = tpu.memref_squeeze %dma_wait3A_26 : memref<1x80x128xi32, #tpu.memory_space<hbm>> -> memref<80x128xi32, #tpu.memory_space<hbm>>
      tpu.wait_dma2 semaphore(%run_scoped3A : memref<!tpu.dma_semaphore, #tpu.memory_space<semaphore_mem>>) src(%dma_wait3A_27 : memref<80x128xi32, #tpu.memory_space<hbm>>) dst(%arg6 : memref<80x128xi32, #tpu.memory_space<vmem>>)
      tpu.yield
    }) : () -> ()
    "tpu.region"() ({
      %run_scoped3A = tpu.sem_alloc : memref<!tpu.dma_semaphore, #tpu.memory_space<semaphore_mem>>
      tpu.enqueue_dma source(%arg4 : memref<128x128xf32, #tpu.memory_space<hbm>>) target(%arg7 : memref<128x128xf32, #tpu.memory_space<vmem>>) target_semaphore(%run_scoped3A : memref<!tpu.dma_semaphore, #tpu.memory_space<semaphore_mem>>)
      tpu.wait_dma2 semaphore(%run_scoped3A : memref<!tpu.dma_semaphore, #tpu.memory_space<semaphore_mem>>) src(%arg4 : memref<128x128xf32, #tpu.memory_space<hbm>>) dst(%arg7 : memref<128x128xf32, #tpu.memory_space<vmem>>)
      tpu.yield
    }) : () -> ()
    %barrier3A = arith.constant 0 : index
    tpu.barrier barrier_id(%barrier3A)
    %scan3A = arith.constant 0 : i32
    %scan3A_3 = arith.constant 0 : i32
    %scan3A_4 = arith.constant 80 : i32
    %scan3A_5 = arith.addi %scan3A_3, %scan3A_4 : i32
    %scan3A_6 = arith.constant 1 : i32
    scf.for %scan3A_14 = %scan3A_3 to %scan3A_5 step %scan3A_6  : i32 {
      "tpu.region"() ({
        %run_scoped3A = tpu.sem_alloc : memref<!tpu.dma_semaphore, #tpu.memory_space<semaphore_mem>>
        %dma_start3A = arith.constant 0 : i32
        %dma_start3A_15 = tpu.memref_slice %arg6[%scan3A_14, %dma_start3A] : memref<80x128xi32, #tpu.memory_space<vmem>> -> memref<1x128xi32, #tpu.memory_space<vmem>>
        %dma_start3A_16 = tpu.memref_squeeze %dma_start3A_15 : memref<1x128xi32, #tpu.memory_space<vmem>> -> memref<128xi32, #tpu.memory_space<vmem>>
        %dma_start3A_17 = arith.constant 0 : i32
        %dma_start3A_18 = arith.constant 0 : i32
        %dma_start3A_19 = tpu.memref_slice %arg8[%dma_start3A_17, %dma_start3A_18] : memref<10240x128xf32, #tpu.memory_space<vmem_shared>> -> memref<10240x128xf32, #tpu.memory_space<vmem_shared>>
        tpu.enqueue_indirect_dma source(%arg7 : memref<128x128xf32, #tpu.memory_space<vmem>>) target(%dma_start3A_19 : memref<10240x128xf32, #tpu.memory_space<vmem_shared>>) offsets(%dma_start3A_16 : memref<128xi32, #tpu.memory_space<vmem>>) semaphore(%run_scoped3A : memref<!tpu.dma_semaphore, #tpu.memory_space<semaphore_mem>>) {add = true}
        %dma_wait3A = arith.constant 0 : i32
        %dma_wait3A_20 = tpu.memref_slice %arg6[%scan3A_14, %dma_wait3A] : memref<80x128xi32, #tpu.memory_space<vmem>> -> memref<1x128xi32, #tpu.memory_space<vmem>>
        %dma_wait3A_21 = tpu.memref_squeeze %dma_wait3A_20 : memref<1x128xi32, #tpu.memory_space<vmem>> -> memref<128xi32, #tpu.memory_space<vmem>>
        %dma_wait3A_22 = arith.constant 0 : i32
        %dma_wait3A_23 = arith.constant 0 : i32
        %dma_wait3A_24 = tpu.memref_slice %arg8[%dma_wait3A_22, %dma_wait3A_23] : memref<10240x128xf32, #tpu.memory_space<vmem_shared>> -> memref<10240x128xf32, #tpu.memory_space<vmem_shared>>
        tpu.wait_indirect_dma semaphore(%run_scoped3A : memref<!tpu.dma_semaphore, #tpu.memory_space<semaphore_mem>>) src(%arg7 : memref<128x128xf32, #tpu.memory_space<vmem>>) dst(%dma_wait3A_24 : memref<10240x128xf32, #tpu.memory_space<vmem_shared>>)
        tpu.yield
      }) : () -> ()
    }
    %scan3A_7 = arith.constant 80 : i32
    %barrier3A_8 = arith.constant 0 : index
    tpu.barrier barrier_id(%barrier3A_8)
    %eq3A_9 = arith.constant 0 : i32
    %eq3A_10 = arith.cmpi eq, %arg1, %eq3A_9 : i32
    %convert_element_type3A_11 = arith.extui %eq3A_10 : i1 to i32
    %cond3A_12 = arith.constant 0 : i32
    %cond3A_13 = arith.cmpi ne, %convert_element_type3A_11, %cond3A_12 : i32
    scf.if %cond3A_13 {
      "tpu.region"() ({
        %run_scoped3A = tpu.sem_alloc : memref<!tpu.dma_semaphore, #tpu.memory_space<semaphore_mem>>
        %dma_start3A = arith.constant 0 : i32
        %dma_start3A_14 = arith.constant 0 : i32
        %dma_start3A_15 = tpu.memref_slice %arg5[%arg0, %dma_start3A, %dma_start3A_14] : memref<2x10240x128xf32, #tpu.memory_space<hbm>> -> memref<1x10240x128xf32, #tpu.memory_space<hbm>>
        %dma_start3A_16 = tpu.memref_squeeze %dma_start3A_15 : memref<1x10240x128xf32, #tpu.memory_space<hbm>> -> memref<10240x128xf32, #tpu.memory_space<hbm>>
        tpu.enqueue_dma source(%arg8 : memref<10240x128xf32, #tpu.memory_space<vmem_shared>>) target(%dma_start3A_16 : memref<10240x128xf32, #tpu.memory_space<hbm>>) target_semaphore(%run_scoped3A : memref<!tpu.dma_semaphore, #tpu.memory_space<semaphore_mem>>)
        %dma_wait3A = arith.constant 0 : i32
        %dma_wait3A_17 = arith.constant 0 : i32
        %dma_wait3A_18 = tpu.memref_slice %arg5[%arg0, %dma_wait3A, %dma_wait3A_17] : memref<2x10240x128xf32, #tpu.memory_space<hbm>> -> memref<1x10240x128xf32, #tpu.memory_space<hbm>>
        %dma_wait3A_19 = tpu.memref_squeeze %dma_wait3A_18 : memref<1x10240x128xf32, #tpu.memory_space<hbm>> -> memref<10240x128xf32, #tpu.memory_space<hbm>>
        tpu.wait_dma2 semaphore(%run_scoped3A : memref<!tpu.dma_semaphore, #tpu.memory_space<semaphore_mem>>) src(%arg8 : memref<10240x128xf32, #tpu.memory_space<vmem_shared>>) dst(%dma_wait3A_19 : memref<10240x128xf32, #tpu.memory_space<hbm>>)
        tpu.yield
      }) : () -> ()
    } else {
    }
    return
  }
}

module attributes {stable_mosaic.version = 14 : i64} {
  func.func @_tc_proj_body(%arg0: memref<10000x128xf32, #tpu.memory_space<vmem>>, %arg1: memref<128x64xf32, #tpu.memory_space<vmem>>, %arg2: memref<1x64xf32, #tpu.memory_space<vmem>>, %arg3: memref<10000x64xf32, #tpu.memory_space<vmem>>) attributes {dimension_semantics = [], scalar_prefetch = 0 : i64, scratch_operands = 0 : i64, tpu.core_type = #tpu.core_type<tc>} {
    %get3A = arith.constant 0 : index
    %get3A_0 = arith.constant 0 : index
    %get3A_1 = vector.load %arg0[%get3A, %get3A_0] : memref<10000x128xf32, #tpu.memory_space<vmem>>, vector<10000x128xf32>
    %get3A_2 = arith.constant 0 : index
    %get3A_3 = arith.constant 0 : index
    %get3A_4 = vector.load %arg1[%get3A_2, %get3A_3] : memref<128x64xf32, #tpu.memory_space<vmem>>, vector<128x64xf32>
    %dot_general3A = arith.constant dense<0.000000e+00> : vector<10000x64xf32>
    %dot_general3A_5 = tpu.matmul %get3A_1, %get3A_4, %dot_general3A {dimension_numbers = #tpu.dot_dimension_numbers<[1], [0], [0], [1], [0, 0, 1, 1], [], []>, transpose_lhs_hint = false} : vector<10000x128xf32>, vector<128x64xf32>, vector<10000x64xf32> -> vector<10000x64xf32>
    %get3A_6 = arith.constant 0 : index
    %get3A_7 = arith.constant 0 : index
    %get3A_8 = vector.load %arg2[%get3A_6, %get3A_7] : memref<1x64xf32, #tpu.memory_space<vmem>>, vector<1x64xf32>
    %add3A = vector.broadcast %get3A_8 : vector<1x64xf32> to vector<10000x64xf32>
    %add3A_9 = arith.addf %dot_general3A_5, %add3A : vector<10000x64xf32>
    %swap3A = arith.constant 0 : index
    %swap3A_10 = arith.constant 0 : index
    %swap3A_11 = vector.load %arg3[%swap3A, %swap3A_10] : memref<10000x64xf32, #tpu.memory_space<vmem>>, vector<10000x64xf32>
    tpu.vector_store %arg3[%swap3A, %swap3A_10], %add3A_9 {strides = array<i32>} : memref<10000x64xf32, #tpu.memory_space<vmem>>, vector<10000x64xf32>,
    return
  }
}

module attributes {stable_mosaic.version = 14 : i64} {
  func.func @_tc_layer_body(%arg0: memref<10000x128xf32, #tpu.memory_space<vmem>>, %arg1: memref<2x10240x128xf32, #tpu.memory_space<vmem>>, %arg2: memref<2x10240x128xf32, #tpu.memory_space<vmem>>, %arg3: memref<128x128xf32, #tpu.memory_space<vmem>>, %arg4: memref<1x128xf32, #tpu.memory_space<vmem>>, %arg5: memref<128x128xf32, #tpu.memory_space<vmem>>, %arg6: memref<10000x128xf32, #tpu.memory_space<vmem>>) attributes {dimension_semantics = [], scalar_prefetch = 0 : i64, scratch_operands = 0 : i64, tpu.core_type = #tpu.core_type<tc>} {
    %get3A = arith.constant 0 : index
    %get3A_0 = arith.constant 0 : index
    %get3A_1 = arith.constant 0 : index
    %get3A_2 = vector.load %arg1[%get3A, %get3A_0, %get3A_1] : memref<2x10240x128xf32, #tpu.memory_space<vmem>>, vector<1x10000x128xf32>
    %get3A_3 = vector.shape_cast %get3A_2 : vector<1x10000x128xf32> to vector<10000x128xf32>
    %get3A_4 = arith.constant 1 : index
    %get3A_5 = arith.constant 0 : index
    %get3A_6 = arith.constant 0 : index
    %get3A_7 = vector.load %arg1[%get3A_4, %get3A_5, %get3A_6] : memref<2x10240x128xf32, #tpu.memory_space<vmem>>, vector<1x10000x128xf32>
    %get3A_8 = vector.shape_cast %get3A_7 : vector<1x10000x128xf32> to vector<10000x128xf32>
    %add3A = arith.addf %get3A_3, %get3A_8 : vector<10000x128xf32>
    %get3A_9 = arith.constant 0 : index
    %get3A_10 = arith.constant 0 : index
    %get3A_11 = arith.constant 0 : index
    %get3A_12 = vector.load %arg2[%get3A_9, %get3A_10, %get3A_11] : memref<2x10240x128xf32, #tpu.memory_space<vmem>>, vector<1x10000x1xf32>
    %get3A_13 = vector.shape_cast %get3A_12 : vector<1x10000x1xf32> to vector<10000x1xf32>
    %get3A_14 = arith.constant 1 : index
    %get3A_15 = arith.constant 0 : index
    %get3A_16 = arith.constant 0 : index
    %get3A_17 = vector.load %arg2[%get3A_14, %get3A_15, %get3A_16] : memref<2x10240x128xf32, #tpu.memory_space<vmem>>, vector<1x10000x1xf32>
    %get3A_18 = vector.shape_cast %get3A_17 : vector<1x10000x1xf32> to vector<10000x1xf32>
    %add3A_19 = arith.addf %get3A_13, %get3A_18 : vector<10000x1xf32>
    %max3A = arith.constant 1.000000e+00 : f32
    %max3A_20 = vector.broadcast %max3A : f32 to vector<10000x1xf32>
    %max3A_21 = arith.maximumf %add3A_19, %max3A_20 : vector<10000x1xf32>
    %div3A = arith.constant 1.000000e+00 : f32
    %div3A_22 = vector.broadcast %div3A : f32 to vector<10000x1xf32>
    %div3A_23 = arith.divf %div3A_22, %max3A_21 : vector<10000x1xf32>
    %mul3A = vector.broadcast %div3A_23 : vector<10000x1xf32> to vector<10000x128xf32>
    %mul3A_24 = arith.mulf %add3A, %mul3A : vector<10000x128xf32>
    %get3A_25 = arith.constant 0 : index
    %get3A_26 = arith.constant 0 : index
    %get3A_27 = vector.load %arg3[%get3A_25, %get3A_26] : memref<128x128xf32, #tpu.memory_space<vmem>>, vector<128x128xf32>
    %dot_general3A = arith.constant dense<0.000000e+00> : vector<10000x128xf32>
    %dot_general3A_28 = tpu.matmul %mul3A_24, %get3A_27, %dot_general3A {dimension_numbers = #tpu.dot_dimension_numbers<[1], [0], [0], [1], [0, 0, 1, 1], [], []>, transpose_lhs_hint = false} : vector<10000x128xf32>, vector<128x128xf32>, vector<10000x128xf32> -> vector<10000x128xf32>
    %get3A_29 = arith.constant 0 : index
    %get3A_30 = arith.constant 0 : index
    %get3A_31 = vector.load %arg4[%get3A_29, %get3A_30] : memref<1x128xf32, #tpu.memory_space<vmem>>, vector<1x128xf32>
    %add3A_32 = vector.broadcast %get3A_31 : vector<1x128xf32> to vector<10000x128xf32>
    %add3A_33 = arith.addf %dot_general3A_28, %add3A_32 : vector<10000x128xf32>
    %get3A_34 = arith.constant 0 : index
    %get3A_35 = arith.constant 0 : index
    %get3A_36 = vector.load %arg0[%get3A_34, %get3A_35] : memref<10000x128xf32, #tpu.memory_space<vmem>>, vector<10000x128xf32>
    %get3A_37 = arith.constant 0 : index
    %get3A_38 = arith.constant 0 : index
    %get3A_39 = vector.load %arg5[%get3A_37, %get3A_38] : memref<128x128xf32, #tpu.memory_space<vmem>>, vector<128x128xf32>
    %dot_general3A_40 = arith.constant dense<0.000000e+00> : vector<10000x128xf32>
    %dot_general3A_41 = tpu.matmul %get3A_36, %get3A_39, %dot_general3A_40 {dimension_numbers = #tpu.dot_dimension_numbers<[1], [0], [0], [1], [0, 0, 1, 1], [], []>, transpose_lhs_hint = false} : vector<10000x128xf32>, vector<128x128xf32>, vector<10000x128xf32> -> vector<10000x128xf32>
    %add3A_42 = arith.addf %add3A_33, %dot_general3A_41 : vector<10000x128xf32>
    %tanh3A = math.tanh %add3A_42 : vector<10000x128xf32>
    %swap3A = arith.constant 0 : index
    %swap3A_43 = arith.constant 0 : index
    %swap3A_44 = vector.load %arg6[%swap3A, %swap3A_43] : memref<10000x128xf32, #tpu.memory_space<vmem>>, vector<10000x128xf32>
    tpu.vector_store %arg6[%swap3A, %swap3A_43], %tanh3A {strides = array<i32>} : memref<10000x128xf32, #tpu.memory_space<vmem>>, vector<10000x128xf32>,
    return
  }
}

</mosaic_0001>

<sc_bundles>
// kernel: kernel.10.cloned.1.call-start
scs
__scs_entry_jumppad:
0x0: {  	(pc) =	sbr.rel $0x88, $3  }
0x1: {  	(tag) =	ssettag $0x0;
	lr =	simm.s32 $0x1  }
0x2: {  	[smem:$0x3F94] =	sst lr;
	_ =	strace $0xD0000000  }
0x3: {  	_ = 	snop  }
0x4: {  	_ = 	snop  }
0x5: {  	_ = 	snop  }
0x6: {  	_ = 	snop  }
0x7: {  	_ = 	snop  }
__scs_overlays_trampoline_lowered:
0x8: {  	[smem:$0x3FA3] =	sst s0  }
0x9: {  	[smem:$0x3FA4] =	sst s1  }
0xa: {  	[smem:$0x3FA5] =	sst s2  }
0xb: {  	[smem:$0x3FA6] =	sst s3  }
0xc: {  	[smem:$0x3FA7] =	sst s4  }
0xd: {  	[smem:$0x3FA8] =	sst s5  }
0xe: {  	[smem:$0x3FA9] =	sst s6  }
0xf: {  	[smem:$0x3FAA] =	sst s7  }
0x10: {  	[smem:$0x3FAB] =	sst s8  }
0x11: {  	[smem:$0x3FAC] =	sst s9;
	s0 =	simm.s32 @!p0 $0x0  }
0x12: {  	s1 =	sld [smem:$0x3F92];
	s0 =	simm.s32 @p0 $0x1  }
0x13: {  	[smem:$0x3FAD] =	sst s0;
	s0 =	simm.s32 @!p1 $0x0  }
0x14: {  	s2 =	sld [smem:$0x3F91];
	s0 =	simm.s32 @p1 $0x1  }
0x15: {  	[smem:$0x3FAE] =	sst s0;
	s0 =	simm.s32 @!p2 $0x0  }
0x16: {  	s3 =	sld [smem:$0x3FDB];
	s0 =	simm.s32 @p2 $0x1  }
0x17: {  	s4 =	simm.s32 $0x1BF5;
	[smem:$0x3FB0] =	sst s0  }
0x18: {  	s0 =	sld [smem:$0x3F93];
	_ =	swait.ge [sflag:s4], $0x0  }
0x19: {  	s7 =	sld [smem:$0x3F94]  }
0x1a: {  	s8 =	sadd.s32 $0xFFFFE003, lr  }
0x1b: {  	s9 =	sadd.s32 $0xFFFFFEF7, lr;
	s5 =	simm.s32 $0xFFFFFFFF;
	p2 =	slt.u32 s8, $0xFFFFF086  }
0x1c: {  	p1 =	slt.u32 s9, $0xF7A;
	s5 =	simm.s32 @!p2 $0x0  }
0x1d: {  	s5 =	simm.s32 @p1 $0x1;
	p0 =	seq.s32 s7, s2  }
0x1e: {  	s7 =	smul.u32 @!p0 $0xF7A, s2;
	p2 =	seq.s32 @!p0 s5, $0x0  }
0x1f: {  	s9 =	smul.u32 $0xF7A, s1;
	s8 =	simm.s32 @!p0 $0x1BF5;
	p2 =	por !p2, p0  }
0x20: {  	[sflag:s8] =	ssyncset.s32 @!p0 $0xFFFFF086;
	s6 =	sadd.s32 @!p0 s3, s7;
	s7 =	simm.s32 @!p0 $0x108  }
0x21: {  	s3 =	sadd.s32 s3, s9;
	s6 =	sadd.s32 @!p0 $0x88, s6;
	s7 =	simm.s32 @p2 $0x1082  }
0x22: {  	[simem:s7], [sflag:s8] =	dma.local @!p0 [hbm:s6], $0xF7A  }
0x23: {  	s9 =	sor.u32 $0xD0000000, s2;
	s6 =	simm.s32 $0x108;
	_ =	swait.ge @!p0 [sflag:s8], $0x0  }
0x24: {  	s3 =	sadd.s32 $0x88, s3;
	s6 =	simm.s32 @!p1 $0x1082;
	[sflag:s4] =	ssyncset.s32 $0xFFFFF086  }
0x25: {  	[simem:s6], [sflag:s4] =	dma.local [hbm:s3], $0xF7A  }
0x26: {  	[smem:$0x3F94] =	sst s1;
	(tag) =	ssettag s2;
	_ =	strace s9  }
0x27: {  	s1 =	sld [smem:$0x3FA4]  }
0x28: {  	s2 =	sld [smem:$0x3FA5]  }
0x29: {  	s4 =	sld [smem:$0x3FA7]  }
0x2a: {  	p0 =	seq.s32 s5, $0x0;
	s5 =	sld [smem:$0x3FA8]  }
0x2b: {  	s6 =	sld [smem:$0x3FA9]  }
0x2c: {  	s7 =	sld [smem:$0x3FAA]  }
0x2d: {  	s3 =	simm.s32 $0x108;
	s8 =	sld [smem:$0x3FAB]  }
0x2e: {  	s3 =	simm.s32 @!p0 $0x1082;
	s9 =	sld [smem:$0x3FAC]  }
0x2f: {  	lr =	sadd.s32 s0, s3;
	s0 =	sld [smem:$0x3FA3]  }
0x30: {  	s3 =	sld [smem:$0x3FA6]  }
0x31: {  	[smem:$0x3FAF] =	sst s10  }
0x32: {  	s10 =	sld [smem:$0x3FAD];
	_ =	sdelay $0x3  }
0x33: {  	p0 =	seq.s32 s10, $0x1;
	s10 =	sld [smem:$0x3FAF];
	_ =	sdelay $0x3  }
0x34: {  	[smem:$0x3FAF] =	sst s10  }
0x35: {  	s10 =	sld [smem:$0x3FAE];
	_ =	sdelay $0x3  }
0x36: {  	p1 =	seq.s32 s10, $0x1;
	s10 =	sld [smem:$0x3FAF];
	_ =	sdelay $0x3  }
0x37: {  	[smem:$0x3FAF] =	sst s10  }
0x38: {  	s10 =	sld [smem:$0x3FB0]  }
0x39: {  	_ = 	snop;
	(pc) =	sbr.ind lr, $3  }
0x3a: {  	_ = 	snop  }
0x3b: {  	_ = 	snop  }
0x3c: {  	p2 =	seq.s32 s10, $0x1;
	s10 =	sld [smem:$0x3FAF]  }
0x3d: {  	_ =	shalt  }
0x3e: {  	_ =	shalt  }
0x3f: {  	_ =	shalt  }
0x40: {  	_ =	shalt  }
0x41: {  	_ =	shalt  }
0x42: {  	_ =	shalt  }
0x43: {  	_ =	shalt  }
0x44: {  	_ =	shalt  }
0x45: {  	_ =	shalt  }
0x46: {  	_ =	shalt  }
0x47: {  	_ =	shalt  }
0x48: {  	_ =	shalt  }
0x49: {  	_ =	shalt  }
0x4a: {  	_ =	shalt  }
0x4b: {  	_ =	shalt  }
0x4c: {  	_ =	shalt  }
0x4d: {  	_ =	shalt  }
0x4e: {  	_ =	shalt  }
0x4f: {  	_ =	shalt  }
0x50: {  	_ =	shalt  }
0x51: {  	_ =	shalt  }
0x52: {  	_ =	shalt  }
0x53: {  	_ =	shalt  }
0x54: {  	_ =	shalt  }
0x55: {  	_ =	shalt  }
0x56: {  	_ =	shalt  }
0x57: {  	_ =	shalt  }
0x58: {  	_ =	shalt  }
0x59: {  	_ =	shalt  }
0x5a: {  	_ =	shalt  }
0x5b: {  	_ =	shalt  }
0x5c: {  	_ =	shalt  }
0x5d: {  	_ =	shalt  }
0x5e: {  	_ =	shalt  }
0x5f: {  	_ =	shalt  }
0x60: {  	_ =	shalt  }
0x61: {  	_ =	shalt  }
0x62: {  	_ =	shalt  }
0x63: {  	_ =	shalt  }
0x64: {  	_ =	shalt  }
0x65: {  	_ =	shalt  }
0x66: {  	_ =	shalt  }
0x67: {  	_ =	shalt  }
0x68: {  	_ =	shalt  }
0x69: {  	_ =	shalt  }
0x6a: {  	_ =	shalt  }
0x6b: {  	_ =	shalt  }
0x6c: {  	_ =	shalt  }
0x6d: {  	_ =	shalt  }
0x6e: {  	_ =	shalt  }
0x6f: {  	_ =	shalt  }
0x70: {  	_ =	shalt  }
0x71: {  	_ =	shalt  }
0x72: {  	_ =	shalt  }
0x73: {  	_ =	shalt  }
0x74: {  	_ =	shalt  }
0x75: {  	_ =	shalt  }
0x76: {  	_ =	shalt  }
0x77: {  	_ =	shalt  }
0x78: {  	_ =	shalt  }
0x79: {  	_ =	shalt  }
0x7a: {  	_ =	shalt  }
0x7b: {  	_ =	shalt  }
0x7c: {  	_ =	shalt  }
0x7d: {  	_ =	shalt  }
0x7e: {  	_ =	shalt  }
0x7f: {  	_ =	shalt  }
0x80: {  	_ =	shalt  }
0x81: {  	_ =	shalt  }
0x82: {  	_ =	shalt  }
0x83: {  	_ =	shalt  }
0x84: {  	_ =	shalt  }
0x85: {  	_ =	shalt  }
0x86: {  	_ =	shalt  }
0x87: {  	_ =	shalt  }
.Lfunc_end0:
.L_simem_size_0:
called_computation_lowered:
.L_overlay_start_0:
0x88: {  	s2 =	sld [smem:$0x3FD9]  }
0x89: {  	s3 =	sld [smem:$0x3FFE];
	_ =	sdelay $0x1  }
0x8a: {  	s1 =	srdreg.scid  }
0x8b: {  	s0 =	sand.u32 $0x1, s1  }
0x8c: {  	s17 =	sshll.u32 s0, $0xA;
	s2 =	sadd.s32 s3, s2  }
0x8d: {  	s2 =	sadd.s32 s2, s17  }
0x8e: {  	[smem:$0x3FBB] =	sst s2  }
0x8f: {  	_ = 	snop  }
0x90: {  	(tm) =	ssettm $0x1  }
0x91: {  	s18 =	sld [smem:$0x3FFB];
	_ =	sdelay $0x3  }
0x92: {  	_ =	strace s18  }
0x93: {  	s2 =	sld [smem:$0x3FFC];
	_ =	sdelay $0x3  }
0x94: {  	_ =	strace s2  }
0x95: {  	s2 =	sld [smem:$0x3FFD];
	_ =	sdelay $0x3  }
0x96: {  	_ =	strace s2  }
0x97: {  	_ =	strace $0x8FFFFFFF  }
0x98: {  	s19 =	sld [smem:$0x3FDB];
	_ =	sdelay $0x1  }
0x99: {  	s20 =	simm.s32 $_scs_section_size  }
0x9a: {  	s4 =	simm.s32 $_size__tile_overlayer_lowered;
	s5 =	simm.s32 $_tile_overlayer_lowered  }
0x9b: {  	s6 =	simm.s32 $0x1BFF;
	s21 =	sshll.u32 s5, $0x1;
	s3 =	sadd.s32 s20, s19  }
0x9c: {  	s22 =	simm.s32 $0x0;
	s4 =	sshll.u32 s4, $0x1;
	s5 =	sadd.s32 s21, s3  }
0x9d: {  	[timem:s22], [sflag:s6] =	dma.local [hbm:s5], s4  }
0x9e: {  	_ =	swait.ge [sflag:s6], s4  }
0x9f: {  	s4 =	ssub.s32 $0x0, s4;
	[sflag:s6] =	ssyncset.done $0x0  }
0xa0: {  	[sflag:s6] =	ssyncadd.s32 s4;
	_ =	sdelay $0x1  }
0xa1: {  	s23 =	simm.s32 $0x1B8B  }
0xa2: {  	_ =	swait.ge [sflag:s23], $0x1  }
0xa3: {  	[sflag:s23] =	ssyncset.done $0x0  }
0xa4: {  	[sflag:s23] =	ssyncadd.s32 $0xFFFFFFFF  }
0xa5: {  	s4 =	sld [smem:$0x0]  }
0xa6: {  	s5 =	sand.u32 $0xFFFFFFFE, s1  }
0xa7: {  	p0 =	sne.s32 s1, s5  }
0xa8: {  	s5 =	sshll.u32 @p0 s5, $0xE  }
0xa9: {  	s5 =	sadd.s32 @p0 $0x11B8D, s5;
	s6 =	sshll.u32 @p0 s4, $0x11  }
0xaa: {  	s5 =	sor.u32 @p0 s6, s5  }
0xab: {  	[sflag:s5] =	ssyncadd.remote.s32 @p0 $0x1;
	_ =	sdelay $0x1  }
0xac: {  	s5 =	simm.s32 @p0 $0x1B8D  }
0xad: {  	_ =	swait.eq @p0 [sflag:s5], $0x1  }
0xae: {  	[sflag:s5] =	ssyncadd.s32 @p0 $0xFFFFFFFF  }
0xaf: {  	s6 =	sshll.u32 @!p0 s1, $0xE  }
0xb0: {  	s6 =	sor.u32 @!p0 $0x4000, s6;
	s5 =	simm.s32 @!p0 $0x1B8D  }
0xb1: {  	s4 =	sshll.u32 @!p0 s4, $0x11;
	s6 =	sadd.s32 @!p0 $0x11B8D, s6;
	_ =	swait.eq @!p0 [sflag:s5], $0x1  }
0xb2: {  	s4 =	sor.u32 @!p0 s4, s6;
	[sflag:s5] =	ssyncadd.s32 @!p0 $0xFFFFFFFF  }
0xb3: {  	s25 =	simm.s32 $0x1B8E;
	s24 =	sld [smem:$0x3FFE];
	[sflag:s4] =	ssyncadd.remote.s32 @!p0 $0x1  }
0xb4: {  	s26 =	simm.s32 $execute0_lowered;
	[smem:$0x3FD2] =	sst s25  }
0xb5: {  	s5 =	sshll.u32 s26, $0x1;
	_ =	strace $0x80000049;
	[dreg:$0x1] =	wrdreg $0xFFFFFFFF  }
0xb6: {  	s28 =	simm.s32 $_size_execute0_lowered;
	s3 =	sadd.s32 s3, s5;
	[dreg:$0x0] =	wrdreg $0x0  }
0xb7: {  	s5 =	sshll.u32 s28, $0x1;
	[dreg:$0x2] =	wrdreg s3  }
0xb8: {  	[dreg:$0x3] =	wrdreg s5  }
0xb9: {  	[dreg:$0x4] =	wrdreg $0xC0  }
0xba: {  	_ =	task [dreg:s22], $0x5FFFF  }
0xbb: {  	[dreg:$0x1] =	wrdreg $0xFFFFFFFF  }
0xbc: {  	[dreg:$0x0] =	wrdreg $0x60  }
0xbd: {  	[dreg:$0x2] =	wrdreg s24  }
0xbe: {  	[dreg:$0x3] =	wrdreg $0x68000  }
0xbf: {  	[dreg:$0x4] =	wrdreg $0x9  }
0xc0: {  	_ =	task.clear_ibuf [dreg:s22], $0x5FFFF;
	_ =	strace $0x90000049  }
0xc1: {  	s29 =	simm.s32 $0x9;
	_ =	strace $0x8000004B  }
0xc2: {  	_ =	swait.ge [sflag:s29], $0x1  }
0xc3: {  	[sflag:s29] =	ssyncadd.s32 $0xFFFFFFFF  }
0xc4: {  	_ =	strace $0x9000004B  }
0xc5: {  	_ =	sfence  }
0xc6: {  	s30 =	sld [smem:$0x0];
	_ =	sdelay $0x2  }
0xc7: {  	s31 =	sshll.u32 s1, $0xD;
	s1 =	sshrl.u32 s1, $0x2  }
0xc8: {  	s4 =	sand.u32 $0x4000, s31;
	s1 =	sadd.s32 s1, s30  }
0xc9: {  	s0 =	sor.u32 s4, s0;
	s1 =	sshll.u32 s1, $0x11  }
0xca: {  	s0 =	sor.u32 s1, s0  }
0xcb: {  	s0 =	sadd.s32 $0x8F2B, s0  }
0xcc: {  	[sflag:s0] =	ssyncadd.remote.s32 $0x1  }
0xcd: {  	_ =	sfence.sel $0xFFFF  }
0xce: {  	[dreg:$0x0] =	wrdreg $0xFFFFFFFF;
	(pc) =	sbr.abs _section_cstart, $3  }
0xcf: {  	[dreg:$0x1] =	wrdreg $0xFFFFFFFF  }
0xd0: {  	_ =	task.clear_ibuf [dreg:s22], $0x2FFFF;
	_ =	strace $0x9FFFFFFF  }
0xd1: {  	(tm) =	ssettm $0x7FFFFFFF  }
tec
execute0_lowered:
.L_overlay_start_1:
0x0: {  	(tag) =	ssettag $0x1  }
0x1: {  	s5 =	rddreg [dreg:$0x0];
	s0 =	srdreg.scid  }
0x2: {  	s7 =	stileid.u32;
	s1 =	rddreg [dreg:$0x1];
	s2 =	simm.s32 $0x0  }
0x3: {  	s11 =	simm.s32 $0x80;
	s3 =	sand.u32 $0x1, s0;
	s0 =	rddreg [dreg:$0x2]  }
0x4: {  	s12 =	simm.s32 $0x0;
	s4 =	sshll.u32 s7, $0x1;
	[smem:$0x7FF] =	sst s2  }
0x5: {  	p0 =	sne.s32 s7, $0x0;
	s4 =	sor.u32 s3, s4;
	s6 =	smul.u32 $0x28000, s3  }
0x6: {  	_ =	strace $0x8000004A;
	s8 =	ssub.s32 $0x2, s3;
	s4 =	smul.u32 $0x500, s4  }
0x7: {  	s3 =	sadd.s32 $0xD400, s5;
	s10 =	sshrl.u32 s8, $0x1;
	s6 =	sadd.s32 s6, s5  }
0x8: {  	s8 =	ssub.s32 s8, s10;
	s10 =	simm.s32 $0x2800;
	s9 =	sadd.s32 s4, s5  }
0x9: {  	s4 =	sadd.s32 $0x85400, s5;
	s6 =	sadd.s32 $0x85C00, s6;
	s7 =	smax.u32 s8, $0x1  }
0xa: {  	s8 =	sshrl.u32 @!p0 s1, $0x3;
	s5 =	sadd.s32 $0x3400, s9;
	s9 =	simm.s32 $0x1  }
.LBB2_1:
0xb: {  	s13 =	simm.s32 @!p0 $0x1C01  }
0xc: {  	[spmem:s8], [sflag:s13] =	dma.local @!p0 [hbm:s3], $0x28000  }
0xd: {  	s13 =	simm.s32 @!p0 $0x1  }
0xe: {  	_ =	swait.ge @!p0 [sflag:s13], $0x28000  }
0xf: {  	[sflag:s13] =	ssyncset.done @!p0 $0x0  }
0x10: {  	[sflag:s13] =	ssyncadd.s32 @!p0 $0xFFFD8000  }
0x11: {  	[tilespmem:s2], [sflag:$0x1] =	stream.linear.gather [hbm4b:s5+s2], $0x2800, $0x38;
	[tilespmem:$0x1A800] =	vst v63  }
0x12: {  	_ =	swait.ge [sflag:s9], $0x2800  }
0x13: {  	[sflag:s9] =	ssyncset.done $0x0  }
0x14: {  	[sflag:s9] =	ssyncadd.s32 $0xFFFFD800  }
0x15: {  	[tilespmem:s10], [sflag:$0x1] =	stream.linear.gather [hbm4b:s4+s2], $0x4000, $0x38;
	[tilespmem:$0x1A800] =	vst v63  }
0x16: {  	_ =	swait.ge [sflag:s9], $0x4000  }
0x17: {  	[sflag:s9] =	ssyncset.done $0x0  }
0x18: {  	[sflag:s9] =	ssyncadd.s32 $0xFFFFC000  }
0x19: {  	s31 =	simm.s32 $0x0;
	[bflag:$0x0] =	sbarrier.arrive $0xFFFF  }
0x1a: {  	[spmem:s1] =	stream.indirect.scatter.add.f32 [tilespmem:s10], [sflag:$0x1], $0x80, s31, s11, $0xb8;
	[tilespmem:$0x1A800] =	vst v63  }
0x1b: {  	_ =	swait.ge [sflag:s9], $0x4000  }
0x1c: {  	s13 =	simm.s32 $0x200;
	[sflag:s9] =	ssyncset.done $0x0  }
.LBB2_2:
0x1d: {  	s14 =	sshra.s32 s13, $0x2;
	[sflag:s9] =	ssyncadd.s32 $0xFFFFC000;
	p1 =	sne.s32 s13, $0x9E00  }
0x1e: {  	[spmem:s1] =	stream.indirect.scatter.add.f32 [tilespmem:s10], [sflag:$0x1], $0x80, s14, s11, $0xb8;
	[tilespmem:$0x1A800] =	vst v63  }
.Ltmp0:
0x1f: {  	_ = 	snop;
	(pc) =	sbr.rel @p1 .LBB2_2-.Ltmp0, $4  }
0x20: {  	_ = 	snop  }
0x21: {  	s13 =	sadd.s32 $0x200, s13  }
0x22: {  	_ =	swait.ge [sflag:s9], $0x4000  }
0x23: {  	[sflag:s9] =	ssyncset.done $0x0  }
0x24: {  	[sflag:s9] =	ssyncadd.s32 $0xFFFFC000;
	s12 =	sadd.s32 $0x1, s12  }
0x25: {  	s13 =	simm.s32 @!p0 $0x1C01;
	[bflag:$0x0] =	sbarrier.arrive $0xFFFF;
	p1 =	sne.s32 s12, s7  }
0x26: {  	[hbm:s6], [sflag:s13] =	dma.local @!p0 [spmem:s8], $0x28000  }
.Ltmp1:
0x27: {  	_ = 	snop;
	(pc) =	sbr.rel @p1 .LBB2_1-.Ltmp1, $4  }
0x28: {  	s13 =	simm.s32 @!p0 $0x1  }
0x29: {  	_ =	swait.ge @!p0 [sflag:s13], $0x28000  }
0x2a: {  	[sflag:s13] =	ssyncset.done @!p0 $0x0  }
0x2b: {  	[sflag:s13] =	ssyncadd.s32 @!p0 $0xFFFD8000  }
0x2c: {  	_ =	sfence.sel $0x180000  }
0x2d: {  	[bflag:$0x0] =	sbarrier.arrive $0xFFFF  }
0x2e: {  	_ =	strace $0x9000004A  }
0x2f: {  	s0 =	sadd.s32 @!p0 $0x100000, s0;
	[bflag:$0x2] =	sbarrier.arrive $0xFFFF  }
0x30: {  	[sflag:s0] =	ssyncadd.tile.s32 @!p0 $0x1;
	_ =	shalt  }
.Lfunc_end2:
_tile_overlayer_lowered:
.L_overlay_start_2:
0x31: {  	(tag) =	ssettag $0x2  }
0x32: {  	s0 =	rddreg [dreg:$0x0];
	s2 =	stileid.u32  }
0x33: {  	s1 =	rddreg [dreg:$0x1];
	p0 =	sne.s32 s2, $0x0  }
0x34: {  	s3 =	rddreg [dreg:$0x2];
	[bflag:$0x3] =	sbarrier.arrive $0xFFFF;
	s2 =	simm.s32 @!p0 $0x1C01  }
0x35: {  	[timem:s3], [sflag:s2] =	dma.local @!p0 [hbm:s0], s1  }
0x36: {  	s0 =	simm.s32 @!p0 $0x1  }
0x37: {  	_ =	swait.ge @!p0 [sflag:s0], s1  }
0x38: {  	s1 =	ssub.s32 @!p0 $0x0, s1;
	[sflag:s0] =	ssyncset.done @!p0 $0x0  }
0x39: {  	[sflag:s0] =	ssyncadd.s32 @!p0 s1  }
0x3a: {  	[bflag:$0x3] =	sbarrier.arrive $0xFFFF  }
0x3b: {  	_ =	shalt  }

// kernel: kernel.13.cloned.1.call-start
scs
__scs_entry_jumppad:
0x0: {  	(pc) =	sbr.rel $0x88, $3  }
0x1: {  	(tag) =	ssettag $0x0;
	lr =	simm.s32 $0x1  }
0x2: {  	[smem:$0x3F94] =	sst lr;
	_ =	strace $0xD0000000  }
0x3: {  	_ = 	snop  }
0x4: {  	_ = 	snop  }
0x5: {  	_ = 	snop  }
0x6: {  	_ = 	snop  }
0x7: {  	_ = 	snop  }
__scs_overlays_trampoline_lowered:
0x8: {  	[smem:$0x3FA3] =	sst s0  }
0x9: {  	[smem:$0x3FA4] =	sst s1  }
0xa: {  	[smem:$0x3FA5] =	sst s2  }
0xb: {  	[smem:$0x3FA6] =	sst s3  }
0xc: {  	[smem:$0x3FA7] =	sst s4  }
0xd: {  	[smem:$0x3FA8] =	sst s5  }
0xe: {  	[smem:$0x3FA9] =	sst s6  }
0xf: {  	[smem:$0x3FAA] =	sst s7  }
0x10: {  	[smem:$0x3FAB] =	sst s8  }
0x11: {  	[smem:$0x3FAC] =	sst s9;
	s0 =	simm.s32 @!p0 $0x0  }
0x12: {  	s1 =	sld [smem:$0x3F92];
	s0 =	simm.s32 @p0 $0x1  }
0x13: {  	[smem:$0x3FAD] =	sst s0;
	s0 =	simm.s32 @!p1 $0x0  }
0x14: {  	s2 =	sld [smem:$0x3F91];
	s0 =	simm.s32 @p1 $0x1  }
0x15: {  	[smem:$0x3FAE] =	sst s0;
	s0 =	simm.s32 @!p2 $0x0  }
0x16: {  	s3 =	sld [smem:$0x3FDB];
	s0 =	simm.s32 @p2 $0x1  }
0x17: {  	s4 =	simm.s32 $0x1BF5;
	[smem:$0x3FB0] =	sst s0  }
0x18: {  	s0 =	sld [smem:$0x3F93];
	_ =	swait.ge [sflag:s4], $0x0  }
0x19: {  	s7 =	sld [smem:$0x3F94]  }
0x1a: {  	s8 =	sadd.s32 $0xFFFFE003, lr  }
0x1b: {  	s9 =	sadd.s32 $0xFFFFFEF7, lr;
	s5 =	simm.s32 $0xFFFFFFFF;
	p2 =	slt.u32 s8, $0xFFFFF086  }
0x1c: {  	p1 =	slt.u32 s9, $0xF7A;
	s5 =	simm.s32 @!p2 $0x0  }
0x1d: {  	s5 =	simm.s32 @p1 $0x1;
	p0 =	seq.s32 s7, s2  }
0x1e: {  	s7 =	smul.u32 @!p0 $0xF7A, s2;
	p2 =	seq.s32 @!p0 s5, $0x0  }
0x1f: {  	s9 =	smul.u32 $0xF7A, s1;
	s8 =	simm.s32 @!p0 $0x1BF5;
	p2 =	por !p2, p0  }
0x20: {  	[sflag:s8] =	ssyncset.s32 @!p0 $0xFFFFF086;
	s6 =	sadd.s32 @!p0 s3, s7;
	s7 =	simm.s32 @!p0 $0x108  }
0x21: {  	s3 =	sadd.s32 s3, s9;
	s6 =	sadd.s32 @!p0 $0x88, s6;
	s7 =	simm.s32 @p2 $0x1082  }
0x22: {  	[simem:s7], [sflag:s8] =	dma.local @!p0 [hbm:s6], $0xF7A  }
0x23: {  	s9 =	sor.u32 $0xD0000000, s2;
	s6 =	simm.s32 $0x108;
	_ =	swait.ge @!p0 [sflag:s8], $0x0  }
0x24: {  	s3 =	sadd.s32 $0x88, s3;
	s6 =	simm.s32 @!p1 $0x1082;
	[sflag:s4] =	ssyncset.s32 $0xFFFFF086  }
0x25: {  	[simem:s6], [sflag:s4] =	dma.local [hbm:s3], $0xF7A  }
0x26: {  	[smem:$0x3F94] =	sst s1;
	(tag) =	ssettag s2;
	_ =	strace s9  }
0x27: {  	s1 =	sld [smem:$0x3FA4]  }
0x28: {  	s2 =	sld [smem:$0x3FA5]  }
0x29: {  	s4 =	sld [smem:$0x3FA7]  }
0x2a: {  	p0 =	seq.s32 s5, $0x0;
	s5 =	sld [smem:$0x3FA8]  }
0x2b: {  	s6 =	sld [smem:$0x3FA9]  }
0x2c: {  	s7 =	sld [smem:$0x3FAA]  }
0x2d: {  	s3 =	simm.s32 $0x108;
	s8 =	sld [smem:$0x3FAB]  }
0x2e: {  	s3 =	simm.s32 @!p0 $0x1082;
	s9 =	sld [smem:$0x3FAC]  }
0x2f: {  	lr =	sadd.s32 s0, s3;
	s0 =	sld [smem:$0x3FA3]  }
0x30: {  	s3 =	sld [smem:$0x3FA6]  }
0x31: {  	[smem:$0x3FAF] =	sst s10  }
0x32: {  	s10 =	sld [smem:$0x3FAD];
	_ =	sdelay $0x3  }
0x33: {  	p0 =	seq.s32 s10, $0x1;
	s10 =	sld [smem:$0x3FAF];
	_ =	sdelay $0x3  }
0x34: {  	[smem:$0x3FAF] =	sst s10  }
0x35: {  	s10 =	sld [smem:$0x3FAE];
	_ =	sdelay $0x3  }
0x36: {  	p1 =	seq.s32 s10, $0x1;
	s10 =	sld [smem:$0x3FAF];
	_ =	sdelay $0x3  }
0x37: {  	[smem:$0x3FAF] =	sst s10  }
0x38: {  	s10 =	sld [smem:$0x3FB0]  }
0x39: {  	_ = 	snop;
	(pc) =	sbr.ind lr, $3  }
0x3a: {  	_ = 	snop  }
0x3b: {  	_ = 	snop  }
0x3c: {  	p2 =	seq.s32 s10, $0x1;
	s10 =	sld [smem:$0x3FAF]  }
0x3d: {  	_ =	shalt  }
0x3e: {  	_ =	shalt  }
0x3f: {  	_ =	shalt  }
0x40: {  	_ =	shalt  }
0x41: {  	_ =	shalt  }
0x42: {  	_ =	shalt  }
0x43: {  	_ =	shalt  }
0x44: {  	_ =	shalt  }
0x45: {  	_ =	shalt  }
0x46: {  	_ =	shalt  }
0x47: {  	_ =	shalt  }
0x48: {  	_ =	shalt  }
0x49: {  	_ =	shalt  }
0x4a: {  	_ =	shalt  }
0x4b: {  	_ =	shalt  }
0x4c: {  	_ =	shalt  }
0x4d: {  	_ =	shalt  }
0x4e: {  	_ =	shalt  }
0x4f: {  	_ =	shalt  }
0x50: {  	_ =	shalt  }
0x51: {  	_ =	shalt  }
0x52: {  	_ =	shalt  }
0x53: {  	_ =	shalt  }
0x54: {  	_ =	shalt  }
0x55: {  	_ =	shalt  }
0x56: {  	_ =	shalt  }
0x57: {  	_ =	shalt  }
0x58: {  	_ =	shalt  }
0x59: {  	_ =	shalt  }
0x5a: {  	_ =	shalt  }
0x5b: {  	_ =	shalt  }
0x5c: {  	_ =	shalt  }
0x5d: {  	_ =	shalt  }
0x5e: {  	_ =	shalt  }
0x5f: {  	_ =	shalt  }
0x60: {  	_ =	shalt  }
0x61: {  	_ =	shalt  }
0x62: {  	_ =	shalt  }
0x63: {  	_ =	shalt  }
0x64: {  	_ =	shalt  }
0x65: {  	_ =	shalt  }
0x66: {  	_ =	shalt  }
0x67: {  	_ =	shalt  }
0x68: {  	_ =	shalt  }
0x69: {  	_ =	shalt  }
0x6a: {  	_ =	shalt  }
0x6b: {  	_ =	shalt  }
0x6c: {  	_ =	shalt  }
0x6d: {  	_ =	shalt  }
0x6e: {  	_ =	shalt  }
0x6f: {  	_ =	shalt  }
0x70: {  	_ =	shalt  }
0x71: {  	_ =	shalt  }
0x72: {  	_ =	shalt  }
0x73: {  	_ =	shalt  }
0x74: {  	_ =	shalt  }
0x75: {  	_ =	shalt  }
0x76: {  	_ =	shalt  }
0x77: {  	_ =	shalt  }
0x78: {  	_ =	shalt  }
0x79: {  	_ =	shalt  }
0x7a: {  	_ =	shalt  }
0x7b: {  	_ =	shalt  }
0x7c: {  	_ =	shalt  }
0x7d: {  	_ =	shalt  }
0x7e: {  	_ =	shalt  }
0x7f: {  	_ =	shalt  }
0x80: {  	_ =	shalt  }
0x81: {  	_ =	shalt  }
0x82: {  	_ =	shalt  }
0x83: {  	_ =	shalt  }
0x84: {  	_ =	shalt  }
0x85: {  	_ =	shalt  }
0x86: {  	_ =	shalt  }
0x87: {  	_ =	shalt  }
.Lfunc_end0:
.L_simem_size_0:
called_computation.1_lowered:
.L_overlay_start_0:
0x88: {  	s2 =	sld [smem:$0x3FD9]  }
0x89: {  	s3 =	sld [smem:$0x3FFE];
	_ =	sdelay $0x1  }
0x8a: {  	s1 =	srdreg.scid  }
0x8b: {  	s0 =	sand.u32 $0x1, s1  }
0x8c: {  	s17 =	sshll.u32 s0, $0xA;
	s2 =	sadd.s32 s3, s2  }
0x8d: {  	s2 =	sadd.s32 s2, s17  }
0x8e: {  	[smem:$0x3FBB] =	sst s2  }
0x8f: {  	_ = 	snop  }
0x90: {  	s2 =	sld [smem:$0x3FC9]  }
0x91: {  	s18 =	sld [smem:$0x3FD0];
	(tm) =	ssettm $0x1  }
0x92: {  	s4 =	sld [smem:$0x3FFB];
	_ =	sdelay $0x3  }
0x93: {  	_ =	strace s4  }
0x94: {  	s4 =	sld [smem:$0x3FFC];
	_ =	sdelay $0x3  }
0x95: {  	_ =	strace s4  }
0x96: {  	s4 =	sld [smem:$0x3FFD];
	_ =	sdelay $0x3  }
0x97: {  	_ =	strace s4  }
0x98: {  	_ =	strace $0x8FFFFFFF  }
0x99: {  	s19 =	sld [smem:$0x3FDB];
	_ =	sdelay $0x1  }
0x9a: {  	s5 =	simm.s32 $_scs_section_size  }
0x9b: {  	s6 =	simm.s32 $_size__tile_overlayer_lowered;
	s7 =	simm.s32 $_tile_overlayer_lowered  }
0x9c: {  	s22 =	simm.s32 $0x1BFF;
	s21 =	sshll.u32 s7, $0x1;
	s4 =	sadd.s32 s5, s19  }
0x9d: {  	s8 =	simm.s32 $0x0;
	s20 =	sshll.u32 s6, $0x1;
	s6 =	sadd.s32 s21, s4  }
0x9e: {  	[timem:s8], [sflag:s22] =	dma.local [hbm:s6], s20  }
0x9f: {  	_ =	swait.ge [sflag:s22], s20  }
0xa0: {  	s5 =	ssub.s32 $0x0, s20;
	[sflag:s22] =	ssyncset.done $0x0  }
0xa1: {  	[sflag:s22] =	ssyncadd.s32 s5;
	_ =	sdelay $0x1  }
0xa2: {  	s23 =	simm.s32 $0x1B8B  }
0xa3: {  	_ =	swait.ge [sflag:s23], $0x1  }
0xa4: {  	[sflag:s23] =	ssyncset.done $0x0  }
0xa5: {  	s25 =	simm.s32 $0x1B8E;
	s24 =	sld [smem:$0x3FFE];
	[sflag:s23] =	ssyncadd.s32 $0xFFFFFFFF  }
0xa6: {  	s26 =	simm.s32 $execute0_lowered;
	[smem:$0x3FD2] =	sst s25  }
0xa7: {  	s6 =	sshll.u32 s26, $0x1;
	_ =	strace $0x80000046;
	[dreg:$0x1] =	wrdreg $0xFFFFFFFF  }
0xa8: {  	s28 =	simm.s32 $_size_execute0_lowered;
	s4 =	sadd.s32 s4, s6;
	[dreg:$0x0] =	wrdreg $0x0  }
0xa9: {  	s6 =	sshll.u32 s28, $0x1;
	[dreg:$0x2] =	wrdreg s4  }
0xaa: {  	[dreg:$0x3] =	wrdreg s6  }
0xab: {  	[dreg:$0x4] =	wrdreg $0xC0  }
0xac: {  	_ =	task [dreg:s8], $0x5FFFF  }
0xad: {  	[dreg:$0x1] =	wrdreg $0xFFFFFFFF  }
0xae: {  	[dreg:$0x0] =	wrdreg $0x60  }
0xaf: {  	[dreg:$0x2] =	wrdreg s2  }
0xb0: {  	[dreg:$0x3] =	wrdreg s18  }
0xb1: {  	[dreg:$0x4] =	wrdreg s24  }
0xb2: {  	[dreg:$0x5] =	wrdreg $0x90000  }
0xb3: {  	[dreg:$0x6] =	wrdreg $0xA  }
0xb4: {  	_ =	task.clear_ibuf [dreg:s8], $0x7FFFF;
	_ =	strace $0x90000046  }
0xb5: {  	s29 =	simm.s32 $0xA;
	_ =	strace $0x80000048  }
0xb6: {  	_ =	swait.ge [sflag:s29], $0x1  }
0xb7: {  	[sflag:s29] =	ssyncadd.s32 $0xFFFFFFFF  }
0xb8: {  	_ =	strace $0x90000048  }
0xb9: {  	_ =	sfence  }
0xba: {  	s30 =	sld [smem:$0x0];
	_ =	sdelay $0x2  }
0xbb: {  	s31 =	sshll.u32 s1, $0xD;
	s1 =	sshrl.u32 s1, $0x2  }
0xbc: {  	s3 =	sand.u32 $0x4000, s31;
	s1 =	sadd.s32 s1, s30  }
0xbd: {  	s0 =	sor.u32 s3, s0;
	s1 =	sshll.u32 s1, $0x11  }
0xbe: {  	s0 =	sor.u32 s1, s0  }
0xbf: {  	s0 =	sadd.s32 $0x8F2B, s0  }
0xc0: {  	[sflag:s0] =	ssyncadd.remote.s32 $0x1  }
0xc1: {  	_ =	sfence.sel $0xFFFF  }
0xc2: {  	[dreg:$0x0] =	wrdreg $0xFFFFFFFF;
	(pc) =	sbr.abs _section_cstart, $3  }
0xc3: {  	[dreg:$0x1] =	wrdreg $0xFFFFFFFF  }
0xc4: {  	_ =	task.clear_ibuf [dreg:s8], $0x2FFFF;
	_ =	strace $0x9FFFFFFF  }
0xc5: {  	(tm) =	ssettm $0x7FFFFFFF  }
tec
execute0_lowered:
.L_overlay_start_1:
0x0: {  	(tag) =	ssettag $0x1  }
0x1: {  	s0 =	rddreg [dreg:$0x0]  }
0x2: {  	s1 =	rddreg [dreg:$0x1]  }
0x3: {  	s4 =	rddreg [dreg:$0x2];
	s3 =	srdreg.scid  }
0x4: {  	s5 =	stileid.u32;
	s2 =	rddreg [dreg:$0x3]  }
0x5: {  	s13 =	simm.s32 $0x880;
	s6 =	sand.u32 $0x1, s3;
	s3 =	simm.s32 $0x0  }
0x6: {  	s15 =	simm.s32 $0x100;
	s10 =	sadd.s32 $0xD400, s4;
	[smem:$0x7FF] =	sst s3  }
0x7: {  	s16 =	simm.s32 $0x900;
	_ =	strace $0x80000047;
	[dreg:$0x13] =	wrdreg s10  }
0x8: {  	s17 =	simm.s32 $0x180;
	s19 =	simm.s32 $0x980;
	[dreg:$0x7] =	wrdreg s13  }
0x9: {  	s20 =	simm.s32 $0x200;
	s21 =	simm.s32 $0xA00;
	[dreg:$0x8] =	wrdreg s15  }
0xa: {  	s22 =	simm.s32 $0x280;
	s23 =	simm.s32 $0xA80;
	[dreg:$0x9] =	wrdreg s16  }
0xb: {  	s24 =	simm.s32 $0x300;
	s11 =	simm.s32 $0x1000;
	[dreg:$0xa] =	wrdreg s17  }
0xc: {  	s25 =	simm.s32 $0xB00;
	s26 =	simm.s32 $0x380;
	[dreg:$0xb] =	wrdreg s19  }
0xd: {  	s28 =	simm.s32 $0xE80;
	s29 =	simm.s32 $0x700;
	[dreg:$0xc] =	wrdreg s20  }
0xe: {  	s30 =	simm.s32 $0xF00;
	s31 =	simm.s32 $0x780;
	[dreg:$0xd] =	wrdreg s21  }
0xf: {  	s7 =	sshll.u32 s5, $0x1;
	p0 =	sne.s32 s5, $0x0;
	[dreg:$0xe] =	wrdreg s22  }
0x10: {  	s7 =	sor.u32 s6, s7;
	s8 =	smul.u32 $0x28000, s6;
	[dreg:$0xf] =	wrdreg s23  }
0x11: {  	s6 =	ssub.s32 $0x2, s6;
	s7 =	smul.u32 $0x500, s7;
	[dreg:$0x10] =	wrdreg s24  }
0x12: {  	s14 =	sshrl.u32 s6, $0x1;
	s10 =	simm.s32 $0x80;
	[dreg:$0x11] =	wrdreg s25  }
0x13: {  	s13 =	simm.s32 $0x5000;
	[dreg:$0x12] =	wrdreg s26;
	s15 =	simm.s32 $0xB80  }
0x14: {  	s16 =	simm.s32 $0x400;
	s17 =	simm.s32 $0xC00;
	s19 =	simm.s32 $0xC80  }
0x15: {  	s20 =	simm.s32 $0x500;
	s21 =	simm.s32 $0xD00;
	s22 =	simm.s32 $0x580  }
0x16: {  	s23 =	simm.s32 $0xD80;
	s24 =	simm.s32 $0x600;
	s25 =	simm.s32 $0xE00  }
0x17: {  	s26 =	simm.s32 $0x680;
	s6 =	ssub.s32 s6, s14;
	s14 =	simm.s32 $0x2  }
0x18: {  	s9 =	sadd.s32 s7, s4;
	s1 =	sadd.s32 s1, s7;
	s4 =	sadd.s32 s8, s4  }
0x19: {  	s18 =	smax.u32 s6, $0x1;
	s6 =	sshrl.u32 @!p0 s2, $0x3;
	[dreg:$0x5] =	wrdreg s1  }
0x1a: {  	s8 =	simm.s32 $0x3;
	s7 =	simm.s32 $0x0;
	[dreg:$0x15] =	wrdreg s18  }
0x1b: {  	s12 =	sadd.s32 $0x3400, s9;
	s4 =	sadd.s32 $0x35400, s4;
	[dreg:$0x16] =	wrdreg s6  }
0x1c: {  	s9 =	simm.s32 $0x800;
	s18 =	simm.s32 $0x480;
	[dreg:$0x6] =	wrdreg s12  }
0x1d: {  	s1 =	simm.s32 $0xF80;
	[dreg:$0x14] =	wrdreg s4;
	s12 =	simm.s32 $0x1  }
.LBB2_1:
0x1e: {  	[dreg:$0x17] =	wrdreg s7  }
0x1f: {  	s5 =	simm.s32 @!p0 $0x1C03;
	s4 =	rddreg [dreg:$0x13]  }
0x20: {  	[spmem:s6], [sflag:s5] =	dma.local @!p0 [hbm:s4], $0x28000  }
0x21: {  	s5 =	simm.s32 @!p0 $0x3  }
0x22: {  	_ =	swait.ge @!p0 [sflag:s5], $0x28000  }
0x23: {  	[sflag:s5] =	ssyncset.done @!p0 $0x0  }
0x24: {  	[sflag:s5] =	ssyncadd.s32 @!p0 $0xFFFD8000  }
0x25: {  	[bflag:$0x0] =	sbarrier.arrive $0xFFFF  }
0x26: {  	s4 =	rddreg [dreg:$0x5]  }
0x27: {  	s5 =	sadd.s32 $0x0, s4  }
0x28: {  	[tilespmem:s3], [sflag:$0x3] =	stream.linear.gather [hbm4b:s5+s3], $0x800, $0x38;
	[tilespmem:$0x1D000] =	vst v63  }
0x29: {  	_ =	swait.ge [sflag:s8], $0x800  }
0x2a: {  	s6 =	rddreg [dreg:$0x6];
	[sflag:s8] =	ssyncset.done $0x0  }
0x2b: {  	[sflag:s8] =	ssyncadd.s32 $0xFFFFF800;
	s5 =	sadd.s32 $0x0, s6  }
0x2c: {  	[tilespmem:s9], [sflag:$0x3] =	stream.linear.gather [hbm4b:s5+s3], $0x800, $0x38;
	[tilespmem:$0x1D000] =	vst v63  }
0x2d: {  	_ =	swait.ge [sflag:s8], $0x800  }
0x2e: {  	[sflag:s8] =	ssyncset.done $0x0  }
0x2f: {  	[sflag:s8] =	ssyncadd.s32 $0xFFFFF800  }
0x30: {  	[tilespmem:s11], [sflag:$0x1] =	stream.indirect.gather [hbm4b:s0+s10], $0x80, s3, s10, $0xb8;
	[tilespmem:$0x1D000] =	vst v63  }
0x31: {  	_ =	swait.ge [sflag:s12], $0x4000  }
0x32: {  	[sflag:s12] =	ssyncset.done $0x0  }
0x33: {  	[sflag:s12] =	ssyncadd.s32 $0xFFFFC000  }
0x34: {  	[spmem:s2] =	stream.indirect.scatter.add.f32 [tilespmem:s11], [sflag:$0x2], $0x80, s9, s10, $0xb8;
	[tilespmem:$0x1D000] =	vst v63  }
0x35: {  	_ = 	snop  }
0x36: {  	[tilespmem:s13], [sflag:$0x1] =	stream.indirect.gather [hbm4b:s0+s10], $0x80, s10, s10, $0xb8;
	[tilespmem:$0x1D000] =	vst v63  }
0x37: {  	_ =	swait.ge [sflag:s12], $0x4000  }
0x38: {  	[sflag:s12] =	ssyncset.done $0x0  }
0x39: {  	[sflag:s12] =	ssyncadd.s32 $0xFFFFC000  }
0x3a: {  	_ =	swait.ge [sflag:s14], $0x4000  }
0x3b: {  	[sflag:s14] =	ssyncset.done $0x0  }
0x3c: {  	s7 =	rddreg [dreg:$0x7];
	[sflag:s14] =	ssyncadd.s32 $0xFFFFC000  }
0x3d: {  	[spmem:s2] =	stream.indirect.scatter.add.f32 [tilespmem:s13], [sflag:$0x2], $0x80, s7, s10, $0xb8;
	[tilespmem:$0x1D000] =	vst v63  }
0x3e: {  	s4 =	rddreg [dreg:$0x8]  }
0x3f: {  	[tilespmem:s11], [sflag:$0x1] =	stream.indirect.gather [hbm4b:s0+s10], $0x80, s4, s10, $0xb8;
	[tilespmem:$0x1D000] =	vst v63  }
0x40: {  	_ =	swait.ge [sflag:s12], $0x4000  }
0x41: {  	[sflag:s12] =	ssyncset.done $0x0  }
0x42: {  	[sflag:s12] =	ssyncadd.s32 $0xFFFFC000  }
0x43: {  	_ =	swait.ge [sflag:s14], $0x4000  }
0x44: {  	[sflag:s14] =	ssyncset.done $0x0  }
0x45: {  	s7 =	rddreg [dreg:$0x9];
	[sflag:s14] =	ssyncadd.s32 $0xFFFFC000  }
0x46: {  	[spmem:s2] =	stream.indirect.scatter.add.f32 [tilespmem:s11], [sflag:$0x2], $0x80, s7, s10, $0xb8;
	[tilespmem:$0x1D000] =	vst v63  }
0x47: {  	s4 =	rddreg [dreg:$0xa]  }
0x48: {  	[tilespmem:s13], [sflag:$0x1] =	stream.indirect.gather [hbm4b:s0+s10], $0x80, s4, s10, $0xb8;
	[tilespmem:$0x1D000] =	vst v63  }
0x49: {  	_ =	swait.ge [sflag:s12], $0x4000  }
0x4a: {  	[sflag:s12] =	ssyncset.done $0x0  }
0x4b: {  	[sflag:s12] =	ssyncadd.s32 $0xFFFFC000  }
0x4c: {  	_ =	swait.ge [sflag:s14], $0x4000  }
0x4d: {  	[sflag:s14] =	ssyncset.done $0x0  }
0x4e: {  	s7 =	rddreg [dreg:$0xb];
	[sflag:s14] =	ssyncadd.s32 $0xFFFFC000  }
0x4f: {  	[spmem:s2] =	stream.indirect.scatter.add.f32 [tilespmem:s13], [sflag:$0x2], $0x80, s7, s10, $0xb8;
	[tilespmem:$0x1D000] =	vst v63  }
0x50: {  	s4 =	rddreg [dreg:$0xc]  }
0x51: {  	[tilespmem:s11], [sflag:$0x1] =	stream.indirect.gather [hbm4b:s0+s10], $0x80, s4, s10, $0xb8;
	[tilespmem:$0x1D000] =	vst v63  }
0x52: {  	_ =	swait.ge [sflag:s12], $0x4000  }
0x53: {  	[sflag:s12] =	ssyncset.done $0x0  }
0x54: {  	[sflag:s12] =	ssyncadd.s32 $0xFFFFC000  }
0x55: {  	_ =	swait.ge [sflag:s14], $0x4000  }
0x56: {  	[sflag:s14] =	ssyncset.done $0x0  }
0x57: {  	s7 =	rddreg [dreg:$0xd];
	[sflag:s14] =	ssyncadd.s32 $0xFFFFC000  }
0x58: {  	[spmem:s2] =	stream.indirect.scatter.add.f32 [tilespmem:s11], [sflag:$0x2], $0x80, s7, s10, $0xb8;
	[tilespmem:$0x1D000] =	vst v63  }
0x59: {  	s4 =	rddreg [dreg:$0xe]  }
0x5a: {  	[tilespmem:s13], [sflag:$0x1] =	stream.indirect.gather [hbm4b:s0+s10], $0x80, s4, s10, $0xb8;
	[tilespmem:$0x1D000] =	vst v63  }
0x5b: {  	_ =	swait.ge [sflag:s12], $0x4000  }
0x5c: {  	[sflag:s12] =	ssyncset.done $0x0  }
0x5d: {  	[sflag:s12] =	ssyncadd.s32 $0xFFFFC000  }
0x5e: {  	_ =	swait.ge [sflag:s14], $0x4000  }
0x5f: {  	[sflag:s14] =	ssyncset.done $0x0  }
0x60: {  	s7 =	rddreg [dreg:$0xf];
	[sflag:s14] =	ssyncadd.s32 $0xFFFFC000  }
0x61: {  	[spmem:s2] =	stream.indirect.scatter.add.f32 [tilespmem:s13], [sflag:$0x2], $0x80, s7, s10, $0xb8;
	[tilespmem:$0x1D000] =	vst v63  }
0x62: {  	s4 =	rddreg [dreg:$0x10]  }
0x63: {  	[tilespmem:s11], [sflag:$0x1] =	stream.indirect.gather [hbm4b:s0+s10], $0x80, s4, s10, $0xb8;
	[tilespmem:$0x1D000] =	vst v63  }
0x64: {  	_ =	swait.ge [sflag:s12], $0x4000  }
0x65: {  	[sflag:s12] =	ssyncset.done $0x0  }
0x66: {  	[sflag:s12] =	ssyncadd.s32 $0xFFFFC000  }
0x67: {  	_ =	swait.ge [sflag:s14], $0x4000  }
0x68: {  	[sflag:s14] =	ssyncset.done $0x0  }
0x69: {  	s6 =	rddreg [dreg:$0x11];
	[sflag:s14] =	ssyncadd.s32 $0xFFFFC000  }
0x6a: {  	[spmem:s2] =	stream.indirect.scatter.add.f32 [tilespmem:s11], [sflag:$0x2], $0x80, s6, s10, $0xb8;
	[tilespmem:$0x1D000] =	vst v63  }
0x6b: {  	s7 =	rddreg [dreg:$0x12]  }
0x6c: {  	[tilespmem:s13], [sflag:$0x1] =	stream.indirect.gather [hbm4b:s0+s10], $0x80, s7, s10, $0xb8;
	[tilespmem:$0x1D000] =	vst v63  }
0x6d: {  	_ =	swait.ge [sflag:s12], $0x4000  }
0x6e: {  	[sflag:s12] =	ssyncset.done $0x0  }
0x6f: {  	[sflag:s12] =	ssyncadd.s32 $0xFFFFC000  }
0x70: {  	_ =	swait.ge [sflag:s14], $0x4000  }
0x71: {  	[sflag:s14] =	ssyncset.done $0x0  }
0x72: {  	[sflag:s14] =	ssyncadd.s32 $0xFFFFC000  }
0x73: {  	[spmem:s2] =	stream.indirect.scatter.add.f32 [tilespmem:s13], [sflag:$0x2], $0x80, s15, s10, $0xb8;
	[tilespmem:$0x1D000] =	vst v63  }
0x74: {  	_ = 	snop  }
0x75: {  	[tilespmem:s11], [sflag:$0x1] =	stream.indirect.gather [hbm4b:s0+s10], $0x80, s16, s10, $0xb8;
	[tilespmem:$0x1D000] =	vst v63  }
0x76: {  	_ =	swait.ge [sflag:s12], $0x4000  }
0x77: {  	[sflag:s12] =	ssyncset.done $0x0  }
0x78: {  	[sflag:s12] =	ssyncadd.s32 $0xFFFFC000  }
0x79: {  	_ =	swait.ge [sflag:s14], $0x4000  }
0x7a: {  	[sflag:s14] =	ssyncset.done $0x0  }
0x7b: {  	[sflag:s14] =	ssyncadd.s32 $0xFFFFC000  }
0x7c: {  	[spmem:s2] =	stream.indirect.scatter.add.f32 [tilespmem:s11], [sflag:$0x2], $0x80, s17, s10, $0xb8;
	[tilespmem:$0x1D000] =	vst v63  }
0x7d: {  	_ = 	snop  }
0x7e: {  	[tilespmem:s13], [sflag:$0x1] =	stream.indirect.gather [hbm4b:s0+s10], $0x80, s18, s10, $0xb8;
	[tilespmem:$0x1D000] =	vst v63  }
0x7f: {  	_ =	swait.ge [sflag:s12], $0x4000  }
0x80: {  	[sflag:s12] =	ssyncset.done $0x0  }
0x81: {  	[sflag:s12] =	ssyncadd.s32 $0xFFFFC000  }
0x82: {  	_ =	swait.ge [sflag:s14], $0x4000  }
0x83: {  	[sflag:s14] =	ssyncset.done $0x0  }
0x84: {  	[sflag:s14] =	ssyncadd.s32 $0xFFFFC000  }
0x85: {  	[spmem:s2] =	stream.indirect.scatter.add.f32 [tilespmem:s13], [sflag:$0x2], $0x80, s19, s10, $0xb8;
	[tilespmem:$0x1D000] =	vst v63  }
0x86: {  	_ = 	snop  }
0x87: {  	[tilespmem:s11], [sflag:$0x1] =	stream.indirect.gather [hbm4b:s0+s10], $0x80, s20, s10, $0xb8;
	[tilespmem:$0x1D000] =	vst v63  }
0x88: {  	_ =	swait.ge [sflag:s12], $0x4000  }
0x89: {  	[sflag:s12] =	ssyncset.done $0x0  }
0x8a: {  	[sflag:s12] =	ssyncadd.s32 $0xFFFFC000  }
0x8b: {  	_ =	swait.ge [sflag:s14], $0x4000  }
0x8c: {  	[sflag:s14] =	ssyncset.done $0x0  }
0x8d: {  	[sflag:s14] =	ssyncadd.s32 $0xFFFFC000  }
0x8e: {  	[spmem:s2] =	stream.indirect.scatter.add.f32 [tilespmem:s11], [sflag:$0x2], $0x80, s21, s10, $0xb8;
	[tilespmem:$0x1D000] =	vst v63  }
0x8f: {  	_ = 	snop  }
0x90: {  	[tilespmem:s13], [sflag:$0x1] =	stream.indirect.gather [hbm4b:s0+s10], $0x80, s22, s10, $0xb8;
	[tilespmem:$0x1D000] =	vst v63  }
0x91: {  	_ =	swait.ge [sflag:s12], $0x4000  }
0x92: {  	[sflag:s12] =	ssyncset.done $0x0  }
0x93: {  	[sflag:s12] =	ssyncadd.s32 $0xFFFFC000  }
0x94: {  	_ =	swait.ge [sflag:s14], $0x4000  }
0x95: {  	[sflag:s14] =	ssyncset.done $0x0  }
0x96: {  	[sflag:s14] =	ssyncadd.s32 $0xFFFFC000  }
0x97: {  	[spmem:s2] =	stream.indirect.scatter.add.f32 [tilespmem:s13], [sflag:$0x2], $0x80, s23, s10, $0xb8;
	[tilespmem:$0x1D000] =	vst v63  }
0x98: {  	_ = 	snop  }
0x99: {  	[tilespmem:s11], [sflag:$0x1] =	stream.indirect.gather [hbm4b:s0+s10], $0x80, s24, s10, $0xb8;
	[tilespmem:$0x1D000] =	vst v63  }
0x9a: {  	_ =	swait.ge [sflag:s12], $0x4000  }
0x9b: {  	[sflag:s12] =	ssyncset.done $0x0  }
0x9c: {  	[sflag:s12] =	ssyncadd.s32 $0xFFFFC000  }
0x9d: {  	_ =	swait.ge [sflag:s14], $0x4000  }
0x9e: {  	[sflag:s14] =	ssyncset.done $0x0  }
0x9f: {  	[sflag:s14] =	ssyncadd.s32 $0xFFFFC000  }
0xa0: {  	[spmem:s2] =	stream.indirect.scatter.add.f32 [tilespmem:s11], [sflag:$0x2], $0x80, s25, s10, $0xb8;
	[tilespmem:$0x1D000] =	vst v63  }
0xa1: {  	_ = 	snop  }
0xa2: {  	[tilespmem:s13], [sflag:$0x1] =	stream.indirect.gather [hbm4b:s0+s10], $0x80, s26, s10, $0xb8;
	[tilespmem:$0x1D000] =	vst v63  }
0xa3: {  	_ =	swait.ge [sflag:s12], $0x4000  }
0xa4: {  	[sflag:s12] =	ssyncset.done $0x0  }
0xa5: {  	[sflag:s12] =	ssyncadd.s32 $0xFFFFC000  }
0xa6: {  	_ =	swait.ge [sflag:s14], $0x4000  }
0xa7: {  	[sflag:s14] =	ssyncset.done $0x0  }
0xa8: {  	[sflag:s14] =	ssyncadd.s32 $0xFFFFC000  }
0xa9: {  	[spmem:s2] =	stream.indirect.scatter.add.f32 [tilespmem:s13], [sflag:$0x2], $0x80, s28, s10, $0xb8;
	[tilespmem:$0x1D000] =	vst v63  }
0xaa: {  	_ = 	snop  }
0xab: {  	[tilespmem:s11], [sflag:$0x1] =	stream.indirect.gather [hbm4b:s0+s10], $0x80, s29, s10, $0xb8;
	[tilespmem:$0x1D000] =	vst v63  }
0xac: {  	_ =	swait.ge [sflag:s12], $0x4000  }
0xad: {  	[sflag:s12] =	ssyncset.done $0x0  }
0xae: {  	[sflag:s12] =	ssyncadd.s32 $0xFFFFC000  }
0xaf: {  	_ =	swait.ge [sflag:s14], $0x4000  }
0xb0: {  	[sflag:s14] =	ssyncset.done $0x0  }
0xb1: {  	[sflag:s14] =	ssyncadd.s32 $0xFFFFC000  }
0xb2: {  	[spmem:s2] =	stream.indirect.scatter.add.f32 [tilespmem:s11], [sflag:$0x2], $0x80, s30, s10, $0xb8;
	[tilespmem:$0x1D000] =	vst v63  }
0xb3: {  	_ = 	snop  }
0xb4: {  	[tilespmem:s13], [sflag:$0x1] =	stream.indirect.gather [hbm4b:s0+s10], $0x80, s31, s10, $0xb8;
	[tilespmem:$0x1D000] =	vst v63  }
0xb5: {  	_ =	swait.ge [sflag:s12], $0x4000  }
0xb6: {  	[sflag:s12] =	ssyncset.done $0x0  }
0xb7: {  	[sflag:s12] =	ssyncadd.s32 $0xFFFFC000  }
0xb8: {  	_ =	swait.ge [sflag:s14], $0x4000  }
0xb9: {  	[sflag:s14] =	ssyncset.done $0x0  }
0xba: {  	[sflag:s14] =	ssyncadd.s32 $0xFFFFC000  }
0xbb: {  	[spmem:s2] =	stream.indirect.scatter.add.f32 [tilespmem:s13], [sflag:$0x2], $0x80, s1, s10, $0xb8;
	[tilespmem:$0x1D000] =	vst v63  }
0xbc: {  	s5 =	simm.s32 $0x100;
	_ =	swait.ge [sflag:s14], $0x4000  }
0xbd: {  	s6 =	simm.s32 $0x200;
	s7 =	rddreg [dreg:$0x5];
	[sflag:s14] =	ssyncset.done $0x0  }
.LBB2_2:
0xbe: {  	[sflag:s14] =	ssyncadd.s32 $0xFFFFC000;
	s7 =	sadd.s32 s5, s7  }
0xbf: {  	[tilespmem:s3], [sflag:$0x3] =	stream.linear.gather [hbm4b:s7+s3], $0x800, $0x38;
	[tilespmem:$0x1D000] =	vst v63  }
0xc0: {  	_ =	swait.ge [sflag:s8], $0x800  }
0xc1: {  	s7 =	rddreg [dreg:$0x6];
	[sflag:s8] =	ssyncset.done $0x0  }
0xc2: {  	[sflag:s8] =	ssyncadd.s32 $0xFFFFF800;
	s7 =	sadd.s32 s5, s7  }
0xc3: {  	[tilespmem:s9], [sflag:$0x3] =	stream.linear.gather [hbm4b:s7+s3], $0x800, $0x38;
	[tilespmem:$0x1D000] =	vst v63  }
0xc4: {  	_ =	swait.ge [sflag:s8], $0x800  }
0xc5: {  	[sflag:s8] =	ssyncset.done $0x0  }
0xc6: {  	[sflag:s8] =	ssyncadd.s32 $0xFFFFF800  }
0xc7: {  	[tilespmem:s11], [sflag:$0x1] =	stream.indirect.gather [hbm4b:s0+s10], $0x80, s3, s10, $0xb8;
	[tilespmem:$0x1D000] =	vst v63  }
0xc8: {  	_ =	swait.ge [sflag:s12], $0x4000  }
0xc9: {  	[sflag:s12] =	ssyncset.done $0x0  }
0xca: {  	[sflag:s12] =	ssyncadd.s32 $0xFFFFC000  }
0xcb: {  	[spmem:s2] =	stream.indirect.scatter.add.f32 [tilespmem:s11], [sflag:$0x2], $0x80, s9, s10, $0xb8;
	[tilespmem:$0x1D000] =	vst v63  }
0xcc: {  	_ = 	snop  }
0xcd: {  	[tilespmem:s13], [sflag:$0x1] =	stream.indirect.gather [hbm4b:s0+s10], $0x80, s10, s10, $0xb8;
	[tilespmem:$0x1D000] =	vst v63  }
0xce: {  	_ =	swait.ge [sflag:s12], $0x4000  }
0xcf: {  	[sflag:s12] =	ssyncset.done $0x0  }
0xd0: {  	[sflag:s12] =	ssyncadd.s32 $0xFFFFC000  }
0xd1: {  	_ =	swait.ge [sflag:s14], $0x4000  }
0xd2: {  	s4 =	smov.u32 s6;
	[sflag:s14] =	ssyncset.done $0x0  }
0xd3: {  	s5 =	smov.u32 s4;
	s4 =	rddreg [dreg:$0x7];
	[sflag:s14] =	ssyncadd.s32 $0xFFFFC000  }
0xd4: {  	[spmem:s2] =	stream.indirect.scatter.add.f32 [tilespmem:s13], [sflag:$0x2], $0x80, s4, s10, $0xb8;
	[tilespmem:$0x1D000] =	vst v63  }
0xd5: {  	s7 =	rddreg [dreg:$0x8]  }
0xd6: {  	[tilespmem:s11], [sflag:$0x1] =	stream.indirect.gather [hbm4b:s0+s10], $0x80, s7, s10, $0xb8;
	[tilespmem:$0x1D000] =	vst v63  }
0xd7: {  	_ =	swait.ge [sflag:s12], $0x4000  }
0xd8: {  	[sflag:s12] =	ssyncset.done $0x0  }
0xd9: {  	[sflag:s12] =	ssyncadd.s32 $0xFFFFC000  }
0xda: {  	_ =	swait.ge [sflag:s14], $0x4000  }
0xdb: {  	[sflag:s14] =	ssyncset.done $0x0  }
0xdc: {  	s4 =	rddreg [dreg:$0x9];
	[sflag:s14] =	ssyncadd.s32 $0xFFFFC000  }
0xdd: {  	[spmem:s2] =	stream.indirect.scatter.add.f32 [tilespmem:s11], [sflag:$0x2], $0x80, s4, s10, $0xb8;
	[tilespmem:$0x1D000] =	vst v63  }
0xde: {  	s7 =	rddreg [dreg:$0xa]  }
0xdf: {  	[tilespmem:s13], [sflag:$0x1] =	stream.indirect.gather [hbm4b:s0+s10], $0x80, s7, s10, $0xb8;
	[tilespmem:$0x1D000] =	vst v63  }
0xe0: {  	_ =	swait.ge [sflag:s12], $0x4000  }
0xe1: {  	[sflag:s12] =	ssyncset.done $0x0  }
0xe2: {  	[sflag:s12] =	ssyncadd.s32 $0xFFFFC000  }
0xe3: {  	_ =	swait.ge [sflag:s14], $0x4000  }
0xe4: {  	[sflag:s14] =	ssyncset.done $0x0  }
0xe5: {  	s4 =	rddreg [dreg:$0xb];
	[sflag:s14] =	ssyncadd.s32 $0xFFFFC000  }
0xe6: {  	[spmem:s2] =	stream.indirect.scatter.add.f32 [tilespmem:s13], [sflag:$0x2], $0x80, s4, s10, $0xb8;
	[tilespmem:$0x1D000] =	vst v63  }
0xe7: {  	s7 =	rddreg [dreg:$0xc]  }
0xe8: {  	[tilespmem:s11], [sflag:$0x1] =	stream.indirect.gather [hbm4b:s0+s10], $0x80, s7, s10, $0xb8;
	[tilespmem:$0x1D000] =	vst v63  }
0xe9: {  	_ =	swait.ge [sflag:s12], $0x4000  }
0xea: {  	[sflag:s12] =	ssyncset.done $0x0  }
0xeb: {  	[sflag:s12] =	ssyncadd.s32 $0xFFFFC000  }
0xec: {  	_ =	swait.ge [sflag:s14], $0x4000  }
0xed: {  	[sflag:s14] =	ssyncset.done $0x0  }
0xee: {  	s4 =	rddreg [dreg:$0xd];
	[sflag:s14] =	ssyncadd.s32 $0xFFFFC000  }
0xef: {  	[spmem:s2] =	stream.indirect.scatter.add.f32 [tilespmem:s11], [sflag:$0x2], $0x80, s4, s10, $0xb8;
	[tilespmem:$0x1D000] =	vst v63  }
0xf0: {  	s7 =	rddreg [dreg:$0xe]  }
0xf1: {  	[tilespmem:s13], [sflag:$0x1] =	stream.indirect.gather [hbm4b:s0+s10], $0x80, s7, s10, $0xb8;
	[tilespmem:$0x1D000] =	vst v63  }
0xf2: {  	_ =	swait.ge [sflag:s12], $0x4000  }
0xf3: {  	[sflag:s12] =	ssyncset.done $0x0  }
0xf4: {  	[sflag:s12] =	ssyncadd.s32 $0xFFFFC000  }
0xf5: {  	_ =	swait.ge [sflag:s14], $0x4000  }
0xf6: {  	[sflag:s14] =	ssyncset.done $0x0  }
0xf7: {  	s4 =	rddreg [dreg:$0xf];
	[sflag:s14] =	ssyncadd.s32 $0xFFFFC000  }
0xf8: {  	[spmem:s2] =	stream.indirect.scatter.add.f32 [tilespmem:s13], [sflag:$0x2], $0x80, s4, s10, $0xb8;
	[tilespmem:$0x1D000] =	vst v63  }
0xf9: {  	s7 =	rddreg [dreg:$0x10]  }
0xfa: {  	[tilespmem:s11], [sflag:$0x1] =	stream.indirect.gather [hbm4b:s0+s10], $0x80, s7, s10, $0xb8;
	[tilespmem:$0x1D000] =	vst v63  }
0xfb: {  	_ =	swait.ge [sflag:s12], $0x4000  }
0xfc: {  	[sflag:s12] =	ssyncset.done $0x0  }
0xfd: {  	[sflag:s12] =	ssyncadd.s32 $0xFFFFC000  }
0xfe: {  	_ =	swait.ge [sflag:s14], $0x4000  }
0xff: {  	[sflag:s14] =	ssyncset.done $0x0  }
0x100: {  	s4 =	rddreg [dreg:$0x11];
	[sflag:s14] =	ssyncadd.s32 $0xFFFFC000  }
0x101: {  	[spmem:s2] =	stream.indirect.scatter.add.f32 [tilespmem:s11], [sflag:$0x2], $0x80, s4, s10, $0xb8;
	[tilespmem:$0x1D000] =	vst v63  }
0x102: {  	s7 =	rddreg [dreg:$0x12]  }
0x103: {  	[tilespmem:s13], [sflag:$0x1] =	stream.indirect.gather [hbm4b:s0+s10], $0x80, s7, s10, $0xb8;
	[tilespmem:$0x1D000] =	vst v63  }
0x104: {  	_ =	swait.ge [sflag:s12], $0x4000  }
0x105: {  	[sflag:s12] =	ssyncset.done $0x0  }
0x106: {  	[sflag:s12] =	ssyncadd.s32 $0xFFFFC000  }
0x107: {  	_ =	swait.ge [sflag:s14], $0x4000  }
0x108: {  	[sflag:s14] =	ssyncset.done $0x0  }
0x109: {  	[sflag:s14] =	ssyncadd.s32 $0xFFFFC000  }
0x10a: {  	[spmem:s2] =	stream.indirect.scatter.add.f32 [tilespmem:s13], [sflag:$0x2], $0x80, s15, s10, $0xb8;
	[tilespmem:$0x1D000] =	vst v63  }
0x10b: {  	_ = 	snop  }
0x10c: {  	[tilespmem:s11], [sflag:$0x1] =	stream.indirect.gather [hbm4b:s0+s10], $0x80, s16, s10, $0xb8;
	[tilespmem:$0x1D000] =	vst v63  }
0x10d: {  	_ =	swait.ge [sflag:s12], $0x4000  }
0x10e: {  	[sflag:s12] =	ssyncset.done $0x0  }
0x10f: {  	[sflag:s12] =	ssyncadd.s32 $0xFFFFC000  }
0x110: {  	_ =	swait.ge [sflag:s14], $0x4000  }
0x111: {  	[sflag:s14] =	ssyncset.done $0x0  }
0x112: {  	[sflag:s14] =	ssyncadd.s32 $0xFFFFC000  }
0x113: {  	[spmem:s2] =	stream.indirect.scatter.add.f32 [tilespmem:s11], [sflag:$0x2], $0x80, s17, s10, $0xb8;
	[tilespmem:$0x1D000] =	vst v63  }
0x114: {  	_ = 	snop  }
0x115: {  	[tilespmem:s13], [sflag:$0x1] =	stream.indirect.gather [hbm4b:s0+s10], $0x80, s18, s10, $0xb8;
	[tilespmem:$0x1D000] =	vst v63  }
0x116: {  	_ =	swait.ge [sflag:s12], $0x4000  }
0x117: {  	[sflag:s12] =	ssyncset.done $0x0  }
0x118: {  	[sflag:s12] =	ssyncadd.s32 $0xFFFFC000  }
0x119: {  	_ =	swait.ge [sflag:s14], $0x4000  }
0x11a: {  	[sflag:s14] =	ssyncset.done $0x0  }
0x11b: {  	[sflag:s14] =	ssyncadd.s32 $0xFFFFC000  }
0x11c: {  	[spmem:s2] =	stream.indirect.scatter.add.f32 [tilespmem:s13], [sflag:$0x2], $0x80, s19, s10, $0xb8;
	[tilespmem:$0x1D000] =	vst v63  }
0x11d: {  	_ = 	snop  }
0x11e: {  	[tilespmem:s11], [sflag:$0x1] =	stream.indirect.gather [hbm4b:s0+s10], $0x80, s20, s10, $0xb8;
	[tilespmem:$0x1D000] =	vst v63  }
0x11f: {  	_ =	swait.ge [sflag:s12], $0x4000  }
0x120: {  	[sflag:s12] =	ssyncset.done $0x0  }
0x121: {  	[sflag:s12] =	ssyncadd.s32 $0xFFFFC000  }
0x122: {  	_ =	swait.ge [sflag:s14], $0x4000  }
0x123: {  	[sflag:s14] =	ssyncset.done $0x0  }
0x124: {  	[sflag:s14] =	ssyncadd.s32 $0xFFFFC000  }
0x125: {  	[spmem:s2] =	stream.indirect.scatter.add.f32 [tilespmem:s11], [sflag:$0x2], $0x80, s21, s10, $0xb8;
	[tilespmem:$0x1D000] =	vst v63  }
0x126: {  	_ = 	snop  }
0x127: {  	[tilespmem:s13], [sflag:$0x1] =	stream.indirect.gather [hbm4b:s0+s10], $0x80, s22, s10, $0xb8;
	[tilespmem:$0x1D000] =	vst v63  }
0x128: {  	_ =	swait.ge [sflag:s12], $0x4000  }
0x129: {  	[sflag:s12] =	ssyncset.done $0x0  }
0x12a: {  	[sflag:s12] =	ssyncadd.s32 $0xFFFFC000  }
0x12b: {  	_ =	swait.ge [sflag:s14], $0x4000  }
0x12c: {  	[sflag:s14] =	ssyncset.done $0x0  }
0x12d: {  	[sflag:s14] =	ssyncadd.s32 $0xFFFFC000  }
0x12e: {  	[spmem:s2] =	stream.indirect.scatter.add.f32 [tilespmem:s13], [sflag:$0x2], $0x80, s23, s10, $0xb8;
	[tilespmem:$0x1D000] =	vst v63  }
0x12f: {  	_ = 	snop  }
0x130: {  	[tilespmem:s11], [sflag:$0x1] =	stream.indirect.gather [hbm4b:s0+s10], $0x80, s24, s10, $0xb8;
	[tilespmem:$0x1D000] =	vst v63  }
0x131: {  	_ =	swait.ge [sflag:s12], $0x4000  }
0x132: {  	[sflag:s12] =	ssyncset.done $0x0  }
0x133: {  	[sflag:s12] =	ssyncadd.s32 $0xFFFFC000  }
0x134: {  	_ =	swait.ge [sflag:s14], $0x4000  }
0x135: {  	[sflag:s14] =	ssyncset.done $0x0  }
0x136: {  	[sflag:s14] =	ssyncadd.s32 $0xFFFFC000  }
0x137: {  	[spmem:s2] =	stream.indirect.scatter.add.f32 [tilespmem:s11], [sflag:$0x2], $0x80, s25, s10, $0xb8;
	[tilespmem:$0x1D000] =	vst v63  }
0x138: {  	_ = 	snop  }
0x139: {  	[tilespmem:s13], [sflag:$0x1] =	stream.indirect.gather [hbm4b:s0+s10], $0x80, s26, s10, $0xb8;
	[tilespmem:$0x1D000] =	vst v63  }
0x13a: {  	_ =	swait.ge [sflag:s12], $0x4000  }
0x13b: {  	[sflag:s12] =	ssyncset.done $0x0  }
0x13c: {  	[sflag:s12] =	ssyncadd.s32 $0xFFFFC000  }
0x13d: {  	_ =	swait.ge [sflag:s14], $0x4000  }
0x13e: {  	[sflag:s14] =	ssyncset.done $0x0  }
0x13f: {  	[sflag:s14] =	ssyncadd.s32 $0xFFFFC000  }
0x140: {  	[spmem:s2] =	stream.indirect.scatter.add.f32 [tilespmem:s13], [sflag:$0x2], $0x80, s28, s10, $0xb8;
	[tilespmem:$0x1D000] =	vst v63  }
0x141: {  	_ = 	snop  }
0x142: {  	[tilespmem:s11], [sflag:$0x1] =	stream.indirect.gather [hbm4b:s0+s10], $0x80, s29, s10, $0xb8;
	[tilespmem:$0x1D000] =	vst v63  }
0x143: {  	_ =	swait.ge [sflag:s12], $0x4000  }
0x144: {  	[sflag:s12] =	ssyncset.done $0x0  }
0x145: {  	[sflag:s12] =	ssyncadd.s32 $0xFFFFC000  }
0x146: {  	_ =	swait.ge [sflag:s14], $0x4000  }
0x147: {  	[sflag:s14] =	ssyncset.done $0x0  }
0x148: {  	[sflag:s14] =	ssyncadd.s32 $0xFFFFC000  }
0x149: {  	[spmem:s2] =	stream.indirect.scatter.add.f32 [tilespmem:s11], [sflag:$0x2], $0x80, s30, s10, $0xb8;
	[tilespmem:$0x1D000] =	vst v63  }
0x14a: {  	_ = 	snop  }
0x14b: {  	[tilespmem:s13], [sflag:$0x1] =	stream.indirect.gather [hbm4b:s0+s10], $0x80, s31, s10, $0xb8;
	[tilespmem:$0x1D000] =	vst v63  }
0x14c: {  	_ =	swait.ge [sflag:s12], $0x4000  }
0x14d: {  	[sflag:s12] =	ssyncset.done $0x0  }
0x14e: {  	[sflag:s12] =	ssyncadd.s32 $0xFFFFC000  }
0x14f: {  	p1 =	sne.s32 s6, $0x400;
	_ =	swait.ge [sflag:s14], $0x4000  }
.Ltmp0:
0x150: {  	[sflag:s14] =	ssyncset.done $0x0;
	(pc) =	sbr.rel @p1 .LBB2_2-.Ltmp0, $4  }
0x151: {  	[sflag:s14] =	ssyncadd.s32 $0xFFFFC000  }
0x152: {  	[spmem:s2] =	stream.indirect.scatter.add.f32 [tilespmem:s13], [sflag:$0x2], $0x80, s1, s10, $0xb8;
	[tilespmem:$0x1D000] =	vst v63  }
0x153: {  	_ =	swait.ge [sflag:s14], $0x4000  }
0x154: {  	s6 =	sadd.s32 $0x100, s6;
	s7 =	rddreg [dreg:$0x5];
	[sflag:s14] =	ssyncset.done $0x0  }
0x155: {  	[sflag:s14] =	ssyncadd.s32 $0xFFFFC000;
	s4 =	sadd.s32 s5, s7  }
0x156: {  	[tilespmem:s3], [sflag:$0x3] =	stream.linear.gather [hbm4b:s4+s3], $0x800, $0x38;
	[tilespmem:$0x1D000] =	vst v63  }
0x157: {  	_ =	swait.ge [sflag:s8], $0x800  }
0x158: {  	s7 =	rddreg [dreg:$0x6];
	[sflag:s8] =	ssyncset.done $0x0  }
0x159: {  	[sflag:s8] =	ssyncadd.s32 $0xFFFFF800;
	s4 =	sadd.s32 s5, s7  }
0x15a: {  	[tilespmem:s9], [sflag:$0x3] =	stream.linear.gather [hbm4b:s4+s3], $0x800, $0x38;
	[tilespmem:$0x1D000] =	vst v63  }
0x15b: {  	_ =	swait.ge [sflag:s8], $0x800  }
0x15c: {  	[sflag:s8] =	ssyncset.done $0x0  }
0x15d: {  	[sflag:s8] =	ssyncadd.s32 $0xFFFFF800  }
0x15e: {  	[tilespmem:s11], [sflag:$0x1] =	stream.indirect.gather [hbm4b:s0+s10], $0x80, s3, s10, $0xb8;
	[tilespmem:$0x1D000] =	vst v63  }
0x15f: {  	_ =	swait.ge [sflag:s12], $0x4000  }
0x160: {  	[sflag:s12] =	ssyncset.done $0x0  }
0x161: {  	[sflag:s12] =	ssyncadd.s32 $0xFFFFC000  }
0x162: {  	[spmem:s2] =	stream.indirect.scatter.add.f32 [tilespmem:s11], [sflag:$0x2], $0x80, s9, s10, $0xb8;
	[tilespmem:$0x1D000] =	vst v63  }
0x163: {  	_ = 	snop  }
0x164: {  	[tilespmem:s13], [sflag:$0x1] =	stream.indirect.gather [hbm4b:s0+s10], $0x80, s10, s10, $0xb8;
	[tilespmem:$0x1D000] =	vst v63  }
0x165: {  	_ =	swait.ge [sflag:s12], $0x4000  }
0x166: {  	[sflag:s12] =	ssyncset.done $0x0  }
0x167: {  	[sflag:s12] =	ssyncadd.s32 $0xFFFFC000  }
0x168: {  	_ =	swait.ge [sflag:s14], $0x4000  }
0x169: {  	[sflag:s14] =	ssyncset.done $0x0  }
0x16a: {  	s6 =	rddreg [dreg:$0x7];
	[sflag:s14] =	ssyncadd.s32 $0xFFFFC000  }
0x16b: {  	[spmem:s2] =	stream.indirect.scatter.add.f32 [tilespmem:s13], [sflag:$0x2], $0x80, s6, s10, $0xb8;
	[tilespmem:$0x1D000] =	vst v63  }
0x16c: {  	s7 =	rddreg [dreg:$0x8]  }
0x16d: {  	[tilespmem:s11], [sflag:$0x1] =	stream.indirect.gather [hbm4b:s0+s10], $0x80, s7, s10, $0xb8;
	[tilespmem:$0x1D000] =	vst v63  }
0x16e: {  	_ =	swait.ge [sflag:s12], $0x4000  }
0x16f: {  	[sflag:s12] =	ssyncset.done $0x0  }
0x170: {  	[sflag:s12] =	ssyncadd.s32 $0xFFFFC000  }
0x171: {  	_ =	swait.ge [sflag:s14], $0x4000  }
0x172: {  	[sflag:s14] =	ssyncset.done $0x0  }
0x173: {  	s6 =	rddreg [dreg:$0x9];
	[sflag:s14] =	ssyncadd.s32 $0xFFFFC000  }
0x174: {  	[spmem:s2] =	stream.indirect.scatter.add.f32 [tilespmem:s11], [sflag:$0x2], $0x80, s6, s10, $0xb8;
	[tilespmem:$0x1D000] =	vst v63  }
0x175: {  	s7 =	rddreg [dreg:$0xa]  }
0x176: {  	[tilespmem:s13], [sflag:$0x1] =	stream.indirect.gather [hbm4b:s0+s10], $0x80, s7, s10, $0xb8;
	[tilespmem:$0x1D000] =	vst v63  }
0x177: {  	_ =	swait.ge [sflag:s12], $0x4000  }
0x178: {  	[sflag:s12] =	ssyncset.done $0x0  }
0x179: {  	[sflag:s12] =	ssyncadd.s32 $0xFFFFC000  }
0x17a: {  	_ =	swait.ge [sflag:s14], $0x4000  }
0x17b: {  	[sflag:s14] =	ssyncset.done $0x0  }
0x17c: {  	s6 =	rddreg [dreg:$0xb];
	[sflag:s14] =	ssyncadd.s32 $0xFFFFC000  }
0x17d: {  	[spmem:s2] =	stream.indirect.scatter.add.f32 [tilespmem:s13], [sflag:$0x2], $0x80, s6, s10, $0xb8;
	[tilespmem:$0x1D000] =	vst v63  }
0x17e: {  	s7 =	rddreg [dreg:$0xc]  }
0x17f: {  	[tilespmem:s11], [sflag:$0x1] =	stream.indirect.gather [hbm4b:s0+s10], $0x80, s7, s10, $0xb8;
	[tilespmem:$0x1D000] =	vst v63  }
0x180: {  	_ =	swait.ge [sflag:s12], $0x4000  }
0x181: {  	[sflag:s12] =	ssyncset.done $0x0  }
0x182: {  	[sflag:s12] =	ssyncadd.s32 $0xFFFFC000  }
0x183: {  	_ =	swait.ge [sflag:s14], $0x4000  }
0x184: {  	[sflag:s14] =	ssyncset.done $0x0  }
0x185: {  	s6 =	rddreg [dreg:$0xd];
	[sflag:s14] =	ssyncadd.s32 $0xFFFFC000  }
0x186: {  	[spmem:s2] =	stream.indirect.scatter.add.f32 [tilespmem:s11], [sflag:$0x2], $0x80, s6, s10, $0xb8;
	[tilespmem:$0x1D000] =	vst v63  }
0x187: {  	s7 =	rddreg [dreg:$0xe]  }
0x188: {  	[tilespmem:s13], [sflag:$0x1] =	stream.indirect.gather [hbm4b:s0+s10], $0x80, s7, s10, $0xb8;
	[tilespmem:$0x1D000] =	vst v63  }
0x189: {  	_ =	swait.ge [sflag:s12], $0x4000  }
0x18a: {  	[sflag:s12] =	ssyncset.done $0x0  }
0x18b: {  	[sflag:s12] =	ssyncadd.s32 $0xFFFFC000  }
0x18c: {  	_ =	swait.ge [sflag:s14], $0x4000  }
0x18d: {  	[sflag:s14] =	ssyncset.done $0x0  }
0x18e: {  	s6 =	rddreg [dreg:$0xf];
	[sflag:s14] =	ssyncadd.s32 $0xFFFFC000  }
0x18f: {  	[spmem:s2] =	stream.indirect.scatter.add.f32 [tilespmem:s13], [sflag:$0x2], $0x80, s6, s10, $0xb8;
	[tilespmem:$0x1D000] =	vst v63  }
0x190: {  	s7 =	rddreg [dreg:$0x10]  }
0x191: {  	[tilespmem:s11], [sflag:$0x1] =	stream.indirect.gather [hbm4b:s0+s10], $0x80, s7, s10, $0xb8;
	[tilespmem:$0x1D000] =	vst v63  }
0x192: {  	_ =	swait.ge [sflag:s12], $0x4000  }
0x193: {  	[sflag:s12] =	ssyncset.done $0x0  }
0x194: {  	[sflag:s12] =	ssyncadd.s32 $0xFFFFC000  }
0x195: {  	_ =	swait.ge [sflag:s14], $0x4000  }
0x196: {  	[sflag:s14] =	ssyncset.done $0x0  }
0x197: {  	s6 =	rddreg [dreg:$0x11];
	[sflag:s14] =	ssyncadd.s32 $0xFFFFC000  }
0x198: {  	[spmem:s2] =	stream.indirect.scatter.add.f32 [tilespmem:s11], [sflag:$0x2], $0x80, s6, s10, $0xb8;
	[tilespmem:$0x1D000] =	vst v63  }
0x199: {  	s7 =	rddreg [dreg:$0x12]  }
0x19a: {  	[tilespmem:s13], [sflag:$0x1] =	stream.indirect.gather [hbm4b:s0+s10], $0x80, s7, s10, $0xb8;
	[tilespmem:$0x1D000] =	vst v63  }
0x19b: {  	_ =	swait.ge [sflag:s12], $0x4000  }
0x19c: {  	[sflag:s12] =	ssyncset.done $0x0  }
0x19d: {  	[sflag:s12] =	ssyncadd.s32 $0xFFFFC000  }
0x19e: {  	_ =	swait.ge [sflag:s14], $0x4000  }
0x19f: {  	[sflag:s14] =	ssyncset.done $0x0  }
0x1a0: {  	[sflag:s14] =	ssyncadd.s32 $0xFFFFC000  }
0x1a1: {  	[spmem:s2] =	stream.indirect.scatter.add.f32 [tilespmem:s13], [sflag:$0x2], $0x80, s15, s10, $0xb8;
	[tilespmem:$0x1D000] =	vst v63  }
0x1a2: {  	_ = 	snop  }
0x1a3: {  	[tilespmem:s11], [sflag:$0x1] =	stream.indirect.gather [hbm4b:s0+s10], $0x80, s16, s10, $0xb8;
	[tilespmem:$0x1D000] =	vst v63  }
0x1a4: {  	_ =	swait.ge [sflag:s12], $0x4000  }
0x1a5: {  	[sflag:s12] =	ssyncset.done $0x0  }
0x1a6: {  	[sflag:s12] =	ssyncadd.s32 $0xFFFFC000  }
0x1a7: {  	_ =	swait.ge [sflag:s14], $0x4000  }
0x1a8: {  	[sflag:s14] =	ssyncset.done $0x0  }
0x1a9: {  	[sflag:s14] =	ssyncadd.s32 $0xFFFFC000  }
0x1aa: {  	[spmem:s2] =	stream.indirect.scatter.add.f32 [tilespmem:s11], [sflag:$0x2], $0x80, s17, s10, $0xb8;
	[tilespmem:$0x1D000] =	vst v63  }
0x1ab: {  	_ = 	snop  }
0x1ac: {  	[tilespmem:s13], [sflag:$0x1] =	stream.indirect.gather [hbm4b:s0+s10], $0x80, s18, s10, $0xb8;
	[tilespmem:$0x1D000] =	vst v63  }
0x1ad: {  	_ =	swait.ge [sflag:s12], $0x4000  }
0x1ae: {  	[sflag:s12] =	ssyncset.done $0x0  }
0x1af: {  	[sflag:s12] =	ssyncadd.s32 $0xFFFFC000  }
0x1b0: {  	_ =	swait.ge [sflag:s14], $0x4000  }
0x1b1: {  	[sflag:s14] =	ssyncset.done $0x0  }
0x1b2: {  	[sflag:s14] =	ssyncadd.s32 $0xFFFFC000  }
0x1b3: {  	[spmem:s2] =	stream.indirect.scatter.add.f32 [tilespmem:s13], [sflag:$0x2], $0x80, s19, s10, $0xb8;
	[tilespmem:$0x1D000] =	vst v63  }
0x1b4: {  	_ = 	snop  }
0x1b5: {  	[tilespmem:s11], [sflag:$0x1] =	stream.indirect.gather [hbm4b:s0+s10], $0x80, s20, s10, $0xb8;
	[tilespmem:$0x1D000] =	vst v63  }
0x1b6: {  	_ =	swait.ge [sflag:s12], $0x4000  }
0x1b7: {  	[sflag:s12] =	ssyncset.done $0x0  }
0x1b8: {  	[sflag:s12] =	ssyncadd.s32 $0xFFFFC000  }
0x1b9: {  	_ =	swait.ge [sflag:s14], $0x4000  }
0x1ba: {  	[sflag:s14] =	ssyncset.done $0x0  }
0x1bb: {  	[sflag:s14] =	ssyncadd.s32 $0xFFFFC000  }
0x1bc: {  	[spmem:s2] =	stream.indirect.scatter.add.f32 [tilespmem:s11], [sflag:$0x2], $0x80, s21, s10, $0xb8;
	[tilespmem:$0x1D000] =	vst v63  }
0x1bd: {  	_ = 	snop  }
0x1be: {  	[tilespmem:s13], [sflag:$0x1] =	stream.indirect.gather [hbm4b:s0+s10], $0x80, s22, s10, $0xb8;
	[tilespmem:$0x1D000] =	vst v63  }
0x1bf: {  	_ =	swait.ge [sflag:s12], $0x4000  }
0x1c0: {  	[sflag:s12] =	ssyncset.done $0x0  }
0x1c1: {  	[sflag:s12] =	ssyncadd.s32 $0xFFFFC000  }
0x1c2: {  	_ =	swait.ge [sflag:s14], $0x4000  }
0x1c3: {  	[sflag:s14] =	ssyncset.done $0x0  }
0x1c4: {  	[sflag:s14] =	ssyncadd.s32 $0xFFFFC000  }
0x1c5: {  	[spmem:s2] =	stream.indirect.scatter.add.f32 [tilespmem:s13], [sflag:$0x2], $0x80, s23, s10, $0xb8;
	[tilespmem:$0x1D000] =	vst v63  }
0x1c6: {  	_ = 	snop  }
0x1c7: {  	[tilespmem:s11], [sflag:$0x1] =	stream.indirect.gather [hbm4b:s0+s10], $0x80, s24, s10, $0xb8;
	[tilespmem:$0x1D000] =	vst v63  }
0x1c8: {  	_ =	swait.ge [sflag:s12], $0x4000  }
0x1c9: {  	[sflag:s12] =	ssyncset.done $0x0  }
0x1ca: {  	[sflag:s12] =	ssyncadd.s32 $0xFFFFC000  }
0x1cb: {  	_ =	swait.ge [sflag:s14], $0x4000  }
0x1cc: {  	[sflag:s14] =	ssyncset.done $0x0  }
0x1cd: {  	[sflag:s14] =	ssyncadd.s32 $0xFFFFC000  }
0x1ce: {  	[spmem:s2] =	stream.indirect.scatter.add.f32 [tilespmem:s11], [sflag:$0x2], $0x80, s25, s10, $0xb8;
	[tilespmem:$0x1D000] =	vst v63  }
0x1cf: {  	_ = 	snop  }
0x1d0: {  	[tilespmem:s13], [sflag:$0x1] =	stream.indirect.gather [hbm4b:s0+s10], $0x80, s26, s10, $0xb8;
	[tilespmem:$0x1D000] =	vst v63  }
0x1d1: {  	_ =	swait.ge [sflag:s12], $0x4000  }
0x1d2: {  	[sflag:s12] =	ssyncset.done $0x0  }
0x1d3: {  	[sflag:s12] =	ssyncadd.s32 $0xFFFFC000  }
0x1d4: {  	_ =	swait.ge [sflag:s14], $0x4000  }
0x1d5: {  	[sflag:s14] =	ssyncset.done $0x0  }
0x1d6: {  	[sflag:s14] =	ssyncadd.s32 $0xFFFFC000  }
0x1d7: {  	[spmem:s2] =	stream.indirect.scatter.add.f32 [tilespmem:s13], [sflag:$0x2], $0x80, s28, s10, $0xb8;
	[tilespmem:$0x1D000] =	vst v63  }
0x1d8: {  	_ = 	snop  }
0x1d9: {  	[tilespmem:s11], [sflag:$0x1] =	stream.indirect.gather [hbm4b:s0+s10], $0x80, s29, s10, $0xb8;
	[tilespmem:$0x1D000] =	vst v63  }
0x1da: {  	_ =	swait.ge [sflag:s12], $0x4000  }
0x1db: {  	[sflag:s12] =	ssyncset.done $0x0  }
0x1dc: {  	[sflag:s12] =	ssyncadd.s32 $0xFFFFC000  }
0x1dd: {  	_ =	swait.ge [sflag:s14], $0x4000  }
0x1de: {  	[sflag:s14] =	ssyncset.done $0x0  }
0x1df: {  	[sflag:s14] =	ssyncadd.s32 $0xFFFFC000  }
0x1e0: {  	[spmem:s2] =	stream.indirect.scatter.add.f32 [tilespmem:s11], [sflag:$0x2], $0x80, s30, s10, $0xb8;
	[tilespmem:$0x1D000] =	vst v63  }
0x1e1: {  	_ = 	snop  }
0x1e2: {  	[tilespmem:s13], [sflag:$0x1] =	stream.indirect.gather [hbm4b:s0+s10], $0x80, s31, s10, $0xb8;
	[tilespmem:$0x1D000] =	vst v63  }
0x1e3: {  	_ =	swait.ge [sflag:s12], $0x4000  }
0x1e4: {  	[sflag:s12] =	ssyncset.done $0x0  }
0x1e5: {  	[sflag:s12] =	ssyncadd.s32 $0xFFFFC000  }
0x1e6: {  	_ =	swait.ge [sflag:s14], $0x4000  }
0x1e7: {  	[sflag:s14] =	ssyncset.done $0x0  }
0x1e8: {  	[sflag:s14] =	ssyncadd.s32 $0xFFFFC000  }
0x1e9: {  	[spmem:s2] =	stream.indirect.scatter.add.f32 [tilespmem:s13], [sflag:$0x2], $0x80, s1, s10, $0xb8;
	[tilespmem:$0x1D000] =	vst v63  }
0x1ea: {  	_ =	swait.ge [sflag:s14], $0x4000  }
0x1eb: {  	[sflag:s14] =	ssyncset.done $0x0  }
0x1ec: {  	[sflag:s14] =	ssyncadd.s32 $0xFFFFC000  }
0x1ed: {  	[bflag:$0x0] =	sbarrier.arrive $0xFFFF  }
0x1ee: {  	s5 =	rddreg [dreg:$0x14]  }
0x1ef: {  	s4 =	simm.s32 @!p0 $0x1C03;
	s6 =	rddreg [dreg:$0x16]  }
0x1f0: {  	[hbm:s5], [sflag:s4] =	dma.local @!p0 [spmem:s6], $0x28000  }
0x1f1: {  	s4 =	simm.s32 @!p0 $0x3  }
0x1f2: {  	_ =	swait.ge @!p0 [sflag:s4], $0x28000  }
0x1f3: {  	s5 =	rddreg [dreg:$0x17]  }
0x1f4: {  	s7 =	sadd.s32 $0x1, s5;
	s5 =	rddreg [dreg:$0x15]  }
0x1f5: {  	p1 =	sne.s32 s7, s5  }
.Ltmp1:
0x1f6: {  	_ = 	snop;
	(pc) =	sbr.rel @p1 .LBB2_1-.Ltmp1, $3  }
0x1f7: {  	_ =	sdelay $0x1  }
0x1f8: {  	[sflag:s4] =	ssyncset.done @!p0 $0x0  }
0x1f9: {  	[sflag:s4] =	ssyncadd.s32 @!p0 $0xFFFD8000  }
0x1fa: {  	_ =	sfence.sel $0x180000  }
0x1fb: {  	[bflag:$0x0] =	sbarrier.arrive $0xFFFF  }
0x1fc: {  	_ =	strace $0x90000047  }
0x1fd: {  	[bflag:$0x2] =	sbarrier.arrive $0xFFFF  }
0x1fe: {  	s0 =	rddreg [dreg:$0x4]  }
0x1ff: {  	s0 =	sadd.s32 @!p0 $0x100000, s0  }
0x200: {  	[sflag:s0] =	ssyncadd.tile.s32 @!p0 $0x1;
	_ =	shalt  }
.Lfunc_end2:
_tile_overlayer_lowered:
.L_overlay_start_2:
0x201: {  	(tag) =	ssettag $0x2  }
0x202: {  	s0 =	rddreg [dreg:$0x0];
	s2 =	stileid.u32  }
0x203: {  	s1 =	rddreg [dreg:$0x1];
	p0 =	sne.s32 s2, $0x0  }
0x204: {  	s3 =	rddreg [dreg:$0x2];
	[bflag:$0x3] =	sbarrier.arrive $0xFFFF;
	s2 =	simm.s32 @!p0 $0x1C03  }
0x205: {  	[timem:s3], [sflag:s2] =	dma.local @!p0 [hbm:s0], s1  }
0x206: {  	s0 =	simm.s32 @!p0 $0x3  }
0x207: {  	_ =	swait.ge @!p0 [sflag:s0], s1  }
0x208: {  	s1 =	ssub.s32 @!p0 $0x0, s1;
	[sflag:s0] =	ssyncset.done @!p0 $0x0  }
0x209: {  	[sflag:s0] =	ssyncadd.s32 @!p0 s1  }
0x20a: {  	[bflag:$0x3] =	sbarrier.arrive $0xFFFF  }
0x20b: {  	_ =	shalt  }

// kernel: kernel.16.cloned.1.call-start
scs
__scs_entry_jumppad:
0x0: {  	(pc) =	sbr.rel $0x88, $3  }
0x1: {  	(tag) =	ssettag $0x0;
	lr =	simm.s32 $0x1  }
0x2: {  	[smem:$0x3F94] =	sst lr;
	_ =	strace $0xD0000000  }
0x3: {  	_ = 	snop  }
0x4: {  	_ = 	snop  }
0x5: {  	_ = 	snop  }
0x6: {  	_ = 	snop  }
0x7: {  	_ = 	snop  }
__scs_overlays_trampoline_lowered:
0x8: {  	[smem:$0x3FA3] =	sst s0  }
0x9: {  	[smem:$0x3FA4] =	sst s1  }
0xa: {  	[smem:$0x3FA5] =	sst s2  }
0xb: {  	[smem:$0x3FA6] =	sst s3  }
0xc: {  	[smem:$0x3FA7] =	sst s4  }
0xd: {  	[smem:$0x3FA8] =	sst s5  }
0xe: {  	[smem:$0x3FA9] =	sst s6  }
0xf: {  	[smem:$0x3FAA] =	sst s7  }
0x10: {  	[smem:$0x3FAB] =	sst s8  }
0x11: {  	[smem:$0x3FAC] =	sst s9;
	s0 =	simm.s32 @!p0 $0x0  }
0x12: {  	s1 =	sld [smem:$0x3F92];
	s0 =	simm.s32 @p0 $0x1  }
0x13: {  	[smem:$0x3FAD] =	sst s0;
	s0 =	simm.s32 @!p1 $0x0  }
0x14: {  	s2 =	sld [smem:$0x3F91];
	s0 =	simm.s32 @p1 $0x1  }
0x15: {  	[smem:$0x3FAE] =	sst s0;
	s0 =	simm.s32 @!p2 $0x0  }
0x16: {  	s3 =	sld [smem:$0x3FDB];
	s0 =	simm.s32 @p2 $0x1  }
0x17: {  	s4 =	simm.s32 $0x1BF5;
	[smem:$0x3FB0] =	sst s0  }
0x18: {  	s0 =	sld [smem:$0x3F93];
	_ =	swait.ge [sflag:s4], $0x0  }
0x19: {  	s7 =	sld [smem:$0x3F94]  }
0x1a: {  	s8 =	sadd.s32 $0xFFFFE003, lr  }
0x1b: {  	s9 =	sadd.s32 $0xFFFFFEF7, lr;
	s5 =	simm.s32 $0xFFFFFFFF;
	p2 =	slt.u32 s8, $0xFFFFF086  }
0x1c: {  	p1 =	slt.u32 s9, $0xF7A;
	s5 =	simm.s32 @!p2 $0x0  }
0x1d: {  	s5 =	simm.s32 @p1 $0x1;
	p0 =	seq.s32 s7, s2  }
0x1e: {  	s7 =	smul.u32 @!p0 $0xF7A, s2;
	p2 =	seq.s32 @!p0 s5, $0x0  }
0x1f: {  	s9 =	smul.u32 $0xF7A, s1;
	s8 =	simm.s32 @!p0 $0x1BF5;
	p2 =	por !p2, p0  }
0x20: {  	[sflag:s8] =	ssyncset.s32 @!p0 $0xFFFFF086;
	s6 =	sadd.s32 @!p0 s3, s7;
	s7 =	simm.s32 @!p0 $0x108  }
0x21: {  	s3 =	sadd.s32 s3, s9;
	s6 =	sadd.s32 @!p0 $0x88, s6;
	s7 =	simm.s32 @p2 $0x1082  }
0x22: {  	[simem:s7], [sflag:s8] =	dma.local @!p0 [hbm:s6], $0xF7A  }
0x23: {  	s9 =	sor.u32 $0xD0000000, s2;
	s6 =	simm.s32 $0x108;
	_ =	swait.ge @!p0 [sflag:s8], $0x0  }
0x24: {  	s3 =	sadd.s32 $0x88, s3;
	s6 =	simm.s32 @!p1 $0x1082;
	[sflag:s4] =	ssyncset.s32 $0xFFFFF086  }
0x25: {  	[simem:s6], [sflag:s4] =	dma.local [hbm:s3], $0xF7A  }
0x26: {  	[smem:$0x3F94] =	sst s1;
	(tag) =	ssettag s2;
	_ =	strace s9  }
0x27: {  	s1 =	sld [smem:$0x3FA4]  }
0x28: {  	s2 =	sld [smem:$0x3FA5]  }
0x29: {  	s4 =	sld [smem:$0x3FA7]  }
0x2a: {  	p0 =	seq.s32 s5, $0x0;
	s5 =	sld [smem:$0x3FA8]  }
0x2b: {  	s6 =	sld [smem:$0x3FA9]  }
0x2c: {  	s7 =	sld [smem:$0x3FAA]  }
0x2d: {  	s3 =	simm.s32 $0x108;
	s8 =	sld [smem:$0x3FAB]  }
0x2e: {  	s3 =	simm.s32 @!p0 $0x1082;
	s9 =	sld [smem:$0x3FAC]  }
0x2f: {  	lr =	sadd.s32 s0, s3;
	s0 =	sld [smem:$0x3FA3]  }
0x30: {  	s3 =	sld [smem:$0x3FA6]  }
0x31: {  	[smem:$0x3FAF] =	sst s10  }
0x32: {  	s10 =	sld [smem:$0x3FAD];
	_ =	sdelay $0x3  }
0x33: {  	p0 =	seq.s32 s10, $0x1;
	s10 =	sld [smem:$0x3FAF];
	_ =	sdelay $0x3  }
0x34: {  	[smem:$0x3FAF] =	sst s10  }
0x35: {  	s10 =	sld [smem:$0x3FAE];
	_ =	sdelay $0x3  }
0x36: {  	p1 =	seq.s32 s10, $0x1;
	s10 =	sld [smem:$0x3FAF];
	_ =	sdelay $0x3  }
0x37: {  	[smem:$0x3FAF] =	sst s10  }
0x38: {  	s10 =	sld [smem:$0x3FB0]  }
0x39: {  	_ = 	snop;
	(pc) =	sbr.ind lr, $3  }
0x3a: {  	_ = 	snop  }
0x3b: {  	_ = 	snop  }
0x3c: {  	p2 =	seq.s32 s10, $0x1;
	s10 =	sld [smem:$0x3FAF]  }
0x3d: {  	_ =	shalt  }
0x3e: {  	_ =	shalt  }
0x3f: {  	_ =	shalt  }
0x40: {  	_ =	shalt  }
0x41: {  	_ =	shalt  }
0x42: {  	_ =	shalt  }
0x43: {  	_ =	shalt  }
0x44: {  	_ =	shalt  }
0x45: {  	_ =	shalt  }
0x46: {  	_ =	shalt  }
0x47: {  	_ =	shalt  }
0x48: {  	_ =	shalt  }
0x49: {  	_ =	shalt  }
0x4a: {  	_ =	shalt  }
0x4b: {  	_ =	shalt  }
0x4c: {  	_ =	shalt  }
0x4d: {  	_ =	shalt  }
0x4e: {  	_ =	shalt  }
0x4f: {  	_ =	shalt  }
0x50: {  	_ =	shalt  }
0x51: {  	_ =	shalt  }
0x52: {  	_ =	shalt  }
0x53: {  	_ =	shalt  }
0x54: {  	_ =	shalt  }
0x55: {  	_ =	shalt  }
0x56: {  	_ =	shalt  }
0x57: {  	_ =	shalt  }
0x58: {  	_ =	shalt  }
0x59: {  	_ =	shalt  }
0x5a: {  	_ =	shalt  }
0x5b: {  	_ =	shalt  }
0x5c: {  	_ =	shalt  }
0x5d: {  	_ =	shalt  }
0x5e: {  	_ =	shalt  }
0x5f: {  	_ =	shalt  }
0x60: {  	_ =	shalt  }
0x61: {  	_ =	shalt  }
0x62: {  	_ =	shalt  }
0x63: {  	_ =	shalt  }
0x64: {  	_ =	shalt  }
0x65: {  	_ =	shalt  }
0x66: {  	_ =	shalt  }
0x67: {  	_ =	shalt  }
0x68: {  	_ =	shalt  }
0x69: {  	_ =	shalt  }
0x6a: {  	_ =	shalt  }
0x6b: {  	_ =	shalt  }
0x6c: {  	_ =	shalt  }
0x6d: {  	_ =	shalt  }
0x6e: {  	_ =	shalt  }
0x6f: {  	_ =	shalt  }
0x70: {  	_ =	shalt  }
0x71: {  	_ =	shalt  }
0x72: {  	_ =	shalt  }
0x73: {  	_ =	shalt  }
0x74: {  	_ =	shalt  }
0x75: {  	_ =	shalt  }
0x76: {  	_ =	shalt  }
0x77: {  	_ =	shalt  }
0x78: {  	_ =	shalt  }
0x79: {  	_ =	shalt  }
0x7a: {  	_ =	shalt  }
0x7b: {  	_ =	shalt  }
0x7c: {  	_ =	shalt  }
0x7d: {  	_ =	shalt  }
0x7e: {  	_ =	shalt  }
0x7f: {  	_ =	shalt  }
0x80: {  	_ =	shalt  }
0x81: {  	_ =	shalt  }
0x82: {  	_ =	shalt  }
0x83: {  	_ =	shalt  }
0x84: {  	_ =	shalt  }
0x85: {  	_ =	shalt  }
0x86: {  	_ =	shalt  }
0x87: {  	_ =	shalt  }
.Lfunc_end0:
.L_simem_size_0:
called_computation.2_lowered:
.L_overlay_start_0:
0x88: {  	s2 =	sld [smem:$0x3FD9]  }
0x89: {  	s3 =	sld [smem:$0x3FFE];
	_ =	sdelay $0x1  }
0x8a: {  	s1 =	srdreg.scid  }
0x8b: {  	s0 =	sand.u32 $0x1, s1  }
0x8c: {  	s17 =	sshll.u32 s0, $0xA;
	s2 =	sadd.s32 s3, s2  }
0x8d: {  	s2 =	sadd.s32 s2, s17  }
0x8e: {  	[smem:$0x3FBB] =	sst s2  }
0x8f: {  	_ = 	snop  }
0x90: {  	s2 =	sld [smem:$0x3FD0];
	(tm) =	ssettm $0x1  }
0x91: {  	s18 =	sld [smem:$0x3FFB];
	_ =	sdelay $0x3  }
0x92: {  	_ =	strace s18  }
0x93: {  	s3 =	sld [smem:$0x3FFC];
	_ =	sdelay $0x3  }
0x94: {  	_ =	strace s3  }
0x95: {  	s3 =	sld [smem:$0x3FFD];
	_ =	sdelay $0x3  }
0x96: {  	_ =	strace s3  }
0x97: {  	_ =	strace $0x8FFFFFFF  }
0x98: {  	s19 =	sld [smem:$0x3FDB];
	_ =	sdelay $0x1  }
0x99: {  	s4 =	simm.s32 $_scs_section_size  }
0x9a: {  	s5 =	simm.s32 $_size__tile_overlayer_lowered;
	s6 =	simm.s32 $_tile_overlayer_lowered  }
0x9b: {  	s22 =	simm.s32 $0x1BFF;
	s21 =	sshll.u32 s6, $0x1;
	s3 =	sadd.s32 s4, s19  }
0x9c: {  	s7 =	simm.s32 $0x0;
	s20 =	sshll.u32 s5, $0x1;
	s5 =	sadd.s32 s21, s3  }
0x9d: {  	[timem:s7], [sflag:s22] =	dma.local [hbm:s5], s20  }
0x9e: {  	_ =	swait.ge [sflag:s22], s20  }
0x9f: {  	s4 =	ssub.s32 $0x0, s20;
	[sflag:s22] =	ssyncset.done $0x0  }
0xa0: {  	[sflag:s22] =	ssyncadd.s32 s4;
	_ =	sdelay $0x1  }
0xa1: {  	s23 =	simm.s32 $0x1B8B  }
0xa2: {  	_ =	swait.ge [sflag:s23], $0x1  }
0xa3: {  	[sflag:s23] =	ssyncset.done $0x0  }
0xa4: {  	s25 =	simm.s32 $0x1B8E;
	s24 =	sld [smem:$0x3FFE];
	[sflag:s23] =	ssyncadd.s32 $0xFFFFFFFF  }
0xa5: {  	s26 =	simm.s32 $execute0_lowered;
	[smem:$0x3FD2] =	sst s25  }
0xa6: {  	s5 =	sshll.u32 s26, $0x1;
	_ =	strace $0x8000004C;
	[dreg:$0x1] =	wrdreg $0xFFFFFFFF  }
0xa7: {  	s28 =	simm.s32 $_size_execute0_lowered;
	s3 =	sadd.s32 s3, s5;
	[dreg:$0x0] =	wrdreg $0x0  }
0xa8: {  	s5 =	sshll.u32 s28, $0x1;
	[dreg:$0x2] =	wrdreg s3  }
0xa9: {  	[dreg:$0x3] =	wrdreg s5  }
0xaa: {  	[dreg:$0x4] =	wrdreg $0xC0  }
0xab: {  	_ =	task [dreg:s7], $0x5FFFF  }
0xac: {  	[dreg:$0x1] =	wrdreg $0xFFFFFFFF  }
0xad: {  	[dreg:$0x0] =	wrdreg $0x60  }
0xae: {  	[dreg:$0x2] =	wrdreg s24  }
0xaf: {  	[dreg:$0x3] =	wrdreg s2  }
0xb0: {  	[dreg:$0x4] =	wrdreg $0x90000  }
0xb1: {  	[dreg:$0x5] =	wrdreg $0x9  }
0xb2: {  	_ =	task.clear_ibuf [dreg:s7], $0x6FFFF;
	_ =	strace $0x9000004C  }
0xb3: {  	s29 =	simm.s32 $0x9;
	_ =	strace $0x8000004E  }
0xb4: {  	_ =	swait.ge [sflag:s29], $0x1  }
0xb5: {  	[sflag:s29] =	ssyncadd.s32 $0xFFFFFFFF  }
0xb6: {  	_ =	strace $0x9000004E  }
0xb7: {  	_ =	sfence  }
0xb8: {  	s30 =	sld [smem:$0x0];
	_ =	sdelay $0x2  }
0xb9: {  	s31 =	sshll.u32 s1, $0xD;
	s1 =	sshrl.u32 s1, $0x2  }
0xba: {  	s3 =	sand.u32 $0x4000, s31;
	s1 =	sadd.s32 s1, s30  }
0xbb: {  	s0 =	sor.u32 s3, s0;
	s1 =	sshll.u32 s1, $0x11  }
0xbc: {  	s0 =	sor.u32 s1, s0  }
0xbd: {  	s0 =	sadd.s32 $0x8F2B, s0  }
0xbe: {  	[sflag:s0] =	ssyncadd.remote.s32 $0x1  }
0xbf: {  	_ =	sfence.sel $0xFFFF  }
0xc0: {  	[dreg:$0x0] =	wrdreg $0xFFFFFFFF;
	(pc) =	sbr.abs _section_cstart, $3  }
0xc1: {  	[dreg:$0x1] =	wrdreg $0xFFFFFFFF  }
0xc2: {  	_ =	task.clear_ibuf [dreg:s7], $0x2FFFF;
	_ =	strace $0x9FFFFFFF  }
0xc3: {  	(tm) =	ssettm $0x7FFFFFFF  }
tec
execute0_lowered:
.L_overlay_start_1:
0x0: {  	(tag) =	ssettag $0x1  }
0x1: {  	s0 =	rddreg [dreg:$0x0]  }
0x2: {  	s4 =	rddreg [dreg:$0x1];
	s2 =	srdreg.scid  }
0x3: {  	s5 =	stileid.u32;
	s1 =	rddreg [dreg:$0x2];
	s13 =	simm.s32 $0x880  }
0x4: {  	s15 =	simm.s32 $0x100;
	s6 =	sand.u32 $0x1, s2;
	s2 =	simm.s32 $0x0  }
0x5: {  	s16 =	simm.s32 $0x900;
	s10 =	sadd.s32 $0xD400, s0;
	[smem:$0x7FF] =	sst s2  }
0x6: {  	s17 =	simm.s32 $0x180;
	_ =	strace $0x8000004D;
	[dreg:$0x12] =	wrdreg s10  }
0x7: {  	s19 =	simm.s32 $0x980;
	s20 =	simm.s32 $0x200;
	[dreg:$0x6] =	wrdreg s13  }
0x8: {  	s21 =	simm.s32 $0xA00;
	s22 =	simm.s32 $0x280;
	[dreg:$0x7] =	wrdreg s15  }
0x9: {  	s23 =	simm.s32 $0xA80;
	s24 =	simm.s32 $0x300;
	[dreg:$0x8] =	wrdreg s16  }
0xa: {  	s11 =	simm.s32 $0x1000;
	s25 =	simm.s32 $0xB00;
	[dreg:$0x9] =	wrdreg s17  }
0xb: {  	s26 =	simm.s32 $0x380;
	s28 =	simm.s32 $0xE80;
	[dreg:$0xa] =	wrdreg s19  }
0xc: {  	s29 =	simm.s32 $0x700;
	s30 =	simm.s32 $0xF00;
	[dreg:$0xb] =	wrdreg s20  }
0xd: {  	s31 =	simm.s32 $0x780;
	s3 =	sshll.u32 s5, $0x1;
	[dreg:$0xc] =	wrdreg s21  }
0xe: {  	p0 =	sne.s32 s5, $0x0;
	s3 =	sor.u32 s6, s3;
	[dreg:$0xd] =	wrdreg s22  }
0xf: {  	s8 =	smul.u32 $0x28000, s6;
	s6 =	ssub.s32 $0x2, s6;
	[dreg:$0xe] =	wrdreg s23  }
0x10: {  	s7 =	smul.u32 $0x500, s3;
	s3 =	sadd.s32 $0x35400, s0;
	[dreg:$0xf] =	wrdreg s24  }
0x11: {  	s14 =	sshrl.u32 s6, $0x1;
	s10 =	simm.s32 $0x80;
	[dreg:$0x10] =	wrdreg s25  }
0x12: {  	s13 =	simm.s32 $0x5000;
	[dreg:$0x11] =	wrdreg s26;
	s15 =	simm.s32 $0xB80  }
0x13: {  	s16 =	simm.s32 $0x400;
	s17 =	simm.s32 $0xC00;
	s19 =	simm.s32 $0xC80  }
0x14: {  	s20 =	simm.s32 $0x500;
	s21 =	simm.s32 $0xD00;
	s22 =	simm.s32 $0x580  }
0x15: {  	s23 =	simm.s32 $0xD80;
	s24 =	simm.s32 $0x600;
	s25 =	simm.s32 $0xE00  }
0x16: {  	s26 =	simm.s32 $0x680;
	s6 =	ssub.s32 s6, s14;
	s14 =	simm.s32 $0x2  }
0x17: {  	s9 =	sadd.s32 s7, s0;
	s4 =	sadd.s32 s4, s7;
	s0 =	sadd.s32 s8, s0  }
0x18: {  	s18 =	smax.u32 s6, $0x1;
	s6 =	sshrl.u32 @!p0 s1, $0x3;
	[dreg:$0x4] =	wrdreg s4  }
0x19: {  	s8 =	simm.s32 $0x3;
	s7 =	simm.s32 $0x0;
	[dreg:$0x14] =	wrdreg s18  }
0x1a: {  	s12 =	sadd.s32 $0x3400, s9;
	s0 =	sadd.s32 $0xD5C00, s0;
	[dreg:$0x15] =	wrdreg s6  }
0x1b: {  	s9 =	simm.s32 $0x800;
	s18 =	simm.s32 $0x480;
	[dreg:$0x5] =	wrdreg s12  }
0x1c: {  	[dreg:$0x13] =	wrdreg s0;
	s12 =	simm.s32 $0x1;
	s0 =	simm.s32 $0xF80  }
.LBB2_1:
0x1d: {  	[dreg:$0x16] =	wrdreg s7  }
0x1e: {  	s5 =	simm.s32 @!p0 $0x1C03;
	s4 =	rddreg [dreg:$0x12]  }
0x1f: {  	[spmem:s6], [sflag:s5] =	dma.local @!p0 [hbm:s4], $0x28000  }
0x20: {  	s5 =	simm.s32 @!p0 $0x3  }
0x21: {  	_ =	swait.ge @!p0 [sflag:s5], $0x28000  }
0x22: {  	[sflag:s5] =	ssyncset.done @!p0 $0x0  }
0x23: {  	[sflag:s5] =	ssyncadd.s32 @!p0 $0xFFFD8000  }
0x24: {  	[bflag:$0x0] =	sbarrier.arrive $0xFFFF  }
0x25: {  	s4 =	rddreg [dreg:$0x4]  }
0x26: {  	s5 =	sadd.s32 $0x0, s4  }
0x27: {  	[tilespmem:s2], [sflag:$0x3] =	stream.linear.gather [hbm4b:s5+s2], $0x800, $0x38;
	[tilespmem:$0x1D000] =	vst v63  }
0x28: {  	_ =	swait.ge [sflag:s8], $0x800  }
0x29: {  	s6 =	rddreg [dreg:$0x5];
	[sflag:s8] =	ssyncset.done $0x0  }
0x2a: {  	[sflag:s8] =	ssyncadd.s32 $0xFFFFF800;
	s5 =	sadd.s32 $0x0, s6  }
0x2b: {  	[tilespmem:s9], [sflag:$0x3] =	stream.linear.gather [hbm4b:s5+s2], $0x800, $0x38;
	[tilespmem:$0x1D000] =	vst v63  }
0x2c: {  	_ =	swait.ge [sflag:s8], $0x800  }
0x2d: {  	[sflag:s8] =	ssyncset.done $0x0  }
0x2e: {  	[sflag:s8] =	ssyncadd.s32 $0xFFFFF800  }
0x2f: {  	[tilespmem:s11], [sflag:$0x1] =	stream.indirect.gather [hbm4b:s3+s10], $0x80, s2, s10, $0xb8;
	[tilespmem:$0x1D000] =	vst v63  }
0x30: {  	_ =	swait.ge [sflag:s12], $0x4000  }
0x31: {  	[sflag:s12] =	ssyncset.done $0x0  }
0x32: {  	[sflag:s12] =	ssyncadd.s32 $0xFFFFC000  }
0x33: {  	[spmem:s1] =	stream.indirect.scatter.add.f32 [tilespmem:s11], [sflag:$0x2], $0x80, s9, s10, $0xb8;
	[tilespmem:$0x1D000] =	vst v63  }
0x34: {  	_ = 	snop  }
0x35: {  	[tilespmem:s13], [sflag:$0x1] =	stream.indirect.gather [hbm4b:s3+s10], $0x80, s10, s10, $0xb8;
	[tilespmem:$0x1D000] =	vst v63  }
0x36: {  	_ =	swait.ge [sflag:s12], $0x4000  }
0x37: {  	[sflag:s12] =	ssyncset.done $0x0  }
0x38: {  	[sflag:s12] =	ssyncadd.s32 $0xFFFFC000  }
0x39: {  	_ =	swait.ge [sflag:s14], $0x4000  }
0x3a: {  	[sflag:s14] =	ssyncset.done $0x0  }
0x3b: {  	s7 =	rddreg [dreg:$0x6];
	[sflag:s14] =	ssyncadd.s32 $0xFFFFC000  }
0x3c: {  	[spmem:s1] =	stream.indirect.scatter.add.f32 [tilespmem:s13], [sflag:$0x2], $0x80, s7, s10, $0xb8;
	[tilespmem:$0x1D000] =	vst v63  }
0x3d: {  	s4 =	rddreg [dreg:$0x7]  }
0x3e: {  	[tilespmem:s11], [sflag:$0x1] =	stream.indirect.gather [hbm4b:s3+s10], $0x80, s4, s10, $0xb8;
	[tilespmem:$0x1D000] =	vst v63  }
0x3f: {  	_ =	swait.ge [sflag:s12], $0x4000  }
0x40: {  	[sflag:s12] =	ssyncset.done $0x0  }
0x41: {  	[sflag:s12] =	ssyncadd.s32 $0xFFFFC000  }
0x42: {  	_ =	swait.ge [sflag:s14], $0x4000  }
0x43: {  	[sflag:s14] =	ssyncset.done $0x0  }
0x44: {  	s7 =	rddreg [dreg:$0x8];
	[sflag:s14] =	ssyncadd.s32 $0xFFFFC000  }
0x45: {  	[spmem:s1] =	stream.indirect.scatter.add.f32 [tilespmem:s11], [sflag:$0x2], $0x80, s7, s10, $0xb8;
	[tilespmem:$0x1D000] =	vst v63  }
0x46: {  	s4 =	rddreg [dreg:$0x9]  }
0x47: {  	[tilespmem:s13], [sflag:$0x1] =	stream.indirect.gather [hbm4b:s3+s10], $0x80, s4, s10, $0xb8;
	[tilespmem:$0x1D000] =	vst v63  }
0x48: {  	_ =	swait.ge [sflag:s12], $0x4000  }
0x49: {  	[sflag:s12] =	ssyncset.done $0x0  }
0x4a: {  	[sflag:s12] =	ssyncadd.s32 $0xFFFFC000  }
0x4b: {  	_ =	swait.ge [sflag:s14], $0x4000  }
0x4c: {  	[sflag:s14] =	ssyncset.done $0x0  }
0x4d: {  	s7 =	rddreg [dreg:$0xa];
	[sflag:s14] =	ssyncadd.s32 $0xFFFFC000  }
0x4e: {  	[spmem:s1] =	stream.indirect.scatter.add.f32 [tilespmem:s13], [sflag:$0x2], $0x80, s7, s10, $0xb8;
	[tilespmem:$0x1D000] =	vst v63  }
0x4f: {  	s4 =	rddreg [dreg:$0xb]  }
0x50: {  	[tilespmem:s11], [sflag:$0x1] =	stream.indirect.gather [hbm4b:s3+s10], $0x80, s4, s10, $0xb8;
	[tilespmem:$0x1D000] =	vst v63  }
0x51: {  	_ =	swait.ge [sflag:s12], $0x4000  }
0x52: {  	[sflag:s12] =	ssyncset.done $0x0  }
0x53: {  	[sflag:s12] =	ssyncadd.s32 $0xFFFFC000  }
0x54: {  	_ =	swait.ge [sflag:s14], $0x4000  }
0x55: {  	[sflag:s14] =	ssyncset.done $0x0  }
0x56: {  	s7 =	rddreg [dreg:$0xc];
	[sflag:s14] =	ssyncadd.s32 $0xFFFFC000  }
0x57: {  	[spmem:s1] =	stream.indirect.scatter.add.f32 [tilespmem:s11], [sflag:$0x2], $0x80, s7, s10, $0xb8;
	[tilespmem:$0x1D000] =	vst v63  }
0x58: {  	s4 =	rddreg [dreg:$0xd]  }
0x59: {  	[tilespmem:s13], [sflag:$0x1] =	stream.indirect.gather [hbm4b:s3+s10], $0x80, s4, s10, $0xb8;
	[tilespmem:$0x1D000] =	vst v63  }
0x5a: {  	_ =	swait.ge [sflag:s12], $0x4000  }
0x5b: {  	[sflag:s12] =	ssyncset.done $0x0  }
0x5c: {  	[sflag:s12] =	ssyncadd.s32 $0xFFFFC000  }
0x5d: {  	_ =	swait.ge [sflag:s14], $0x4000  }
0x5e: {  	[sflag:s14] =	ssyncset.done $0x0  }
0x5f: {  	s7 =	rddreg [dreg:$0xe];
	[sflag:s14] =	ssyncadd.s32 $0xFFFFC000  }
0x60: {  	[spmem:s1] =	stream.indirect.scatter.add.f32 [tilespmem:s13], [sflag:$0x2], $0x80, s7, s10, $0xb8;
	[tilespmem:$0x1D000] =	vst v63  }
0x61: {  	s4 =	rddreg [dreg:$0xf]  }
0x62: {  	[tilespmem:s11], [sflag:$0x1] =	stream.indirect.gather [hbm4b:s3+s10], $0x80, s4, s10, $0xb8;
	[tilespmem:$0x1D000] =	vst v63  }
0x63: {  	_ =	swait.ge [sflag:s12], $0x4000  }
0x64: {  	[sflag:s12] =	ssyncset.done $0x0  }
0x65: {  	[sflag:s12] =	ssyncadd.s32 $0xFFFFC000  }
0x66: {  	_ =	swait.ge [sflag:s14], $0x4000  }
0x67: {  	[sflag:s14] =	ssyncset.done $0x0  }
0x68: {  	s6 =	rddreg [dreg:$0x10];
	[sflag:s14] =	ssyncadd.s32 $0xFFFFC000  }
0x69: {  	[spmem:s1] =	stream.indirect.scatter.add.f32 [tilespmem:s11], [sflag:$0x2], $0x80, s6, s10, $0xb8;
	[tilespmem:$0x1D000] =	vst v63  }
0x6a: {  	s7 =	rddreg [dreg:$0x11]  }
0x6b: {  	[tilespmem:s13], [sflag:$0x1] =	stream.indirect.gather [hbm4b:s3+s10], $0x80, s7, s10, $0xb8;
	[tilespmem:$0x1D000] =	vst v63  }
0x6c: {  	_ =	swait.ge [sflag:s12], $0x4000  }
0x6d: {  	[sflag:s12] =	ssyncset.done $0x0  }
0x6e: {  	[sflag:s12] =	ssyncadd.s32 $0xFFFFC000  }
0x6f: {  	_ =	swait.ge [sflag:s14], $0x4000  }
0x70: {  	[sflag:s14] =	ssyncset.done $0x0  }
0x71: {  	[sflag:s14] =	ssyncadd.s32 $0xFFFFC000  }
0x72: {  	[spmem:s1] =	stream.indirect.scatter.add.f32 [tilespmem:s13], [sflag:$0x2], $0x80, s15, s10, $0xb8;
	[tilespmem:$0x1D000] =	vst v63  }
0x73: {  	_ = 	snop  }
0x74: {  	[tilespmem:s11], [sflag:$0x1] =	stream.indirect.gather [hbm4b:s3+s10], $0x80, s16, s10, $0xb8;
	[tilespmem:$0x1D000] =	vst v63  }
0x75: {  	_ =	swait.ge [sflag:s12], $0x4000  }
0x76: {  	[sflag:s12] =	ssyncset.done $0x0  }
0x77: {  	[sflag:s12] =	ssyncadd.s32 $0xFFFFC000  }
0x78: {  	_ =	swait.ge [sflag:s14], $0x4000  }
0x79: {  	[sflag:s14] =	ssyncset.done $0x0  }
0x7a: {  	[sflag:s14] =	ssyncadd.s32 $0xFFFFC000  }
0x7b: {  	[spmem:s1] =	stream.indirect.scatter.add.f32 [tilespmem:s11], [sflag:$0x2], $0x80, s17, s10, $0xb8;
	[tilespmem:$0x1D000] =	vst v63  }
0x7c: {  	_ = 	snop  }
0x7d: {  	[tilespmem:s13], [sflag:$0x1] =	stream.indirect.gather [hbm4b:s3+s10], $0x80, s18, s10, $0xb8;
	[tilespmem:$0x1D000] =	vst v63  }
0x7e: {  	_ =	swait.ge [sflag:s12], $0x4000  }
0x7f: {  	[sflag:s12] =	ssyncset.done $0x0  }
0x80: {  	[sflag:s12] =	ssyncadd.s32 $0xFFFFC000  }
0x81: {  	_ =	swait.ge [sflag:s14], $0x4000  }
0x82: {  	[sflag:s14] =	ssyncset.done $0x0  }
0x83: {  	[sflag:s14] =	ssyncadd.s32 $0xFFFFC000  }
0x84: {  	[spmem:s1] =	stream.indirect.scatter.add.f32 [tilespmem:s13], [sflag:$0x2], $0x80, s19, s10, $0xb8;
	[tilespmem:$0x1D000] =	vst v63  }
0x85: {  	_ = 	snop  }
0x86: {  	[tilespmem:s11], [sflag:$0x1] =	stream.indirect.gather [hbm4b:s3+s10], $0x80, s20, s10, $0xb8;
	[tilespmem:$0x1D000] =	vst v63  }
0x87: {  	_ =	swait.ge [sflag:s12], $0x4000  }
0x88: {  	[sflag:s12] =	ssyncset.done $0x0  }
0x89: {  	[sflag:s12] =	ssyncadd.s32 $0xFFFFC000  }
0x8a: {  	_ =	swait.ge [sflag:s14], $0x4000  }
0x8b: {  	[sflag:s14] =	ssyncset.done $0x0  }
0x8c: {  	[sflag:s14] =	ssyncadd.s32 $0xFFFFC000  }
0x8d: {  	[spmem:s1] =	stream.indirect.scatter.add.f32 [tilespmem:s11], [sflag:$0x2], $0x80, s21, s10, $0xb8;
	[tilespmem:$0x1D000] =	vst v63  }
0x8e: {  	_ = 	snop  }
0x8f: {  	[tilespmem:s13], [sflag:$0x1] =	stream.indirect.gather [hbm4b:s3+s10], $0x80, s22, s10, $0xb8;
	[tilespmem:$0x1D000] =	vst v63  }
0x90: {  	_ =	swait.ge [sflag:s12], $0x4000  }
0x91: {  	[sflag:s12] =	ssyncset.done $0x0  }
0x92: {  	[sflag:s12] =	ssyncadd.s32 $0xFFFFC000  }
0x93: {  	_ =	swait.ge [sflag:s14], $0x4000  }
0x94: {  	[sflag:s14] =	ssyncset.done $0x0  }
0x95: {  	[sflag:s14] =	ssyncadd.s32 $0xFFFFC000  }
0x96: {  	[spmem:s1] =	stream.indirect.scatter.add.f32 [tilespmem:s13], [sflag:$0x2], $0x80, s23, s10, $0xb8;
	[tilespmem:$0x1D000] =	vst v63  }
0x97: {  	_ = 	snop  }
0x98: {  	[tilespmem:s11], [sflag:$0x1] =	stream.indirect.gather [hbm4b:s3+s10], $0x80, s24, s10, $0xb8;
	[tilespmem:$0x1D000] =	vst v63  }
0x99: {  	_ =	swait.ge [sflag:s12], $0x4000  }
0x9a: {  	[sflag:s12] =	ssyncset.done $0x0  }
0x9b: {  	[sflag:s12] =	ssyncadd.s32 $0xFFFFC000  }
0x9c: {  	_ =	swait.ge [sflag:s14], $0x4000  }
0x9d: {  	[sflag:s14] =	ssyncset.done $0x0  }
0x9e: {  	[sflag:s14] =	ssyncadd.s32 $0xFFFFC000  }
0x9f: {  	[spmem:s1] =	stream.indirect.scatter.add.f32 [tilespmem:s11], [sflag:$0x2], $0x80, s25, s10, $0xb8;
	[tilespmem:$0x1D000] =	vst v63  }
0xa0: {  	_ = 	snop  }
0xa1: {  	[tilespmem:s13], [sflag:$0x1] =	stream.indirect.gather [hbm4b:s3+s10], $0x80, s26, s10, $0xb8;
	[tilespmem:$0x1D000] =	vst v63  }
0xa2: {  	_ =	swait.ge [sflag:s12], $0x4000  }
0xa3: {  	[sflag:s12] =	ssyncset.done $0x0  }
0xa4: {  	[sflag:s12] =	ssyncadd.s32 $0xFFFFC000  }
0xa5: {  	_ =	swait.ge [sflag:s14], $0x4000  }
0xa6: {  	[sflag:s14] =	ssyncset.done $0x0  }
0xa7: {  	[sflag:s14] =	ssyncadd.s32 $0xFFFFC000  }
0xa8: {  	[spmem:s1] =	stream.indirect.scatter.add.f32 [tilespmem:s13], [sflag:$0x2], $0x80, s28, s10, $0xb8;
	[tilespmem:$0x1D000] =	vst v63  }
0xa9: {  	_ = 	snop  }
0xaa: {  	[tilespmem:s11], [sflag:$0x1] =	stream.indirect.gather [hbm4b:s3+s10], $0x80, s29, s10, $0xb8;
	[tilespmem:$0x1D000] =	vst v63  }
0xab: {  	_ =	swait.ge [sflag:s12], $0x4000  }
0xac: {  	[sflag:s12] =	ssyncset.done $0x0  }
0xad: {  	[sflag:s12] =	ssyncadd.s32 $0xFFFFC000  }
0xae: {  	_ =	swait.ge [sflag:s14], $0x4000  }
0xaf: {  	[sflag:s14] =	ssyncset.done $0x0  }
0xb0: {  	[sflag:s14] =	ssyncadd.s32 $0xFFFFC000  }
0xb1: {  	[spmem:s1] =	stream.indirect.scatter.add.f32 [tilespmem:s11], [sflag:$0x2], $0x80, s30, s10, $0xb8;
	[tilespmem:$0x1D000] =	vst v63  }
0xb2: {  	_ = 	snop  }
0xb3: {  	[tilespmem:s13], [sflag:$0x1] =	stream.indirect.gather [hbm4b:s3+s10], $0x80, s31, s10, $0xb8;
	[tilespmem:$0x1D000] =	vst v63  }
0xb4: {  	_ =	swait.ge [sflag:s12], $0x4000  }
0xb5: {  	[sflag:s12] =	ssyncset.done $0x0  }
0xb6: {  	[sflag:s12] =	ssyncadd.s32 $0xFFFFC000  }
0xb7: {  	_ =	swait.ge [sflag:s14], $0x4000  }
0xb8: {  	[sflag:s14] =	ssyncset.done $0x0  }
0xb9: {  	[sflag:s14] =	ssyncadd.s32 $0xFFFFC000  }
0xba: {  	[spmem:s1] =	stream.indirect.scatter.add.f32 [tilespmem:s13], [sflag:$0x2], $0x80, s0, s10, $0xb8;
	[tilespmem:$0x1D000] =	vst v63  }
0xbb: {  	s5 =	simm.s32 $0x100;
	_ =	swait.ge [sflag:s14], $0x4000  }
0xbc: {  	s6 =	simm.s32 $0x200;
	s7 =	rddreg [dreg:$0x4];
	[sflag:s14] =	ssyncset.done $0x0  }
.LBB2_2:
0xbd: {  	[sflag:s14] =	ssyncadd.s32 $0xFFFFC000;
	s7 =	sadd.s32 s5, s7  }
0xbe: {  	[tilespmem:s2], [sflag:$0x3] =	stream.linear.gather [hbm4b:s7+s2], $0x800, $0x38;
	[tilespmem:$0x1D000] =	vst v63  }
0xbf: {  	_ =	swait.ge [sflag:s8], $0x800  }
0xc0: {  	s7 =	rddreg [dreg:$0x5];
	[sflag:s8] =	ssyncset.done $0x0  }
0xc1: {  	[sflag:s8] =	ssyncadd.s32 $0xFFFFF800;
	s7 =	sadd.s32 s5, s7  }
0xc2: {  	[tilespmem:s9], [sflag:$0x3] =	stream.linear.gather [hbm4b:s7+s2], $0x800, $0x38;
	[tilespmem:$0x1D000] =	vst v63  }
0xc3: {  	_ =	swait.ge [sflag:s8], $0x800  }
0xc4: {  	[sflag:s8] =	ssyncset.done $0x0  }
0xc5: {  	[sflag:s8] =	ssyncadd.s32 $0xFFFFF800  }
0xc6: {  	[tilespmem:s11], [sflag:$0x1] =	stream.indirect.gather [hbm4b:s3+s10], $0x80, s2, s10, $0xb8;
	[tilespmem:$0x1D000] =	vst v63  }
0xc7: {  	_ =	swait.ge [sflag:s12], $0x4000  }
0xc8: {  	[sflag:s12] =	ssyncset.done $0x0  }
0xc9: {  	[sflag:s12] =	ssyncadd.s32 $0xFFFFC000  }
0xca: {  	[spmem:s1] =	stream.indirect.scatter.add.f32 [tilespmem:s11], [sflag:$0x2], $0x80, s9, s10, $0xb8;
	[tilespmem:$0x1D000] =	vst v63  }
0xcb: {  	_ = 	snop  }
0xcc: {  	[tilespmem:s13], [sflag:$0x1] =	stream.indirect.gather [hbm4b:s3+s10], $0x80, s10, s10, $0xb8;
	[tilespmem:$0x1D000] =	vst v63  }
0xcd: {  	_ =	swait.ge [sflag:s12], $0x4000  }
0xce: {  	[sflag:s12] =	ssyncset.done $0x0  }
0xcf: {  	[sflag:s12] =	ssyncadd.s32 $0xFFFFC000  }
0xd0: {  	_ =	swait.ge [sflag:s14], $0x4000  }
0xd1: {  	s4 =	smov.u32 s6;
	[sflag:s14] =	ssyncset.done $0x0  }
0xd2: {  	s5 =	smov.u32 s4;
	s4 =	rddreg [dreg:$0x6];
	[sflag:s14] =	ssyncadd.s32 $0xFFFFC000  }
0xd3: {  	[spmem:s1] =	stream.indirect.scatter.add.f32 [tilespmem:s13], [sflag:$0x2], $0x80, s4, s10, $0xb8;
	[tilespmem:$0x1D000] =	vst v63  }
0xd4: {  	s7 =	rddreg [dreg:$0x7]  }
0xd5: {  	[tilespmem:s11], [sflag:$0x1] =	stream.indirect.gather [hbm4b:s3+s10], $0x80, s7, s10, $0xb8;
	[tilespmem:$0x1D000] =	vst v63  }
0xd6: {  	_ =	swait.ge [sflag:s12], $0x4000  }
0xd7: {  	[sflag:s12] =	ssyncset.done $0x0  }
0xd8: {  	[sflag:s12] =	ssyncadd.s32 $0xFFFFC000  }
0xd9: {  	_ =	swait.ge [sflag:s14], $0x4000  }
0xda: {  	[sflag:s14] =	ssyncset.done $0x0  }
0xdb: {  	s4 =	rddreg [dreg:$0x8];
	[sflag:s14] =	ssyncadd.s32 $0xFFFFC000  }
0xdc: {  	[spmem:s1] =	stream.indirect.scatter.add.f32 [tilespmem:s11], [sflag:$0x2], $0x80, s4, s10, $0xb8;
	[tilespmem:$0x1D000] =	vst v63  }
0xdd: {  	s7 =	rddreg [dreg:$0x9]  }
0xde: {  	[tilespmem:s13], [sflag:$0x1] =	stream.indirect.gather [hbm4b:s3+s10], $0x80, s7, s10, $0xb8;
	[tilespmem:$0x1D000] =	vst v63  }
0xdf: {  	_ =	swait.ge [sflag:s12], $0x4000  }
0xe0: {  	[sflag:s12] =	ssyncset.done $0x0  }
0xe1: {  	[sflag:s12] =	ssyncadd.s32 $0xFFFFC000  }
0xe2: {  	_ =	swait.ge [sflag:s14], $0x4000  }
0xe3: {  	[sflag:s14] =	ssyncset.done $0x0  }
0xe4: {  	s4 =	rddreg [dreg:$0xa];
	[sflag:s14] =	ssyncadd.s32 $0xFFFFC000  }
0xe5: {  	[spmem:s1] =	stream.indirect.scatter.add.f32 [tilespmem:s13], [sflag:$0x2], $0x80, s4, s10, $0xb8;
	[tilespmem:$0x1D000] =	vst v63  }
0xe6: {  	s7 =	rddreg [dreg:$0xb]  }
0xe7: {  	[tilespmem:s11], [sflag:$0x1] =	stream.indirect.gather [hbm4b:s3+s10], $0x80, s7, s10, $0xb8;
	[tilespmem:$0x1D000] =	vst v63  }
0xe8: {  	_ =	swait.ge [sflag:s12], $0x4000  }
0xe9: {  	[sflag:s12] =	ssyncset.done $0x0  }
0xea: {  	[sflag:s12] =	ssyncadd.s32 $0xFFFFC000  }
0xeb: {  	_ =	swait.ge [sflag:s14], $0x4000  }
0xec: {  	[sflag:s14] =	ssyncset.done $0x0  }
0xed: {  	s4 =	rddreg [dreg:$0xc];
	[sflag:s14] =	ssyncadd.s32 $0xFFFFC000  }
0xee: {  	[spmem:s1] =	stream.indirect.scatter.add.f32 [tilespmem:s11], [sflag:$0x2], $0x80, s4, s10, $0xb8;
	[tilespmem:$0x1D000] =	vst v63  }
0xef: {  	s7 =	rddreg [dreg:$0xd]  }
0xf0: {  	[tilespmem:s13], [sflag:$0x1] =	stream.indirect.gather [hbm4b:s3+s10], $0x80, s7, s10, $0xb8;
	[tilespmem:$0x1D000] =	vst v63  }
0xf1: {  	_ =	swait.ge [sflag:s12], $0x4000  }
0xf2: {  	[sflag:s12] =	ssyncset.done $0x0  }
0xf3: {  	[sflag:s12] =	ssyncadd.s32 $0xFFFFC000  }
0xf4: {  	_ =	swait.ge [sflag:s14], $0x4000  }
0xf5: {  	[sflag:s14] =	ssyncset.done $0x0  }
0xf6: {  	s4 =	rddreg [dreg:$0xe];
	[sflag:s14] =	ssyncadd.s32 $0xFFFFC000  }
0xf7: {  	[spmem:s1] =	stream.indirect.scatter.add.f32 [tilespmem:s13], [sflag:$0x2], $0x80, s4, s10, $0xb8;
	[tilespmem:$0x1D000] =	vst v63  }
0xf8: {  	s7 =	rddreg [dreg:$0xf]  }
0xf9: {  	[tilespmem:s11], [sflag:$0x1] =	stream.indirect.gather [hbm4b:s3+s10], $0x80, s7, s10, $0xb8;
	[tilespmem:$0x1D000] =	vst v63  }
0xfa: {  	_ =	swait.ge [sflag:s12], $0x4000  }
0xfb: {  	[sflag:s12] =	ssyncset.done $0x0  }
0xfc: {  	[sflag:s12] =	ssyncadd.s32 $0xFFFFC000  }
0xfd: {  	_ =	swait.ge [sflag:s14], $0x4000  }
0xfe: {  	[sflag:s14] =	ssyncset.done $0x0  }
0xff: {  	s4 =	rddreg [dreg:$0x10];
	[sflag:s14] =	ssyncadd.s32 $0xFFFFC000  }
0x100: {  	[spmem:s1] =	stream.indirect.scatter.add.f32 [tilespmem:s11], [sflag:$0x2], $0x80, s4, s10, $0xb8;
	[tilespmem:$0x1D000] =	vst v63  }
0x101: {  	s7 =	rddreg [dreg:$0x11]  }
0x102: {  	[tilespmem:s13], [sflag:$0x1] =	stream.indirect.gather [hbm4b:s3+s10], $0x80, s7, s10, $0xb8;
	[tilespmem:$0x1D000] =	vst v63  }
0x103: {  	_ =	swait.ge [sflag:s12], $0x4000  }
0x104: {  	[sflag:s12] =	ssyncset.done $0x0  }
0x105: {  	[sflag:s12] =	ssyncadd.s32 $0xFFFFC000  }
0x106: {  	_ =	swait.ge [sflag:s14], $0x4000  }
0x107: {  	[sflag:s14] =	ssyncset.done $0x0  }
0x108: {  	[sflag:s14] =	ssyncadd.s32 $0xFFFFC000  }
0x109: {  	[spmem:s1] =	stream.indirect.scatter.add.f32 [tilespmem:s13], [sflag:$0x2], $0x80, s15, s10, $0xb8;
	[tilespmem:$0x1D000] =	vst v63  }
0x10a: {  	_ = 	snop  }
0x10b: {  	[tilespmem:s11], [sflag:$0x1] =	stream.indirect.gather [hbm4b:s3+s10], $0x80, s16, s10, $0xb8;
	[tilespmem:$0x1D000] =	vst v63  }
0x10c: {  	_ =	swait.ge [sflag:s12], $0x4000  }
0x10d: {  	[sflag:s12] =	ssyncset.done $0x0  }
0x10e: {  	[sflag:s12] =	ssyncadd.s32 $0xFFFFC000  }
0x10f: {  	_ =	swait.ge [sflag:s14], $0x4000  }
0x110: {  	[sflag:s14] =	ssyncset.done $0x0  }
0x111: {  	[sflag:s14] =	ssyncadd.s32 $0xFFFFC000  }
0x112: {  	[spmem:s1] =	stream.indirect.scatter.add.f32 [tilespmem:s11], [sflag:$0x2], $0x80, s17, s10, $0xb8;
	[tilespmem:$0x1D000] =	vst v63  }
0x113: {  	_ = 	snop  }
0x114: {  	[tilespmem:s13], [sflag:$0x1] =	stream.indirect.gather [hbm4b:s3+s10], $0x80, s18, s10, $0xb8;
	[tilespmem:$0x1D000] =	vst v63  }
0x115: {  	_ =	swait.ge [sflag:s12], $0x4000  }
0x116: {  	[sflag:s12] =	ssyncset.done $0x0  }
0x117: {  	[sflag:s12] =	ssyncadd.s32 $0xFFFFC000  }
0x118: {  	_ =	swait.ge [sflag:s14], $0x4000  }
0x119: {  	[sflag:s14] =	ssyncset.done $0x0  }
0x11a: {  	[sflag:s14] =	ssyncadd.s32 $0xFFFFC000  }
0x11b: {  	[spmem:s1] =	stream.indirect.scatter.add.f32 [tilespmem:s13], [sflag:$0x2], $0x80, s19, s10, $0xb8;
	[tilespmem:$0x1D000] =	vst v63  }
0x11c: {  	_ = 	snop  }
0x11d: {  	[tilespmem:s11], [sflag:$0x1] =	stream.indirect.gather [hbm4b:s3+s10], $0x80, s20, s10, $0xb8;
	[tilespmem:$0x1D000] =	vst v63  }
0x11e: {  	_ =	swait.ge [sflag:s12], $0x4000  }
0x11f: {  	[sflag:s12] =	ssyncset.done $0x0  }
0x120: {  	[sflag:s12] =	ssyncadd.s32 $0xFFFFC000  }
0x121: {  	_ =	swait.ge [sflag:s14], $0x4000  }
0x122: {  	[sflag:s14] =	ssyncset.done $0x0  }
0x123: {  	[sflag:s14] =	ssyncadd.s32 $0xFFFFC000  }
0x124: {  	[spmem:s1] =	stream.indirect.scatter.add.f32 [tilespmem:s11], [sflag:$0x2], $0x80, s21, s10, $0xb8;
	[tilespmem:$0x1D000] =	vst v63  }
0x125: {  	_ = 	snop  }
0x126: {  	[tilespmem:s13], [sflag:$0x1] =	stream.indirect.gather [hbm4b:s3+s10], $0x80, s22, s10, $0xb8;
	[tilespmem:$0x1D000] =	vst v63  }
0x127: {  	_ =	swait.ge [sflag:s12], $0x4000  }
0x128: {  	[sflag:s12] =	ssyncset.done $0x0  }
0x129: {  	[sflag:s12] =	ssyncadd.s32 $0xFFFFC000  }
0x12a: {  	_ =	swait.ge [sflag:s14], $0x4000  }
0x12b: {  	[sflag:s14] =	ssyncset.done $0x0  }
0x12c: {  	[sflag:s14] =	ssyncadd.s32 $0xFFFFC000  }
0x12d: {  	[spmem:s1] =	stream.indirect.scatter.add.f32 [tilespmem:s13], [sflag:$0x2], $0x80, s23, s10, $0xb8;
	[tilespmem:$0x1D000] =	vst v63  }
0x12e: {  	_ = 	snop  }
0x12f: {  	[tilespmem:s11], [sflag:$0x1] =	stream.indirect.gather [hbm4b:s3+s10], $0x80, s24, s10, $0xb8;
	[tilespmem:$0x1D000] =	vst v63  }
0x130: {  	_ =	swait.ge [sflag:s12], $0x4000  }
0x131: {  	[sflag:s12] =	ssyncset.done $0x0  }
0x132: {  	[sflag:s12] =	ssyncadd.s32 $0xFFFFC000  }
0x133: {  	_ =	swait.ge [sflag:s14], $0x4000  }
0x134: {  	[sflag:s14] =	ssyncset.done $0x0  }
0x135: {  	[sflag:s14] =	ssyncadd.s32 $0xFFFFC000  }
0x136: {  	[spmem:s1] =	stream.indirect.scatter.add.f32 [tilespmem:s11], [sflag:$0x2], $0x80, s25, s10, $0xb8;
	[tilespmem:$0x1D000] =	vst v63  }
0x137: {  	_ = 	snop  }
0x138: {  	[tilespmem:s13], [sflag:$0x1] =	stream.indirect.gather [hbm4b:s3+s10], $0x80, s26, s10, $0xb8;
	[tilespmem:$0x1D000] =	vst v63  }
0x139: {  	_ =	swait.ge [sflag:s12], $0x4000  }
0x13a: {  	[sflag:s12] =	ssyncset.done $0x0  }
0x13b: {  	[sflag:s12] =	ssyncadd.s32 $0xFFFFC000  }
0x13c: {  	_ =	swait.ge [sflag:s14], $0x4000  }
0x13d: {  	[sflag:s14] =	ssyncset.done $0x0  }
0x13e: {  	[sflag:s14] =	ssyncadd.s32 $0xFFFFC000  }
0x13f: {  	[spmem:s1] =	stream.indirect.scatter.add.f32 [tilespmem:s13], [sflag:$0x2], $0x80, s28, s10, $0xb8;
	[tilespmem:$0x1D000] =	vst v63  }
0x140: {  	_ = 	snop  }
0x141: {  	[tilespmem:s11], [sflag:$0x1] =	stream.indirect.gather [hbm4b:s3+s10], $0x80, s29, s10, $0xb8;
	[tilespmem:$0x1D000] =	vst v63  }
0x142: {  	_ =	swait.ge [sflag:s12], $0x4000  }
0x143: {  	[sflag:s12] =	ssyncset.done $0x0  }
0x144: {  	[sflag:s12] =	ssyncadd.s32 $0xFFFFC000  }
0x145: {  	_ =	swait.ge [sflag:s14], $0x4000  }
0x146: {  	[sflag:s14] =	ssyncset.done $0x0  }
0x147: {  	[sflag:s14] =	ssyncadd.s32 $0xFFFFC000  }
0x148: {  	[spmem:s1] =	stream.indirect.scatter.add.f32 [tilespmem:s11], [sflag:$0x2], $0x80, s30, s10, $0xb8;
	[tilespmem:$0x1D000] =	vst v63  }
0x149: {  	_ = 	snop  }
0x14a: {  	[tilespmem:s13], [sflag:$0x1] =	stream.indirect.gather [hbm4b:s3+s10], $0x80, s31, s10, $0xb8;
	[tilespmem:$0x1D000] =	vst v63  }
0x14b: {  	_ =	swait.ge [sflag:s12], $0x4000  }
0x14c: {  	[sflag:s12] =	ssyncset.done $0x0  }
0x14d: {  	[sflag:s12] =	ssyncadd.s32 $0xFFFFC000  }
0x14e: {  	p1 =	sne.s32 s6, $0x400;
	_ =	swait.ge [sflag:s14], $0x4000  }
.Ltmp0:
0x14f: {  	[sflag:s14] =	ssyncset.done $0x0;
	(pc) =	sbr.rel @p1 .LBB2_2-.Ltmp0, $4  }
0x150: {  	[sflag:s14] =	ssyncadd.s32 $0xFFFFC000  }
0x151: {  	[spmem:s1] =	stream.indirect.scatter.add.f32 [tilespmem:s13], [sflag:$0x2], $0x80, s0, s10, $0xb8;
	[tilespmem:$0x1D000] =	vst v63  }
0x152: {  	_ =	swait.ge [sflag:s14], $0x4000  }
0x153: {  	s6 =	sadd.s32 $0x100, s6;
	s7 =	rddreg [dreg:$0x4];
	[sflag:s14] =	ssyncset.done $0x0  }
0x154: {  	[sflag:s14] =	ssyncadd.s32 $0xFFFFC000;
	s4 =	sadd.s32 s5, s7  }
0x155: {  	[tilespmem:s2], [sflag:$0x3] =	stream.linear.gather [hbm4b:s4+s2], $0x800, $0x38;
	[tilespmem:$0x1D000] =	vst v63  }
0x156: {  	_ =	swait.ge [sflag:s8], $0x800  }
0x157: {  	s7 =	rddreg [dreg:$0x5];
	[sflag:s8] =	ssyncset.done $0x0  }
0x158: {  	[sflag:s8] =	ssyncadd.s32 $0xFFFFF800;
	s4 =	sadd.s32 s5, s7  }
0x159: {  	[tilespmem:s9], [sflag:$0x3] =	stream.linear.gather [hbm4b:s4+s2], $0x800, $0x38;
	[tilespmem:$0x1D000] =	vst v63  }
0x15a: {  	_ =	swait.ge [sflag:s8], $0x800  }
0x15b: {  	[sflag:s8] =	ssyncset.done $0x0  }
0x15c: {  	[sflag:s8] =	ssyncadd.s32 $0xFFFFF800  }
0x15d: {  	[tilespmem:s11], [sflag:$0x1] =	stream.indirect.gather [hbm4b:s3+s10], $0x80, s2, s10, $0xb8;
	[tilespmem:$0x1D000] =	vst v63  }
0x15e: {  	_ =	swait.ge [sflag:s12], $0x4000  }
0x15f: {  	[sflag:s12] =	ssyncset.done $0x0  }
0x160: {  	[sflag:s12] =	ssyncadd.s32 $0xFFFFC000  }
0x161: {  	[spmem:s1] =	stream.indirect.scatter.add.f32 [tilespmem:s11], [sflag:$0x2], $0x80, s9, s10, $0xb8;
	[tilespmem:$0x1D000] =	vst v63  }
0x162: {  	_ = 	snop  }
0x163: {  	[tilespmem:s13], [sflag:$0x1] =	stream.indirect.gather [hbm4b:s3+s10], $0x80, s10, s10, $0xb8;
	[tilespmem:$0x1D000] =	vst v63  }
0x164: {  	_ =	swait.ge [sflag:s12], $0x4000  }
0x165: {  	[sflag:s12] =	ssyncset.done $0x0  }
0x166: {  	[sflag:s12] =	ssyncadd.s32 $0xFFFFC000  }
0x167: {  	_ =	swait.ge [sflag:s14], $0x4000  }
0x168: {  	[sflag:s14] =	ssyncset.done $0x0  }
0x169: {  	s6 =	rddreg [dreg:$0x6];
	[sflag:s14] =	ssyncadd.s32 $0xFFFFC000  }
0x16a: {  	[spmem:s1] =	stream.indirect.scatter.add.f32 [tilespmem:s13], [sflag:$0x2], $0x80, s6, s10, $0xb8;
	[tilespmem:$0x1D000] =	vst v63  }
0x16b: {  	s7 =	rddreg [dreg:$0x7]  }
0x16c: {  	[tilespmem:s11], [sflag:$0x1] =	stream.indirect.gather [hbm4b:s3+s10], $0x80, s7, s10, $0xb8;
	[tilespmem:$0x1D000] =	vst v63  }
0x16d: {  	_ =	swait.ge [sflag:s12], $0x4000  }
0x16e: {  	[sflag:s12] =	ssyncset.done $0x0  }
0x16f: {  	[sflag:s12] =	ssyncadd.s32 $0xFFFFC000  }
0x170: {  	_ =	swait.ge [sflag:s14], $0x4000  }
0x171: {  	[sflag:s14] =	ssyncset.done $0x0  }
0x172: {  	s6 =	rddreg [dreg:$0x8];
	[sflag:s14] =	ssyncadd.s32 $0xFFFFC000  }
0x173: {  	[spmem:s1] =	stream.indirect.scatter.add.f32 [tilespmem:s11], [sflag:$0x2], $0x80, s6, s10, $0xb8;
	[tilespmem:$0x1D000] =	vst v63  }
0x174: {  	s7 =	rddreg [dreg:$0x9]  }
0x175: {  	[tilespmem:s13], [sflag:$0x1] =	stream.indirect.gather [hbm4b:s3+s10], $0x80, s7, s10, $0xb8;
	[tilespmem:$0x1D000] =	vst v63  }
0x176: {  	_ =	swait.ge [sflag:s12], $0x4000  }
0x177: {  	[sflag:s12] =	ssyncset.done $0x0  }
0x178: {  	[sflag:s12] =	ssyncadd.s32 $0xFFFFC000  }
0x179: {  	_ =	swait.ge [sflag:s14], $0x4000  }
0x17a: {  	[sflag:s14] =	ssyncset.done $0x0  }
0x17b: {  	s6 =	rddreg [dreg:$0xa];
	[sflag:s14] =	ssyncadd.s32 $0xFFFFC000  }
0x17c: {  	[spmem:s1] =	stream.indirect.scatter.add.f32 [tilespmem:s13], [sflag:$0x2], $0x80, s6, s10, $0xb8;
	[tilespmem:$0x1D000] =	vst v63  }
0x17d: {  	s7 =	rddreg [dreg:$0xb]  }
0x17e: {  	[tilespmem:s11], [sflag:$0x1] =	stream.indirect.gather [hbm4b:s3+s10], $0x80, s7, s10, $0xb8;
	[tilespmem:$0x1D000] =	vst v63  }
0x17f: {  	_ =	swait.ge [sflag:s12], $0x4000  }
0x180: {  	[sflag:s12] =	ssyncset.done $0x0  }
0x181: {  	[sflag:s12] =	ssyncadd.s32 $0xFFFFC000  }
0x182: {  	_ =	swait.ge [sflag:s14], $0x4000  }
0x183: {  	[sflag:s14] =	ssyncset.done $0x0  }
0x184: {  	s6 =	rddreg [dreg:$0xc];
	[sflag:s14] =	ssyncadd.s32 $0xFFFFC000  }
0x185: {  	[spmem:s1] =	stream.indirect.scatter.add.f32 [tilespmem:s11], [sflag:$0x2], $0x80, s6, s10, $0xb8;
	[tilespmem:$0x1D000] =	vst v63  }
0x186: {  	s7 =	rddreg [dreg:$0xd]  }
0x187: {  	[tilespmem:s13], [sflag:$0x1] =	stream.indirect.gather [hbm4b:s3+s10], $0x80, s7, s10, $0xb8;
	[tilespmem:$0x1D000] =	vst v63  }
0x188: {  	_ =	swait.ge [sflag:s12], $0x4000  }
0x189: {  	[sflag:s12] =	ssyncset.done $0x0  }
0x18a: {  	[sflag:s12] =	ssyncadd.s32 $0xFFFFC000  }
0x18b: {  	_ =	swait.ge [sflag:s14], $0x4000  }
0x18c: {  	[sflag:s14] =	ssyncset.done $0x0  }
0x18d: {  	s6 =	rddreg [dreg:$0xe];
	[sflag:s14] =	ssyncadd.s32 $0xFFFFC000  }
0x18e: {  	[spmem:s1] =	stream.indirect.scatter.add.f32 [tilespmem:s13], [sflag:$0x2], $0x80, s6, s10, $0xb8;
	[tilespmem:$0x1D000] =	vst v63  }
0x18f: {  	s7 =	rddreg [dreg:$0xf]  }
0x190: {  	[tilespmem:s11], [sflag:$0x1] =	stream.indirect.gather [hbm4b:s3+s10], $0x80, s7, s10, $0xb8;
	[tilespmem:$0x1D000] =	vst v63  }
0x191: {  	_ =	swait.ge [sflag:s12], $0x4000  }
0x192: {  	[sflag:s12] =	ssyncset.done $0x0  }
0x193: {  	[sflag:s12] =	ssyncadd.s32 $0xFFFFC000  }
0x194: {  	_ =	swait.ge [sflag:s14], $0x4000  }
0x195: {  	[sflag:s14] =	ssyncset.done $0x0  }
0x196: {  	s6 =	rddreg [dreg:$0x10];
	[sflag:s14] =	ssyncadd.s32 $0xFFFFC000  }
0x197: {  	[spmem:s1] =	stream.indirect.scatter.add.f32 [tilespmem:s11], [sflag:$0x2], $0x80, s6, s10, $0xb8;
	[tilespmem:$0x1D000] =	vst v63  }
0x198: {  	s7 =	rddreg [dreg:$0x11]  }
0x199: {  	[tilespmem:s13], [sflag:$0x1] =	stream.indirect.gather [hbm4b:s3+s10], $0x80, s7, s10, $0xb8;
	[tilespmem:$0x1D000] =	vst v63  }
0x19a: {  	_ =	swait.ge [sflag:s12], $0x4000  }
0x19b: {  	[sflag:s12] =	ssyncset.done $0x0  }
0x19c: {  	[sflag:s12] =	ssyncadd.s32 $0xFFFFC000  }
0x19d: {  	_ =	swait.ge [sflag:s14], $0x4000  }
0x19e: {  	[sflag:s14] =	ssyncset.done $0x0  }
0x19f: {  	[sflag:s14] =	ssyncadd.s32 $0xFFFFC000  }
0x1a0: {  	[spmem:s1] =	stream.indirect.scatter.add.f32 [tilespmem:s13], [sflag:$0x2], $0x80, s15, s10, $0xb8;
	[tilespmem:$0x1D000] =	vst v63  }
0x1a1: {  	_ = 	snop  }
0x1a2: {  	[tilespmem:s11], [sflag:$0x1] =	stream.indirect.gather [hbm4b:s3+s10], $0x80, s16, s10, $0xb8;
	[tilespmem:$0x1D000] =	vst v63  }
0x1a3: {  	_ =	swait.ge [sflag:s12], $0x4000  }
0x1a4: {  	[sflag:s12] =	ssyncset.done $0x0  }
0x1a5: {  	[sflag:s12] =	ssyncadd.s32 $0xFFFFC000  }
0x1a6: {  	_ =	swait.ge [sflag:s14], $0x4000  }
0x1a7: {  	[sflag:s14] =	ssyncset.done $0x0  }
0x1a8: {  	[sflag:s14] =	ssyncadd.s32 $0xFFFFC000  }
0x1a9: {  	[spmem:s1] =	stream.indirect.scatter.add.f32 [tilespmem:s11], [sflag:$0x2], $0x80, s17, s10, $0xb8;
	[tilespmem:$0x1D000] =	vst v63  }
0x1aa: {  	_ = 	snop  }
0x1ab: {  	[tilespmem:s13], [sflag:$0x1] =	stream.indirect.gather [hbm4b:s3+s10], $0x80, s18, s10, $0xb8;
	[tilespmem:$0x1D000] =	vst v63  }
0x1ac: {  	_ =	swait.ge [sflag:s12], $0x4000  }
0x1ad: {  	[sflag:s12] =	ssyncset.done $0x0  }
0x1ae: {  	[sflag:s12] =	ssyncadd.s32 $0xFFFFC000  }
0x1af: {  	_ =	swait.ge [sflag:s14], $0x4000  }
0x1b0: {  	[sflag:s14] =	ssyncset.done $0x0  }
0x1b1: {  	[sflag:s14] =	ssyncadd.s32 $0xFFFFC000  }
0x1b2: {  	[spmem:s1] =	stream.indirect.scatter.add.f32 [tilespmem:s13], [sflag:$0x2], $0x80, s19, s10, $0xb8;
	[tilespmem:$0x1D000] =	vst v63  }
0x1b3: {  	_ = 	snop  }
0x1b4: {  	[tilespmem:s11], [sflag:$0x1] =	stream.indirect.gather [hbm4b:s3+s10], $0x80, s20, s10, $0xb8;
	[tilespmem:$0x1D000] =	vst v63  }
0x1b5: {  	_ =	swait.ge [sflag:s12], $0x4000  }
0x1b6: {  	[sflag:s12] =	ssyncset.done $0x0  }
0x1b7: {  	[sflag:s12] =	ssyncadd.s32 $0xFFFFC000  }
0x1b8: {  	_ =	swait.ge [sflag:s14], $0x4000  }
0x1b9: {  	[sflag:s14] =	ssyncset.done $0x0  }
0x1ba: {  	[sflag:s14] =	ssyncadd.s32 $0xFFFFC000  }
0x1bb: {  	[spmem:s1] =	stream.indirect.scatter.add.f32 [tilespmem:s11], [sflag:$0x2], $0x80, s21, s10, $0xb8;
	[tilespmem:$0x1D000] =	vst v63  }
0x1bc: {  	_ = 	snop  }
0x1bd: {  	[tilespmem:s13], [sflag:$0x1] =	stream.indirect.gather [hbm4b:s3+s10], $0x80, s22, s10, $0xb8;
	[tilespmem:$0x1D000] =	vst v63  }
0x1be: {  	_ =	swait.ge [sflag:s12], $0x4000  }
0x1bf: {  	[sflag:s12] =	ssyncset.done $0x0  }
0x1c0: {  	[sflag:s12] =	ssyncadd.s32 $0xFFFFC000  }
0x1c1: {  	_ =	swait.ge [sflag:s14], $0x4000  }
0x1c2: {  	[sflag:s14] =	ssyncset.done $0x0  }
0x1c3: {  	[sflag:s14] =	ssyncadd.s32 $0xFFFFC000  }
0x1c4: {  	[spmem:s1] =	stream.indirect.scatter.add.f32 [tilespmem:s13], [sflag:$0x2], $0x80, s23, s10, $0xb8;
	[tilespmem:$0x1D000] =	vst v63  }
0x1c5: {  	_ = 	snop  }
0x1c6: {  	[tilespmem:s11], [sflag:$0x1] =	stream.indirect.gather [hbm4b:s3+s10], $0x80, s24, s10, $0xb8;
	[tilespmem:$0x1D000] =	vst v63  }
0x1c7: {  	_ =	swait.ge [sflag:s12], $0x4000  }
0x1c8: {  	[sflag:s12] =	ssyncset.done $0x0  }
0x1c9: {  	[sflag:s12] =	ssyncadd.s32 $0xFFFFC000  }
0x1ca: {  	_ =	swait.ge [sflag:s14], $0x4000  }
0x1cb: {  	[sflag:s14] =	ssyncset.done $0x0  }
0x1cc: {  	[sflag:s14] =	ssyncadd.s32 $0xFFFFC000  }
0x1cd: {  	[spmem:s1] =	stream.indirect.scatter.add.f32 [tilespmem:s11], [sflag:$0x2], $0x80, s25, s10, $0xb8;
	[tilespmem:$0x1D000] =	vst v63  }
0x1ce: {  	_ = 	snop  }
0x1cf: {  	[tilespmem:s13], [sflag:$0x1] =	stream.indirect.gather [hbm4b:s3+s10], $0x80, s26, s10, $0xb8;
	[tilespmem:$0x1D000] =	vst v63  }
0x1d0: {  	_ =	swait.ge [sflag:s12], $0x4000  }
0x1d1: {  	[sflag:s12] =	ssyncset.done $0x0  }
0x1d2: {  	[sflag:s12] =	ssyncadd.s32 $0xFFFFC000  }
0x1d3: {  	_ =	swait.ge [sflag:s14], $0x4000  }
0x1d4: {  	[sflag:s14] =	ssyncset.done $0x0  }
0x1d5: {  	[sflag:s14] =	ssyncadd.s32 $0xFFFFC000  }
0x1d6: {  	[spmem:s1] =	stream.indirect.scatter.add.f32 [tilespmem:s13], [sflag:$0x2], $0x80, s28, s10, $0xb8;
	[tilespmem:$0x1D000] =	vst v63  }
0x1d7: {  	_ = 	snop  }
0x1d8: {  	[tilespmem:s11], [sflag:$0x1] =	stream.indirect.gather [hbm4b:s3+s10], $0x80, s29, s10, $0xb8;
	[tilespmem:$0x1D000] =	vst v63  }
0x1d9: {  	_ =	swait.ge [sflag:s12], $0x4000  }
0x1da: {  	[sflag:s12] =	ssyncset.done $0x0  }
0x1db: {  	[sflag:s12] =	ssyncadd.s32 $0xFFFFC000  }
0x1dc: {  	_ =	swait.ge [sflag:s14], $0x4000  }
0x1dd: {  	[sflag:s14] =	ssyncset.done $0x0  }
0x1de: {  	[sflag:s14] =	ssyncadd.s32 $0xFFFFC000  }
0x1df: {  	[spmem:s1] =	stream.indirect.scatter.add.f32 [tilespmem:s11], [sflag:$0x2], $0x80, s30, s10, $0xb8;
	[tilespmem:$0x1D000] =	vst v63  }
0x1e0: {  	_ = 	snop  }
0x1e1: {  	[tilespmem:s13], [sflag:$0x1] =	stream.indirect.gather [hbm4b:s3+s10], $0x80, s31, s10, $0xb8;
	[tilespmem:$0x1D000] =	vst v63  }
0x1e2: {  	_ =	swait.ge [sflag:s12], $0x4000  }
0x1e3: {  	[sflag:s12] =	ssyncset.done $0x0  }
0x1e4: {  	[sflag:s12] =	ssyncadd.s32 $0xFFFFC000  }
0x1e5: {  	_ =	swait.ge [sflag:s14], $0x4000  }
0x1e6: {  	[sflag:s14] =	ssyncset.done $0x0  }
0x1e7: {  	[sflag:s14] =	ssyncadd.s32 $0xFFFFC000  }
0x1e8: {  	[spmem:s1] =	stream.indirect.scatter.add.f32 [tilespmem:s13], [sflag:$0x2], $0x80, s0, s10, $0xb8;
	[tilespmem:$0x1D000] =	vst v63  }
0x1e9: {  	_ =	swait.ge [sflag:s14], $0x4000  }
0x1ea: {  	[sflag:s14] =	ssyncset.done $0x0  }
0x1eb: {  	[sflag:s14] =	ssyncadd.s32 $0xFFFFC000  }
0x1ec: {  	[bflag:$0x0] =	sbarrier.arrive $0xFFFF  }
0x1ed: {  	s5 =	rddreg [dreg:$0x13]  }
0x1ee: {  	s4 =	simm.s32 @!p0 $0x1C03;
	s6 =	rddreg [dreg:$0x15]  }
0x1ef: {  	[hbm:s5], [sflag:s4] =	dma.local @!p0 [spmem:s6], $0x28000  }
0x1f0: {  	s4 =	simm.s32 @!p0 $0x3  }
0x1f1: {  	_ =	swait.ge @!p0 [sflag:s4], $0x28000  }
0x1f2: {  	s5 =	rddreg [dreg:$0x16]  }
0x1f3: {  	s7 =	sadd.s32 $0x1, s5;
	s5 =	rddreg [dreg:$0x14]  }
0x1f4: {  	p1 =	sne.s32 s7, s5  }
.Ltmp1:
0x1f5: {  	_ = 	snop;
	(pc) =	sbr.rel @p1 .LBB2_1-.Ltmp1, $3  }
0x1f6: {  	_ =	sdelay $0x1  }
0x1f7: {  	[sflag:s4] =	ssyncset.done @!p0 $0x0  }
0x1f8: {  	[sflag:s4] =	ssyncadd.s32 @!p0 $0xFFFD8000  }
0x1f9: {  	_ =	sfence.sel $0x180000  }
0x1fa: {  	[bflag:$0x0] =	sbarrier.arrive $0xFFFF  }
0x1fb: {  	_ =	strace $0x9000004D  }
0x1fc: {  	[bflag:$0x2] =	sbarrier.arrive $0xFFFF  }
0x1fd: {  	s0 =	rddreg [dreg:$0x3]  }
0x1fe: {  	s0 =	sadd.s32 @!p0 $0x100000, s0  }
0x1ff: {  	[sflag:s0] =	ssyncadd.tile.s32 @!p0 $0x1;
	_ =	shalt  }
.Lfunc_end2:
_tile_overlayer_lowered:
.L_overlay_start_2:
0x200: {  	(tag) =	ssettag $0x2  }
0x201: {  	s0 =	rddreg [dreg:$0x0];
	s2 =	stileid.u32  }
0x202: {  	s1 =	rddreg [dreg:$0x1];
	p0 =	sne.s32 s2, $0x0  }
0x203: {  	s3 =	rddreg [dreg:$0x2];
	[bflag:$0x3] =	sbarrier.arrive $0xFFFF;
	s2 =	simm.s32 @!p0 $0x1C03  }
0x204: {  	[timem:s3], [sflag:s2] =	dma.local @!p0 [hbm:s0], s1  }
0x205: {  	s0 =	simm.s32 @!p0 $0x3  }
0x206: {  	_ =	swait.ge @!p0 [sflag:s0], s1  }
0x207: {  	s1 =	ssub.s32 @!p0 $0x0, s1;
	[sflag:s0] =	ssyncset.done @!p0 $0x0  }
0x208: {  	[sflag:s0] =	ssyncadd.s32 @!p0 s1  }
0x209: {  	[bflag:$0x3] =	sbarrier.arrive $0xFFFF  }
0x20a: {  	_ =	shalt  }

// kernel: kernel.19.cloned.1.call-start
scs
__scs_entry_jumppad:
0x0: {  	(pc) =	sbr.rel $0x88, $3  }
0x1: {  	(tag) =	ssettag $0x0;
	lr =	simm.s32 $0x1  }
0x2: {  	[smem:$0x3F94] =	sst lr;
	_ =	strace $0xD0000000  }
0x3: {  	_ = 	snop  }
0x4: {  	_ = 	snop  }
0x5: {  	_ = 	snop  }
0x6: {  	_ = 	snop  }
0x7: {  	_ = 	snop  }
__scs_overlays_trampoline_lowered:
0x8: {  	[smem:$0x3FA3] =	sst s0  }
0x9: {  	[smem:$0x3FA4] =	sst s1  }
0xa: {  	[smem:$0x3FA5] =	sst s2  }
0xb: {  	[smem:$0x3FA6] =	sst s3  }
0xc: {  	[smem:$0x3FA7] =	sst s4  }
0xd: {  	[smem:$0x3FA8] =	sst s5  }
0xe: {  	[smem:$0x3FA9] =	sst s6  }
0xf: {  	[smem:$0x3FAA] =	sst s7  }
0x10: {  	[smem:$0x3FAB] =	sst s8  }
0x11: {  	[smem:$0x3FAC] =	sst s9;
	s0 =	simm.s32 @!p0 $0x0  }
0x12: {  	s1 =	sld [smem:$0x3F92];
	s0 =	simm.s32 @p0 $0x1  }
0x13: {  	[smem:$0x3FAD] =	sst s0;
	s0 =	simm.s32 @!p1 $0x0  }
0x14: {  	s2 =	sld [smem:$0x3F91];
	s0 =	simm.s32 @p1 $0x1  }
0x15: {  	[smem:$0x3FAE] =	sst s0;
	s0 =	simm.s32 @!p2 $0x0  }
0x16: {  	s3 =	sld [smem:$0x3FDB];
	s0 =	simm.s32 @p2 $0x1  }
0x17: {  	s4 =	simm.s32 $0x1BF5;
	[smem:$0x3FB0] =	sst s0  }
0x18: {  	s0 =	sld [smem:$0x3F93];
	_ =	swait.ge [sflag:s4], $0x0  }
0x19: {  	s7 =	sld [smem:$0x3F94]  }
0x1a: {  	s8 =	sadd.s32 $0xFFFFE003, lr  }
0x1b: {  	s9 =	sadd.s32 $0xFFFFFEF7, lr;
	s5 =	simm.s32 $0xFFFFFFFF;
	p2 =	slt.u32 s8, $0xFFFFF086  }
0x1c: {  	p1 =	slt.u32 s9, $0xF7A;
	s5 =	simm.s32 @!p2 $0x0  }
0x1d: {  	s5 =	simm.s32 @p1 $0x1;
	p0 =	seq.s32 s7, s2  }
0x1e: {  	s7 =	smul.u32 @!p0 $0xF7A, s2;
	p2 =	seq.s32 @!p0 s5, $0x0  }
0x1f: {  	s9 =	smul.u32 $0xF7A, s1;
	s8 =	simm.s32 @!p0 $0x1BF5;
	p2 =	por !p2, p0  }
0x20: {  	[sflag:s8] =	ssyncset.s32 @!p0 $0xFFFFF086;
	s6 =	sadd.s32 @!p0 s3, s7;
	s7 =	simm.s32 @!p0 $0x108  }
0x21: {  	s3 =	sadd.s32 s3, s9;
	s6 =	sadd.s32 @!p0 $0x88, s6;
	s7 =	simm.s32 @p2 $0x1082  }
0x22: {  	[simem:s7], [sflag:s8] =	dma.local @!p0 [hbm:s6], $0xF7A  }
0x23: {  	s9 =	sor.u32 $0xD0000000, s2;
	s6 =	simm.s32 $0x108;
	_ =	swait.ge @!p0 [sflag:s8], $0x0  }
0x24: {  	s3 =	sadd.s32 $0x88, s3;
	s6 =	simm.s32 @!p1 $0x1082;
	[sflag:s4] =	ssyncset.s32 $0xFFFFF086  }
0x25: {  	[simem:s6], [sflag:s4] =	dma.local [hbm:s3], $0xF7A  }
0x26: {  	[smem:$0x3F94] =	sst s1;
	(tag) =	ssettag s2;
	_ =	strace s9  }
0x27: {  	s1 =	sld [smem:$0x3FA4]  }
0x28: {  	s2 =	sld [smem:$0x3FA5]  }
0x29: {  	s4 =	sld [smem:$0x3FA7]  }
0x2a: {  	p0 =	seq.s32 s5, $0x0;
	s5 =	sld [smem:$0x3FA8]  }
0x2b: {  	s6 =	sld [smem:$0x3FA9]  }
0x2c: {  	s7 =	sld [smem:$0x3FAA]  }
0x2d: {  	s3 =	simm.s32 $0x108;
	s8 =	sld [smem:$0x3FAB]  }
0x2e: {  	s3 =	simm.s32 @!p0 $0x1082;
	s9 =	sld [smem:$0x3FAC]  }
0x2f: {  	lr =	sadd.s32 s0, s3;
	s0 =	sld [smem:$0x3FA3]  }
0x30: {  	s3 =	sld [smem:$0x3FA6]  }
0x31: {  	[smem:$0x3FAF] =	sst s10  }
0x32: {  	s10 =	sld [smem:$0x3FAD];
	_ =	sdelay $0x3  }
0x33: {  	p0 =	seq.s32 s10, $0x1;
	s10 =	sld [smem:$0x3FAF];
	_ =	sdelay $0x3  }
0x34: {  	[smem:$0x3FAF] =	sst s10  }
0x35: {  	s10 =	sld [smem:$0x3FAE];
	_ =	sdelay $0x3  }
0x36: {  	p1 =	seq.s32 s10, $0x1;
	s10 =	sld [smem:$0x3FAF];
	_ =	sdelay $0x3  }
0x37: {  	[smem:$0x3FAF] =	sst s10  }
0x38: {  	s10 =	sld [smem:$0x3FB0]  }
0x39: {  	_ = 	snop;
	(pc) =	sbr.ind lr, $3  }
0x3a: {  	_ = 	snop  }
0x3b: {  	_ = 	snop  }
0x3c: {  	p2 =	seq.s32 s10, $0x1;
	s10 =	sld [smem:$0x3FAF]  }
0x3d: {  	_ =	shalt  }
0x3e: {  	_ =	shalt  }
0x3f: {  	_ =	shalt  }
0x40: {  	_ =	shalt  }
0x41: {  	_ =	shalt  }
0x42: {  	_ =	shalt  }
0x43: {  	_ =	shalt  }
0x44: {  	_ =	shalt  }
0x45: {  	_ =	shalt  }
0x46: {  	_ =	shalt  }
0x47: {  	_ =	shalt  }
0x48: {  	_ =	shalt  }
0x49: {  	_ =	shalt  }
0x4a: {  	_ =	shalt  }
0x4b: {  	_ =	shalt  }
0x4c: {  	_ =	shalt  }
0x4d: {  	_ =	shalt  }
0x4e: {  	_ =	shalt  }
0x4f: {  	_ =	shalt  }
0x50: {  	_ =	shalt  }
0x51: {  	_ =	shalt  }
0x52: {  	_ =	shalt  }
0x53: {  	_ =	shalt  }
0x54: {  	_ =	shalt  }
0x55: {  	_ =	shalt  }
0x56: {  	_ =	shalt  }
0x57: {  	_ =	shalt  }
0x58: {  	_ =	shalt  }
0x59: {  	_ =	shalt  }
0x5a: {  	_ =	shalt  }
0x5b: {  	_ =	shalt  }
0x5c: {  	_ =	shalt  }
0x5d: {  	_ =	shalt  }
0x5e: {  	_ =	shalt  }
0x5f: {  	_ =	shalt  }
0x60: {  	_ =	shalt  }
0x61: {  	_ =	shalt  }
0x62: {  	_ =	shalt  }
0x63: {  	_ =	shalt  }
0x64: {  	_ =	shalt  }
0x65: {  	_ =	shalt  }
0x66: {  	_ =	shalt  }
0x67: {  	_ =	shalt  }
0x68: {  	_ =	shalt  }
0x69: {  	_ =	shalt  }
0x6a: {  	_ =	shalt  }
0x6b: {  	_ =	shalt  }
0x6c: {  	_ =	shalt  }
0x6d: {  	_ =	shalt  }
0x6e: {  	_ =	shalt  }
0x6f: {  	_ =	shalt  }
0x70: {  	_ =	shalt  }
0x71: {  	_ =	shalt  }
0x72: {  	_ =	shalt  }
0x73: {  	_ =	shalt  }
0x74: {  	_ =	shalt  }
0x75: {  	_ =	shalt  }
0x76: {  	_ =	shalt  }
0x77: {  	_ =	shalt  }
0x78: {  	_ =	shalt  }
0x79: {  	_ =	shalt  }
0x7a: {  	_ =	shalt  }
0x7b: {  	_ =	shalt  }
0x7c: {  	_ =	shalt  }
0x7d: {  	_ =	shalt  }
0x7e: {  	_ =	shalt  }
0x7f: {  	_ =	shalt  }
0x80: {  	_ =	shalt  }
0x81: {  	_ =	shalt  }
0x82: {  	_ =	shalt  }
0x83: {  	_ =	shalt  }
0x84: {  	_ =	shalt  }
0x85: {  	_ =	shalt  }
0x86: {  	_ =	shalt  }
0x87: {  	_ =	shalt  }
.Lfunc_end0:
.L_simem_size_0:
called_computation.3_lowered:
.L_overlay_start_0:
0x88: {  	s2 =	sld [smem:$0x3FD9]  }
0x89: {  	s3 =	sld [smem:$0x3FFE];
	_ =	sdelay $0x1  }
0x8a: {  	s1 =	srdreg.scid  }
0x8b: {  	s0 =	sand.u32 $0x1, s1  }
0x8c: {  	s17 =	sshll.u32 s0, $0xA;
	s2 =	sadd.s32 s3, s2  }
0x8d: {  	s2 =	sadd.s32 s2, s17  }
0x8e: {  	[smem:$0x3FBB] =	sst s2  }
0x8f: {  	_ = 	snop  }
0x90: {  	s2 =	sld [smem:$0x3FD0];
	(tm) =	ssettm $0x1  }
0x91: {  	s18 =	sld [smem:$0x3FFB];
	_ =	sdelay $0x3  }
0x92: {  	_ =	strace s18  }
0x93: {  	s3 =	sld [smem:$0x3FFC];
	_ =	sdelay $0x3  }
0x94: {  	_ =	strace s3  }
0x95: {  	s3 =	sld [smem:$0x3FFD];
	_ =	sdelay $0x3  }
0x96: {  	_ =	strace s3  }
0x97: {  	_ =	strace $0x8FFFFFFF  }
0x98: {  	s19 =	sld [smem:$0x3FDB];
	_ =	sdelay $0x1  }
0x99: {  	s4 =	simm.s32 $_scs_section_size  }
0x9a: {  	s5 =	simm.s32 $_size__tile_overlayer_lowered;
	s6 =	simm.s32 $_tile_overlayer_lowered  }
0x9b: {  	s22 =	simm.s32 $0x1BFF;
	s21 =	sshll.u32 s6, $0x1;
	s3 =	sadd.s32 s4, s19  }
0x9c: {  	s7 =	simm.s32 $0x0;
	s20 =	sshll.u32 s5, $0x1;
	s5 =	sadd.s32 s21, s3  }
0x9d: {  	[timem:s7], [sflag:s22] =	dma.local [hbm:s5], s20  }
0x9e: {  	_ =	swait.ge [sflag:s22], s20  }
0x9f: {  	s4 =	ssub.s32 $0x0, s20;
	[sflag:s22] =	ssyncset.done $0x0  }
0xa0: {  	[sflag:s22] =	ssyncadd.s32 s4;
	_ =	sdelay $0x1  }
0xa1: {  	s23 =	simm.s32 $0x1B8B  }
0xa2: {  	_ =	swait.ge [sflag:s23], $0x1  }
0xa3: {  	[sflag:s23] =	ssyncset.done $0x0  }
0xa4: {  	s25 =	simm.s32 $0x1B8E;
	s24 =	sld [smem:$0x3FFE];
	[sflag:s23] =	ssyncadd.s32 $0xFFFFFFFF  }
0xa5: {  	s26 =	simm.s32 $execute0_lowered;
	[smem:$0x3FD2] =	sst s25  }
0xa6: {  	s5 =	sshll.u32 s26, $0x1;
	_ =	strace $0x8000004F;
	[dreg:$0x1] =	wrdreg $0xFFFFFFFF  }
0xa7: {  	s28 =	simm.s32 $_size_execute0_lowered;
	s3 =	sadd.s32 s3, s5;
	[dreg:$0x0] =	wrdreg $0x0  }
0xa8: {  	s5 =	sshll.u32 s28, $0x1;
	[dreg:$0x2] =	wrdreg s3  }
0xa9: {  	[dreg:$0x3] =	wrdreg s5  }
0xaa: {  	[dreg:$0x4] =	wrdreg $0xC0  }
0xab: {  	_ =	task [dreg:s7], $0x5FFFF  }
0xac: {  	[dreg:$0x1] =	wrdreg $0xFFFFFFFF  }
0xad: {  	[dreg:$0x0] =	wrdreg $0x60  }
0xae: {  	[dreg:$0x2] =	wrdreg s24  }
0xaf: {  	[dreg:$0x3] =	wrdreg s2  }
0xb0: {  	[dreg:$0x4] =	wrdreg $0x90000  }
0xb1: {  	[dreg:$0x5] =	wrdreg $0x9  }
0xb2: {  	_ =	task.clear_ibuf [dreg:s7], $0x6FFFF;
	_ =	strace $0x9000004F  }
0xb3: {  	s29 =	simm.s32 $0x9;
	_ =	strace $0x80000051  }
0xb4: {  	_ =	swait.ge [sflag:s29], $0x1  }
0xb5: {  	[sflag:s29] =	ssyncadd.s32 $0xFFFFFFFF  }
0xb6: {  	_ =	strace $0x90000051  }
0xb7: {  	_ =	sfence  }
0xb8: {  	s30 =	sld [smem:$0x0];
	_ =	sdelay $0x2  }
0xb9: {  	s31 =	sshll.u32 s1, $0xD;
	s1 =	sshrl.u32 s1, $0x2  }
0xba: {  	s3 =	sand.u32 $0x4000, s31;
	s1 =	sadd.s32 s1, s30  }
0xbb: {  	s0 =	sor.u32 s3, s0;
	s1 =	sshll.u32 s1, $0x11  }
0xbc: {  	s0 =	sor.u32 s1, s0  }
0xbd: {  	s0 =	sadd.s32 $0x8F2B, s0  }
0xbe: {  	[sflag:s0] =	ssyncadd.remote.s32 $0x1  }
0xbf: {  	_ =	sfence.sel $0xFFFF  }
0xc0: {  	[dreg:$0x0] =	wrdreg $0xFFFFFFFF;
	(pc) =	sbr.abs _section_cstart, $3  }
0xc1: {  	[dreg:$0x1] =	wrdreg $0xFFFFFFFF  }
0xc2: {  	_ =	task.clear_ibuf [dreg:s7], $0x2FFFF;
	_ =	strace $0x9FFFFFFF  }
0xc3: {  	(tm) =	ssettm $0x7FFFFFFF  }
tec
execute0_lowered:
.L_overlay_start_1:
0x0: {  	(tag) =	ssettag $0x1  }
0x1: {  	s0 =	rddreg [dreg:$0x0]  }
0x2: {  	s4 =	rddreg [dreg:$0x1];
	s2 =	srdreg.scid  }
0x3: {  	s5 =	stileid.u32;
	s1 =	rddreg [dreg:$0x2];
	s13 =	simm.s32 $0x880  }
0x4: {  	s15 =	simm.s32 $0x100;
	s6 =	sand.u32 $0x1, s2;
	s2 =	simm.s32 $0x0  }
0x5: {  	s16 =	simm.s32 $0x900;
	s10 =	sadd.s32 $0xD400, s0;
	[smem:$0x7FF] =	sst s2  }
0x6: {  	s17 =	simm.s32 $0x180;
	_ =	strace $0x80000050;
	[dreg:$0x12] =	wrdreg s10  }
0x7: {  	s19 =	simm.s32 $0x980;
	s20 =	simm.s32 $0x200;
	[dreg:$0x6] =	wrdreg s13  }
0x8: {  	s21 =	simm.s32 $0xA00;
	s22 =	simm.s32 $0x280;
	[dreg:$0x7] =	wrdreg s15  }
0x9: {  	s23 =	simm.s32 $0xA80;
	s24 =	simm.s32 $0x300;
	[dreg:$0x8] =	wrdreg s16  }
0xa: {  	s11 =	simm.s32 $0x1000;
	s25 =	simm.s32 $0xB00;
	[dreg:$0x9] =	wrdreg s17  }
0xb: {  	s26 =	simm.s32 $0x380;
	s28 =	simm.s32 $0xE80;
	[dreg:$0xa] =	wrdreg s19  }
0xc: {  	s29 =	simm.s32 $0x700;
	s30 =	simm.s32 $0xF00;
	[dreg:$0xb] =	wrdreg s20  }
0xd: {  	s31 =	simm.s32 $0x780;
	s3 =	sshll.u32 s5, $0x1;
	[dreg:$0xc] =	wrdreg s21  }
0xe: {  	p0 =	sne.s32 s5, $0x0;
	s3 =	sor.u32 s6, s3;
	[dreg:$0xd] =	wrdreg s22  }
0xf: {  	s8 =	smul.u32 $0x28000, s6;
	s6 =	ssub.s32 $0x2, s6;
	[dreg:$0xe] =	wrdreg s23  }
0x10: {  	s7 =	smul.u32 $0x500, s3;
	s3 =	sadd.s32 $0x35400, s0;
	[dreg:$0xf] =	wrdreg s24  }
0x11: {  	s14 =	sshrl.u32 s6, $0x1;
	s10 =	simm.s32 $0x80;
	[dreg:$0x10] =	wrdreg s25  }
0x12: {  	s13 =	simm.s32 $0x5000;
	[dreg:$0x11] =	wrdreg s26;
	s15 =	simm.s32 $0xB80  }
0x13: {  	s16 =	simm.s32 $0x400;
	s17 =	simm.s32 $0xC00;
	s19 =	simm.s32 $0xC80  }
0x14: {  	s20 =	simm.s32 $0x500;
	s21 =	simm.s32 $0xD00;
	s22 =	simm.s32 $0x580  }
0x15: {  	s23 =	simm.s32 $0xD80;
	s24 =	simm.s32 $0x600;
	s25 =	simm.s32 $0xE00  }
0x16: {  	s26 =	simm.s32 $0x680;
	s6 =	ssub.s32 s6, s14;
	s14 =	simm.s32 $0x2  }
0x17: {  	s9 =	sadd.s32 s7, s0;
	s4 =	sadd.s32 s4, s7;
	s0 =	sadd.s32 s8, s0  }
0x18: {  	s18 =	smax.u32 s6, $0x1;
	s6 =	sshrl.u32 @!p0 s1, $0x3;
	[dreg:$0x4] =	wrdreg s4  }
0x19: {  	s8 =	simm.s32 $0x3;
	s7 =	simm.s32 $0x0;
	[dreg:$0x14] =	wrdreg s18  }
0x1a: {  	s12 =	sadd.s32 $0x3400, s9;
	s0 =	sadd.s32 $0xD5C00, s0;
	[dreg:$0x15] =	wrdreg s6  }
0x1b: {  	s9 =	simm.s32 $0x800;
	s18 =	simm.s32 $0x480;
	[dreg:$0x5] =	wrdreg s12  }
0x1c: {  	[dreg:$0x13] =	wrdreg s0;
	s12 =	simm.s32 $0x1;
	s0 =	simm.s32 $0xF80  }
.LBB2_1:
0x1d: {  	[dreg:$0x16] =	wrdreg s7  }
0x1e: {  	s5 =	simm.s32 @!p0 $0x1C03;
	s4 =	rddreg [dreg:$0x12]  }
0x1f: {  	[spmem:s6], [sflag:s5] =	dma.local @!p0 [hbm:s4], $0x28000  }
0x20: {  	s5 =	simm.s32 @!p0 $0x3  }
0x21: {  	_ =	swait.ge @!p0 [sflag:s5], $0x28000  }
0x22: {  	[sflag:s5] =	ssyncset.done @!p0 $0x0  }
0x23: {  	[sflag:s5] =	ssyncadd.s32 @!p0 $0xFFFD8000  }
0x24: {  	[bflag:$0x0] =	sbarrier.arrive $0xFFFF  }
0x25: {  	s4 =	rddreg [dreg:$0x4]  }
0x26: {  	s5 =	sadd.s32 $0x0, s4  }
0x27: {  	[tilespmem:s2], [sflag:$0x3] =	stream.linear.gather [hbm4b:s5+s2], $0x800, $0x38;
	[tilespmem:$0x1D000] =	vst v63  }
0x28: {  	_ =	swait.ge [sflag:s8], $0x800  }
0x29: {  	s6 =	rddreg [dreg:$0x5];
	[sflag:s8] =	ssyncset.done $0x0  }
0x2a: {  	[sflag:s8] =	ssyncadd.s32 $0xFFFFF800;
	s5 =	sadd.s32 $0x0, s6  }
0x2b: {  	[tilespmem:s9], [sflag:$0x3] =	stream.linear.gather [hbm4b:s5+s2], $0x800, $0x38;
	[tilespmem:$0x1D000] =	vst v63  }
0x2c: {  	_ =	swait.ge [sflag:s8], $0x800  }
0x2d: {  	[sflag:s8] =	ssyncset.done $0x0  }
0x2e: {  	[sflag:s8] =	ssyncadd.s32 $0xFFFFF800  }
0x2f: {  	[tilespmem:s11], [sflag:$0x1] =	stream.indirect.gather [hbm4b:s3+s10], $0x80, s2, s10, $0xb8;
	[tilespmem:$0x1D000] =	vst v63  }
0x30: {  	_ =	swait.ge [sflag:s12], $0x4000  }
0x31: {  	[sflag:s12] =	ssyncset.done $0x0  }
0x32: {  	[sflag:s12] =	ssyncadd.s32 $0xFFFFC000  }
0x33: {  	[spmem:s1] =	stream.indirect.scatter.add.f32 [tilespmem:s11], [sflag:$0x2], $0x80, s9, s10, $0xb8;
	[tilespmem:$0x1D000] =	vst v63  }
0x34: {  	_ = 	snop  }
0x35: {  	[tilespmem:s13], [sflag:$0x1] =	stream.indirect.gather [hbm4b:s3+s10], $0x80, s10, s10, $0xb8;
	[tilespmem:$0x1D000] =	vst v63  }
0x36: {  	_ =	swait.ge [sflag:s12], $0x4000  }
0x37: {  	[sflag:s12] =	ssyncset.done $0x0  }
0x38: {  	[sflag:s12] =	ssyncadd.s32 $0xFFFFC000  }
0x39: {  	_ =	swait.ge [sflag:s14], $0x4000  }
0x3a: {  	[sflag:s14] =	ssyncset.done $0x0  }
0x3b: {  	s7 =	rddreg [dreg:$0x6];
	[sflag:s14] =	ssyncadd.s32 $0xFFFFC000  }
0x3c: {  	[spmem:s1] =	stream.indirect.scatter.add.f32 [tilespmem:s13], [sflag:$0x2], $0x80, s7, s10, $0xb8;
	[tilespmem:$0x1D000] =	vst v63  }
0x3d: {  	s4 =	rddreg [dreg:$0x7]  }
0x3e: {  	[tilespmem:s11], [sflag:$0x1] =	stream.indirect.gather [hbm4b:s3+s10], $0x80, s4, s10, $0xb8;
	[tilespmem:$0x1D000] =	vst v63  }
0x3f: {  	_ =	swait.ge [sflag:s12], $0x4000  }
0x40: {  	[sflag:s12] =	ssyncset.done $0x0  }
0x41: {  	[sflag:s12] =	ssyncadd.s32 $0xFFFFC000  }
0x42: {  	_ =	swait.ge [sflag:s14], $0x4000  }
0x43: {  	[sflag:s14] =	ssyncset.done $0x0  }
0x44: {  	s7 =	rddreg [dreg:$0x8];
	[sflag:s14] =	ssyncadd.s32 $0xFFFFC000  }
0x45: {  	[spmem:s1] =	stream.indirect.scatter.add.f32 [tilespmem:s11], [sflag:$0x2], $0x80, s7, s10, $0xb8;
	[tilespmem:$0x1D000] =	vst v63  }
0x46: {  	s4 =	rddreg [dreg:$0x9]  }
0x47: {  	[tilespmem:s13], [sflag:$0x1] =	stream.indirect.gather [hbm4b:s3+s10], $0x80, s4, s10, $0xb8;
	[tilespmem:$0x1D000] =	vst v63  }
0x48: {  	_ =	swait.ge [sflag:s12], $0x4000  }
0x49: {  	[sflag:s12] =	ssyncset.done $0x0  }
0x4a: {  	[sflag:s12] =	ssyncadd.s32 $0xFFFFC000  }
0x4b: {  	_ =	swait.ge [sflag:s14], $0x4000  }
0x4c: {  	[sflag:s14] =	ssyncset.done $0x0  }
0x4d: {  	s7 =	rddreg [dreg:$0xa];
	[sflag:s14] =	ssyncadd.s32 $0xFFFFC000  }
0x4e: {  	[spmem:s1] =	stream.indirect.scatter.add.f32 [tilespmem:s13], [sflag:$0x2], $0x80, s7, s10, $0xb8;
	[tilespmem:$0x1D000] =	vst v63  }
0x4f: {  	s4 =	rddreg [dreg:$0xb]  }
0x50: {  	[tilespmem:s11], [sflag:$0x1] =	stream.indirect.gather [hbm4b:s3+s10], $0x80, s4, s10, $0xb8;
	[tilespmem:$0x1D000] =	vst v63  }
0x51: {  	_ =	swait.ge [sflag:s12], $0x4000  }
0x52: {  	[sflag:s12] =	ssyncset.done $0x0  }
0x53: {  	[sflag:s12] =	ssyncadd.s32 $0xFFFFC000  }
0x54: {  	_ =	swait.ge [sflag:s14], $0x4000  }
0x55: {  	[sflag:s14] =	ssyncset.done $0x0  }
0x56: {  	s7 =	rddreg [dreg:$0xc];
	[sflag:s14] =	ssyncadd.s32 $0xFFFFC000  }
0x57: {  	[spmem:s1] =	stream.indirect.scatter.add.f32 [tilespmem:s11], [sflag:$0x2], $0x80, s7, s10, $0xb8;
	[tilespmem:$0x1D000] =	vst v63  }
0x58: {  	s4 =	rddreg [dreg:$0xd]  }
0x59: {  	[tilespmem:s13], [sflag:$0x1] =	stream.indirect.gather [hbm4b:s3+s10], $0x80, s4, s10, $0xb8;
	[tilespmem:$0x1D000] =	vst v63  }
0x5a: {  	_ =	swait.ge [sflag:s12], $0x4000  }
0x5b: {  	[sflag:s12] =	ssyncset.done $0x0  }
0x5c: {  	[sflag:s12] =	ssyncadd.s32 $0xFFFFC000  }
0x5d: {  	_ =	swait.ge [sflag:s14], $0x4000  }
0x5e: {  	[sflag:s14] =	ssyncset.done $0x0  }
0x5f: {  	s7 =	rddreg [dreg:$0xe];
	[sflag:s14] =	ssyncadd.s32 $0xFFFFC000  }
0x60: {  	[spmem:s1] =	stream.indirect.scatter.add.f32 [tilespmem:s13], [sflag:$0x2], $0x80, s7, s10, $0xb8;
	[tilespmem:$0x1D000] =	vst v63  }
0x61: {  	s4 =	rddreg [dreg:$0xf]  }
0x62: {  	[tilespmem:s11], [sflag:$0x1] =	stream.indirect.gather [hbm4b:s3+s10], $0x80, s4, s10, $0xb8;
	[tilespmem:$0x1D000] =	vst v63  }
0x63: {  	_ =	swait.ge [sflag:s12], $0x4000  }
0x64: {  	[sflag:s12] =	ssyncset.done $0x0  }
0x65: {  	[sflag:s12] =	ssyncadd.s32 $0xFFFFC000  }
0x66: {  	_ =	swait.ge [sflag:s14], $0x4000  }
0x67: {  	[sflag:s14] =	ssyncset.done $0x0  }
0x68: {  	s6 =	rddreg [dreg:$0x10];
	[sflag:s14] =	ssyncadd.s32 $0xFFFFC000  }
0x69: {  	[spmem:s1] =	stream.indirect.scatter.add.f32 [tilespmem:s11], [sflag:$0x2], $0x80, s6, s10, $0xb8;
	[tilespmem:$0x1D000] =	vst v63  }
0x6a: {  	s7 =	rddreg [dreg:$0x11]  }
0x6b: {  	[tilespmem:s13], [sflag:$0x1] =	stream.indirect.gather [hbm4b:s3+s10], $0x80, s7, s10, $0xb8;
	[tilespmem:$0x1D000] =	vst v63  }
0x6c: {  	_ =	swait.ge [sflag:s12], $0x4000  }
0x6d: {  	[sflag:s12] =	ssyncset.done $0x0  }
0x6e: {  	[sflag:s12] =	ssyncadd.s32 $0xFFFFC000  }
0x6f: {  	_ =	swait.ge [sflag:s14], $0x4000  }
0x70: {  	[sflag:s14] =	ssyncset.done $0x0  }
0x71: {  	[sflag:s14] =	ssyncadd.s32 $0xFFFFC000  }
0x72: {  	[spmem:s1] =	stream.indirect.scatter.add.f32 [tilespmem:s13], [sflag:$0x2], $0x80, s15, s10, $0xb8;
	[tilespmem:$0x1D000] =	vst v63  }
0x73: {  	_ = 	snop  }
0x74: {  	[tilespmem:s11], [sflag:$0x1] =	stream.indirect.gather [hbm4b:s3+s10], $0x80, s16, s10, $0xb8;
	[tilespmem:$0x1D000] =	vst v63  }
0x75: {  	_ =	swait.ge [sflag:s12], $0x4000  }
0x76: {  	[sflag:s12] =	ssyncset.done $0x0  }
0x77: {  	[sflag:s12] =	ssyncadd.s32 $0xFFFFC000  }
0x78: {  	_ =	swait.ge [sflag:s14], $0x4000  }
0x79: {  	[sflag:s14] =	ssyncset.done $0x0  }
0x7a: {  	[sflag:s14] =	ssyncadd.s32 $0xFFFFC000  }
0x7b: {  	[spmem:s1] =	stream.indirect.scatter.add.f32 [tilespmem:s11], [sflag:$0x2], $0x80, s17, s10, $0xb8;
	[tilespmem:$0x1D000] =	vst v63  }
0x7c: {  	_ = 	snop  }
0x7d: {  	[tilespmem:s13], [sflag:$0x1] =	stream.indirect.gather [hbm4b:s3+s10], $0x80, s18, s10, $0xb8;
	[tilespmem:$0x1D000] =	vst v63  }
0x7e: {  	_ =	swait.ge [sflag:s12], $0x4000  }
0x7f: {  	[sflag:s12] =	ssyncset.done $0x0  }
0x80: {  	[sflag:s12] =	ssyncadd.s32 $0xFFFFC000  }
0x81: {  	_ =	swait.ge [sflag:s14], $0x4000  }
0x82: {  	[sflag:s14] =	ssyncset.done $0x0  }
0x83: {  	[sflag:s14] =	ssyncadd.s32 $0xFFFFC000  }
0x84: {  	[spmem:s1] =	stream.indirect.scatter.add.f32 [tilespmem:s13], [sflag:$0x2], $0x80, s19, s10, $0xb8;
	[tilespmem:$0x1D000] =	vst v63  }
0x85: {  	_ = 	snop  }
0x86: {  	[tilespmem:s11], [sflag:$0x1] =	stream.indirect.gather [hbm4b:s3+s10], $0x80, s20, s10, $0xb8;
	[tilespmem:$0x1D000] =	vst v63  }
0x87: {  	_ =	swait.ge [sflag:s12], $0x4000  }
0x88: {  	[sflag:s12] =	ssyncset.done $0x0  }
0x89: {  	[sflag:s12] =	ssyncadd.s32 $0xFFFFC000  }
0x8a: {  	_ =	swait.ge [sflag:s14], $0x4000  }
0x8b: {  	[sflag:s14] =	ssyncset.done $0x0  }
0x8c: {  	[sflag:s14] =	ssyncadd.s32 $0xFFFFC000  }
0x8d: {  	[spmem:s1] =	stream.indirect.scatter.add.f32 [tilespmem:s11], [sflag:$0x2], $0x80, s21, s10, $0xb8;
	[tilespmem:$0x1D000] =	vst v63  }
0x8e: {  	_ = 	snop  }
0x8f: {  	[tilespmem:s13], [sflag:$0x1] =	stream.indirect.gather [hbm4b:s3+s10], $0x80, s22, s10, $0xb8;
	[tilespmem:$0x1D000] =	vst v63  }
0x90: {  	_ =	swait.ge [sflag:s12], $0x4000  }
0x91: {  	[sflag:s12] =	ssyncset.done $0x0  }
0x92: {  	[sflag:s12] =	ssyncadd.s32 $0xFFFFC000  }
0x93: {  	_ =	swait.ge [sflag:s14], $0x4000  }
0x94: {  	[sflag:s14] =	ssyncset.done $0x0  }
0x95: {  	[sflag:s14] =	ssyncadd.s32 $0xFFFFC000  }
0x96: {  	[spmem:s1] =	stream.indirect.scatter.add.f32 [tilespmem:s13], [sflag:$0x2], $0x80, s23, s10, $0xb8;
	[tilespmem:$0x1D000] =	vst v63  }
0x97: {  	_ = 	snop  }
0x98: {  	[tilespmem:s11], [sflag:$0x1] =	stream.indirect.gather [hbm4b:s3+s10], $0x80, s24, s10, $0xb8;
	[tilespmem:$0x1D000] =	vst v63  }
0x99: {  	_ =	swait.ge [sflag:s12], $0x4000  }
0x9a: {  	[sflag:s12] =	ssyncset.done $0x0  }
0x9b: {  	[sflag:s12] =	ssyncadd.s32 $0xFFFFC000  }
0x9c: {  	_ =	swait.ge [sflag:s14], $0x4000  }
0x9d: {  	[sflag:s14] =	ssyncset.done $0x0  }
0x9e: {  	[sflag:s14] =	ssyncadd.s32 $0xFFFFC000  }
0x9f: {  	[spmem:s1] =	stream.indirect.scatter.add.f32 [tilespmem:s11], [sflag:$0x2], $0x80, s25, s10, $0xb8;
	[tilespmem:$0x1D000] =	vst v63  }
0xa0: {  	_ = 	snop  }
0xa1: {  	[tilespmem:s13], [sflag:$0x1] =	stream.indirect.gather [hbm4b:s3+s10], $0x80, s26, s10, $0xb8;
	[tilespmem:$0x1D000] =	vst v63  }
0xa2: {  	_ =	swait.ge [sflag:s12], $0x4000  }
0xa3: {  	[sflag:s12] =	ssyncset.done $0x0  }
0xa4: {  	[sflag:s12] =	ssyncadd.s32 $0xFFFFC000  }
0xa5: {  	_ =	swait.ge [sflag:s14], $0x4000  }
0xa6: {  	[sflag:s14] =	ssyncset.done $0x0  }
0xa7: {  	[sflag:s14] =	ssyncadd.s32 $0xFFFFC000  }
0xa8: {  	[spmem:s1] =	stream.indirect.scatter.add.f32 [tilespmem:s13], [sflag:$0x2], $0x80, s28, s10, $0xb8;
	[tilespmem:$0x1D000] =	vst v63  }
0xa9: {  	_ = 	snop  }
0xaa: {  	[tilespmem:s11], [sflag:$0x1] =	stream.indirect.gather [hbm4b:s3+s10], $0x80, s29, s10, $0xb8;
	[tilespmem:$0x1D000] =	vst v63  }
0xab: {  	_ =	swait.ge [sflag:s12], $0x4000  }
0xac: {  	[sflag:s12] =	ssyncset.done $0x0  }
0xad: {  	[sflag:s12] =	ssyncadd.s32 $0xFFFFC000  }
0xae: {  	_ =	swait.ge [sflag:s14], $0x4000  }
0xaf: {  	[sflag:s14] =	ssyncset.done $0x0  }
0xb0: {  	[sflag:s14] =	ssyncadd.s32 $0xFFFFC000  }
0xb1: {  	[spmem:s1] =	stream.indirect.scatter.add.f32 [tilespmem:s11], [sflag:$0x2], $0x80, s30, s10, $0xb8;
	[tilespmem:$0x1D000] =	vst v63  }
0xb2: {  	_ = 	snop  }
0xb3: {  	[tilespmem:s13], [sflag:$0x1] =	stream.indirect.gather [hbm4b:s3+s10], $0x80, s31, s10, $0xb8;
	[tilespmem:$0x1D000] =	vst v63  }
0xb4: {  	_ =	swait.ge [sflag:s12], $0x4000  }
0xb5: {  	[sflag:s12] =	ssyncset.done $0x0  }
0xb6: {  	[sflag:s12] =	ssyncadd.s32 $0xFFFFC000  }
0xb7: {  	_ =	swait.ge [sflag:s14], $0x4000  }
0xb8: {  	[sflag:s14] =	ssyncset.done $0x0  }
0xb9: {  	[sflag:s14] =	ssyncadd.s32 $0xFFFFC000  }
0xba: {  	[spmem:s1] =	stream.indirect.scatter.add.f32 [tilespmem:s13], [sflag:$0x2], $0x80, s0, s10, $0xb8;
	[tilespmem:$0x1D000] =	vst v63  }
0xbb: {  	s5 =	simm.s32 $0x100;
	_ =	swait.ge [sflag:s14], $0x4000  }
0xbc: {  	s6 =	simm.s32 $0x200;
	s7 =	rddreg [dreg:$0x4];
	[sflag:s14] =	ssyncset.done $0x0  }
.LBB2_2:
0xbd: {  	[sflag:s14] =	ssyncadd.s32 $0xFFFFC000;
	s7 =	sadd.s32 s5, s7  }
0xbe: {  	[tilespmem:s2], [sflag:$0x3] =	stream.linear.gather [hbm4b:s7+s2], $0x800, $0x38;
	[tilespmem:$0x1D000] =	vst v63  }
0xbf: {  	_ =	swait.ge [sflag:s8], $0x800  }
0xc0: {  	s7 =	rddreg [dreg:$0x5];
	[sflag:s8] =	ssyncset.done $0x0  }
0xc1: {  	[sflag:s8] =	ssyncadd.s32 $0xFFFFF800;
	s7 =	sadd.s32 s5, s7  }
0xc2: {  	[tilespmem:s9], [sflag:$0x3] =	stream.linear.gather [hbm4b:s7+s2], $0x800, $0x38;
	[tilespmem:$0x1D000] =	vst v63  }
0xc3: {  	_ =	swait.ge [sflag:s8], $0x800  }
0xc4: {  	[sflag:s8] =	ssyncset.done $0x0  }
0xc5: {  	[sflag:s8] =	ssyncadd.s32 $0xFFFFF800  }
0xc6: {  	[tilespmem:s11], [sflag:$0x1] =	stream.indirect.gather [hbm4b:s3+s10], $0x80, s2, s10, $0xb8;
	[tilespmem:$0x1D000] =	vst v63  }
0xc7: {  	_ =	swait.ge [sflag:s12], $0x4000  }
0xc8: {  	[sflag:s12] =	ssyncset.done $0x0  }
0xc9: {  	[sflag:s12] =	ssyncadd.s32 $0xFFFFC000  }
0xca: {  	[spmem:s1] =	stream.indirect.scatter.add.f32 [tilespmem:s11], [sflag:$0x2], $0x80, s9, s10, $0xb8;
	[tilespmem:$0x1D000] =	vst v63  }
0xcb: {  	_ = 	snop  }
0xcc: {  	[tilespmem:s13], [sflag:$0x1] =	stream.indirect.gather [hbm4b:s3+s10], $0x80, s10, s10, $0xb8;
	[tilespmem:$0x1D000] =	vst v63  }
0xcd: {  	_ =	swait.ge [sflag:s12], $0x4000  }
0xce: {  	[sflag:s12] =	ssyncset.done $0x0  }
0xcf: {  	[sflag:s12] =	ssyncadd.s32 $0xFFFFC000  }
0xd0: {  	_ =	swait.ge [sflag:s14], $0x4000  }
0xd1: {  	s4 =	smov.u32 s6;
	[sflag:s14] =	ssyncset.done $0x0  }
0xd2: {  	s5 =	smov.u32 s4;
	s4 =	rddreg [dreg:$0x6];
	[sflag:s14] =	ssyncadd.s32 $0xFFFFC000  }
0xd3: {  	[spmem:s1] =	stream.indirect.scatter.add.f32 [tilespmem:s13], [sflag:$0x2], $0x80, s4, s10, $0xb8;
	[tilespmem:$0x1D000] =	vst v63  }
0xd4: {  	s7 =	rddreg [dreg:$0x7]  }
0xd5: {  	[tilespmem:s11], [sflag:$0x1] =	stream.indirect.gather [hbm4b:s3+s10], $0x80, s7, s10, $0xb8;
	[tilespmem:$0x1D000] =	vst v63  }
0xd6: {  	_ =	swait.ge [sflag:s12], $0x4000  }
0xd7: {  	[sflag:s12] =	ssyncset.done $0x0  }
0xd8: {  	[sflag:s12] =	ssyncadd.s32 $0xFFFFC000  }
0xd9: {  	_ =	swait.ge [sflag:s14], $0x4000  }
0xda: {  	[sflag:s14] =	ssyncset.done $0x0  }
0xdb: {  	s4 =	rddreg [dreg:$0x8];
	[sflag:s14] =	ssyncadd.s32 $0xFFFFC000  }
0xdc: {  	[spmem:s1] =	stream.indirect.scatter.add.f32 [tilespmem:s11], [sflag:$0x2], $0x80, s4, s10, $0xb8;
	[tilespmem:$0x1D000] =	vst v63  }
0xdd: {  	s7 =	rddreg [dreg:$0x9]  }
0xde: {  	[tilespmem:s13], [sflag:$0x1] =	stream.indirect.gather [hbm4b:s3+s10], $0x80, s7, s10, $0xb8;
	[tilespmem:$0x1D000] =	vst v63  }
0xdf: {  	_ =	swait.ge [sflag:s12], $0x4000  }
0xe0: {  	[sflag:s12] =	ssyncset.done $0x0  }
0xe1: {  	[sflag:s12] =	ssyncadd.s32 $0xFFFFC000  }
0xe2: {  	_ =	swait.ge [sflag:s14], $0x4000  }
0xe3: {  	[sflag:s14] =	ssyncset.done $0x0  }
0xe4: {  	s4 =	rddreg [dreg:$0xa];
	[sflag:s14] =	ssyncadd.s32 $0xFFFFC000  }
0xe5: {  	[spmem:s1] =	stream.indirect.scatter.add.f32 [tilespmem:s13], [sflag:$0x2], $0x80, s4, s10, $0xb8;
	[tilespmem:$0x1D000] =	vst v63  }
0xe6: {  	s7 =	rddreg [dreg:$0xb]  }
0xe7: {  	[tilespmem:s11], [sflag:$0x1] =	stream.indirect.gather [hbm4b:s3+s10], $0x80, s7, s10, $0xb8;
	[tilespmem:$0x1D000] =	vst v63  }
0xe8: {  	_ =	swait.ge [sflag:s12], $0x4000  }
0xe9: {  	[sflag:s12] =	ssyncset.done $0x0  }
0xea: {  	[sflag:s12] =	ssyncadd.s32 $0xFFFFC000  }
0xeb: {  	_ =	swait.ge [sflag:s14], $0x4000  }
0xec: {  	[sflag:s14] =	ssyncset.done $0x0  }
0xed: {  	s4 =	rddreg [dreg:$0xc];
	[sflag:s14] =	ssyncadd.s32 $0xFFFFC000  }
0xee: {  	[spmem:s1] =	stream.indirect.scatter.add.f32 [tilespmem:s11], [sflag:$0x2], $0x80, s4, s10, $0xb8;
	[tilespmem:$0x1D000] =	vst v63  }
0xef: {  	s7 =	rddreg [dreg:$0xd]  }
0xf0: {  	[tilespmem:s13], [sflag:$0x1] =	stream.indirect.gather [hbm4b:s3+s10], $0x80, s7, s10, $0xb8;
	[tilespmem:$0x1D000] =	vst v63  }
0xf1: {  	_ =	swait.ge [sflag:s12], $0x4000  }
0xf2: {  	[sflag:s12] =	ssyncset.done $0x0  }
0xf3: {  	[sflag:s12] =	ssyncadd.s32 $0xFFFFC000  }
0xf4: {  	_ =	swait.ge [sflag:s14], $0x4000  }
0xf5: {  	[sflag:s14] =	ssyncset.done $0x0  }
0xf6: {  	s4 =	rddreg [dreg:$0xe];
	[sflag:s14] =	ssyncadd.s32 $0xFFFFC000  }
0xf7: {  	[spmem:s1] =	stream.indirect.scatter.add.f32 [tilespmem:s13], [sflag:$0x2], $0x80, s4, s10, $0xb8;
	[tilespmem:$0x1D000] =	vst v63  }
0xf8: {  	s7 =	rddreg [dreg:$0xf]  }
0xf9: {  	[tilespmem:s11], [sflag:$0x1] =	stream.indirect.gather [hbm4b:s3+s10], $0x80, s7, s10, $0xb8;
	[tilespmem:$0x1D000] =	vst v63  }
0xfa: {  	_ =	swait.ge [sflag:s12], $0x4000  }
0xfb: {  	[sflag:s12] =	ssyncset.done $0x0  }
0xfc: {  	[sflag:s12] =	ssyncadd.s32 $0xFFFFC000  }
0xfd: {  	_ =	swait.ge [sflag:s14], $0x4000  }
0xfe: {  	[sflag:s14] =	ssyncset.done $0x0  }
0xff: {  	s4 =	rddreg [dreg:$0x10];
	[sflag:s14] =	ssyncadd.s32 $0xFFFFC000  }
0x100: {  	[spmem:s1] =	stream.indirect.scatter.add.f32 [tilespmem:s11], [sflag:$0x2], $0x80, s4, s10, $0xb8;
	[tilespmem:$0x1D000] =	vst v63  }
0x101: {  	s7 =	rddreg [dreg:$0x11]  }
0x102: {  	[tilespmem:s13], [sflag:$0x1] =	stream.indirect.gather [hbm4b:s3+s10], $0x80, s7, s10, $0xb8;
	[tilespmem:$0x1D000] =	vst v63  }
0x103: {  	_ =	swait.ge [sflag:s12], $0x4000  }
0x104: {  	[sflag:s12] =	ssyncset.done $0x0  }
0x105: {  	[sflag:s12] =	ssyncadd.s32 $0xFFFFC000  }
0x106: {  	_ =	swait.ge [sflag:s14], $0x4000  }
0x107: {  	[sflag:s14] =	ssyncset.done $0x0  }
0x108: {  	[sflag:s14] =	ssyncadd.s32 $0xFFFFC000  }
0x109: {  	[spmem:s1] =	stream.indirect.scatter.add.f32 [tilespmem:s13], [sflag:$0x2], $0x80, s15, s10, $0xb8;
	[tilespmem:$0x1D000] =	vst v63  }
0x10a: {  	_ = 	snop  }
0x10b: {  	[tilespmem:s11], [sflag:$0x1] =	stream.indirect.gather [hbm4b:s3+s10], $0x80, s16, s10, $0xb8;
	[tilespmem:$0x1D000] =	vst v63  }
0x10c: {  	_ =	swait.ge [sflag:s12], $0x4000  }
0x10d: {  	[sflag:s12] =	ssyncset.done $0x0  }
0x10e: {  	[sflag:s12] =	ssyncadd.s32 $0xFFFFC000  }
0x10f: {  	_ =	swait.ge [sflag:s14], $0x4000  }
0x110: {  	[sflag:s14] =	ssyncset.done $0x0  }
0x111: {  	[sflag:s14] =	ssyncadd.s32 $0xFFFFC000  }
0x112: {  	[spmem:s1] =	stream.indirect.scatter.add.f32 [tilespmem:s11], [sflag:$0x2], $0x80, s17, s10, $0xb8;
	[tilespmem:$0x1D000] =	vst v63  }
0x113: {  	_ = 	snop  }
0x114: {  	[tilespmem:s13], [sflag:$0x1] =	stream.indirect.gather [hbm4b:s3+s10], $0x80, s18, s10, $0xb8;
	[tilespmem:$0x1D000] =	vst v63  }
0x115: {  	_ =	swait.ge [sflag:s12], $0x4000  }
0x116: {  	[sflag:s12] =	ssyncset.done $0x0  }
0x117: {  	[sflag:s12] =	ssyncadd.s32 $0xFFFFC000  }
0x118: {  	_ =	swait.ge [sflag:s14], $0x4000  }
0x119: {  	[sflag:s14] =	ssyncset.done $0x0  }
0x11a: {  	[sflag:s14] =	ssyncadd.s32 $0xFFFFC000  }
0x11b: {  	[spmem:s1] =	stream.indirect.scatter.add.f32 [tilespmem:s13], [sflag:$0x2], $0x80, s19, s10, $0xb8;
	[tilespmem:$0x1D000] =	vst v63  }
0x11c: {  	_ = 	snop  }
0x11d: {  	[tilespmem:s11], [sflag:$0x1] =	stream.indirect.gather [hbm4b:s3+s10], $0x80, s20, s10, $0xb8;
	[tilespmem:$0x1D000] =	vst v63  }
0x11e: {  	_ =	swait.ge [sflag:s12], $0x4000  }
0x11f: {  	[sflag:s12] =	ssyncset.done $0x0  }
0x120: {  	[sflag:s12] =	ssyncadd.s32 $0xFFFFC000  }
0x121: {  	_ =	swait.ge [sflag:s14], $0x4000  }
0x122: {  	[sflag:s14] =	ssyncset.done $0x0  }
0x123: {  	[sflag:s14] =	ssyncadd.s32 $0xFFFFC000  }
0x124: {  	[spmem:s1] =	stream.indirect.scatter.add.f32 [tilespmem:s11], [sflag:$0x2], $0x80, s21, s10, $0xb8;
	[tilespmem:$0x1D000] =	vst v63  }
0x125: {  	_ = 	snop  }
0x126: {  	[tilespmem:s13], [sflag:$0x1] =	stream.indirect.gather [hbm4b:s3+s10], $0x80, s22, s10, $0xb8;
	[tilespmem:$0x1D000] =	vst v63  }
0x127: {  	_ =	swait.ge [sflag:s12], $0x4000  }
0x128: {  	[sflag:s12] =	ssyncset.done $0x0  }
0x129: {  	[sflag:s12] =	ssyncadd.s32 $0xFFFFC000  }
0x12a: {  	_ =	swait.ge [sflag:s14], $0x4000  }
0x12b: {  	[sflag:s14] =	ssyncset.done $0x0  }
0x12c: {  	[sflag:s14] =	ssyncadd.s32 $0xFFFFC000  }
0x12d: {  	[spmem:s1] =	stream.indirect.scatter.add.f32 [tilespmem:s13], [sflag:$0x2], $0x80, s23, s10, $0xb8;
	[tilespmem:$0x1D000] =	vst v63  }
0x12e: {  	_ = 	snop  }
0x12f: {  	[tilespmem:s11], [sflag:$0x1] =	stream.indirect.gather [hbm4b:s3+s10], $0x80, s24, s10, $0xb8;
	[tilespmem:$0x1D000] =	vst v63  }
0x130: {  	_ =	swait.ge [sflag:s12], $0x4000  }
0x131: {  	[sflag:s12] =	ssyncset.done $0x0  }
0x132: {  	[sflag:s12] =	ssyncadd.s32 $0xFFFFC000  }
0x133: {  	_ =	swait.ge [sflag:s14], $0x4000  }
0x134: {  	[sflag:s14] =	ssyncset.done $0x0  }
0x135: {  	[sflag:s14] =	ssyncadd.s32 $0xFFFFC000  }
0x136: {  	[spmem:s1] =	stream.indirect.scatter.add.f32 [tilespmem:s11], [sflag:$0x2], $0x80, s25, s10, $0xb8;
	[tilespmem:$0x1D000] =	vst v63  }
0x137: {  	_ = 	snop  }
0x138: {  	[tilespmem:s13], [sflag:$0x1] =	stream.indirect.gather [hbm4b:s3+s10], $0x80, s26, s10, $0xb8;
	[tilespmem:$0x1D000] =	vst v63  }
0x139: {  	_ =	swait.ge [sflag:s12], $0x4000  }
0x13a: {  	[sflag:s12] =	ssyncset.done $0x0  }
0x13b: {  	[sflag:s12] =	ssyncadd.s32 $0xFFFFC000  }
0x13c: {  	_ =	swait.ge [sflag:s14], $0x4000  }
0x13d: {  	[sflag:s14] =	ssyncset.done $0x0  }
0x13e: {  	[sflag:s14] =	ssyncadd.s32 $0xFFFFC000  }
0x13f: {  	[spmem:s1] =	stream.indirect.scatter.add.f32 [tilespmem:s13], [sflag:$0x2], $0x80, s28, s10, $0xb8;
	[tilespmem:$0x1D000] =	vst v63  }
0x140: {  	_ = 	snop  }
0x141: {  	[tilespmem:s11], [sflag:$0x1] =	stream.indirect.gather [hbm4b:s3+s10], $0x80, s29, s10, $0xb8;
	[tilespmem:$0x1D000] =	vst v63  }
0x142: {  	_ =	swait.ge [sflag:s12], $0x4000  }
0x143: {  	[sflag:s12] =	ssyncset.done $0x0  }
0x144: {  	[sflag:s12] =	ssyncadd.s32 $0xFFFFC000  }
0x145: {  	_ =	swait.ge [sflag:s14], $0x4000  }
0x146: {  	[sflag:s14] =	ssyncset.done $0x0  }
0x147: {  	[sflag:s14] =	ssyncadd.s32 $0xFFFFC000  }
0x148: {  	[spmem:s1] =	stream.indirect.scatter.add.f32 [tilespmem:s11], [sflag:$0x2], $0x80, s30, s10, $0xb8;
	[tilespmem:$0x1D000] =	vst v63  }
0x149: {  	_ = 	snop  }
0x14a: {  	[tilespmem:s13], [sflag:$0x1] =	stream.indirect.gather [hbm4b:s3+s10], $0x80, s31, s10, $0xb8;
	[tilespmem:$0x1D000] =	vst v63  }
0x14b: {  	_ =	swait.ge [sflag:s12], $0x4000  }
0x14c: {  	[sflag:s12] =	ssyncset.done $0x0  }
0x14d: {  	[sflag:s12] =	ssyncadd.s32 $0xFFFFC000  }
0x14e: {  	p1 =	sne.s32 s6, $0x400;
	_ =	swait.ge [sflag:s14], $0x4000  }
.Ltmp0:
0x14f: {  	[sflag:s14] =	ssyncset.done $0x0;
	(pc) =	sbr.rel @p1 .LBB2_2-.Ltmp0, $4  }
0x150: {  	[sflag:s14] =	ssyncadd.s32 $0xFFFFC000  }
0x151: {  	[spmem:s1] =	stream.indirect.scatter.add.f32 [tilespmem:s13], [sflag:$0x2], $0x80, s0, s10, $0xb8;
	[tilespmem:$0x1D000] =	vst v63  }
0x152: {  	_ =	swait.ge [sflag:s14], $0x4000  }
0x153: {  	s6 =	sadd.s32 $0x100, s6;
	s7 =	rddreg [dreg:$0x4];
	[sflag:s14] =	ssyncset.done $0x0  }
0x154: {  	[sflag:s14] =	ssyncadd.s32 $0xFFFFC000;
	s4 =	sadd.s32 s5, s7  }
0x155: {  	[tilespmem:s2], [sflag:$0x3] =	stream.linear.gather [hbm4b:s4+s2], $0x800, $0x38;
	[tilespmem:$0x1D000] =	vst v63  }
0x156: {  	_ =	swait.ge [sflag:s8], $0x800  }
0x157: {  	s7 =	rddreg [dreg:$0x5];
	[sflag:s8] =	ssyncset.done $0x0  }
0x158: {  	[sflag:s8] =	ssyncadd.s32 $0xFFFFF800;
	s4 =	sadd.s32 s5, s7  }
0x159: {  	[tilespmem:s9], [sflag:$0x3] =	stream.linear.gather [hbm4b:s4+s2], $0x800, $0x38;
	[tilespmem:$0x1D000] =	vst v63  }
0x15a: {  	_ =	swait.ge [sflag:s8], $0x800  }
0x15b: {  	[sflag:s8] =	ssyncset.done $0x0  }
0x15c: {  	[sflag:s8] =	ssyncadd.s32 $0xFFFFF800  }
0x15d: {  	[tilespmem:s11], [sflag:$0x1] =	stream.indirect.gather [hbm4b:s3+s10], $0x80, s2, s10, $0xb8;
	[tilespmem:$0x1D000] =	vst v63  }
0x15e: {  	_ =	swait.ge [sflag:s12], $0x4000  }
0x15f: {  	[sflag:s12] =	ssyncset.done $0x0  }
0x160: {  	[sflag:s12] =	ssyncadd.s32 $0xFFFFC000  }
0x161: {  	[spmem:s1] =	stream.indirect.scatter.add.f32 [tilespmem:s11], [sflag:$0x2], $0x80, s9, s10, $0xb8;
	[tilespmem:$0x1D000] =	vst v63  }
0x162: {  	_ = 	snop  }
0x163: {  	[tilespmem:s13], [sflag:$0x1] =	stream.indirect.gather [hbm4b:s3+s10], $0x80, s10, s10, $0xb8;
	[tilespmem:$0x1D000] =	vst v63  }
0x164: {  	_ =	swait.ge [sflag:s12], $0x4000  }
0x165: {  	[sflag:s12] =	ssyncset.done $0x0  }
0x166: {  	[sflag:s12] =	ssyncadd.s32 $0xFFFFC000  }
0x167: {  	_ =	swait.ge [sflag:s14], $0x4000  }
0x168: {  	[sflag:s14] =	ssyncset.done $0x0  }
0x169: {  	s6 =	rddreg [dreg:$0x6];
	[sflag:s14] =	ssyncadd.s32 $0xFFFFC000  }
0x16a: {  	[spmem:s1] =	stream.indirect.scatter.add.f32 [tilespmem:s13], [sflag:$0x2], $0x80, s6, s10, $0xb8;
	[tilespmem:$0x1D000] =	vst v63  }
0x16b: {  	s7 =	rddreg [dreg:$0x7]  }
0x16c: {  	[tilespmem:s11], [sflag:$0x1] =	stream.indirect.gather [hbm4b:s3+s10], $0x80, s7, s10, $0xb8;
	[tilespmem:$0x1D000] =	vst v63  }
0x16d: {  	_ =	swait.ge [sflag:s12], $0x4000  }
0x16e: {  	[sflag:s12] =	ssyncset.done $0x0  }
0x16f: {  	[sflag:s12] =	ssyncadd.s32 $0xFFFFC000  }
0x170: {  	_ =	swait.ge [sflag:s14], $0x4000  }
0x171: {  	[sflag:s14] =	ssyncset.done $0x0  }
0x172: {  	s6 =	rddreg [dreg:$0x8];
	[sflag:s14] =	ssyncadd.s32 $0xFFFFC000  }
0x173: {  	[spmem:s1] =	stream.indirect.scatter.add.f32 [tilespmem:s11], [sflag:$0x2], $0x80, s6, s10, $0xb8;
	[tilespmem:$0x1D000] =	vst v63  }
0x174: {  	s7 =	rddreg [dreg:$0x9]  }
0x175: {  	[tilespmem:s13], [sflag:$0x1] =	stream.indirect.gather [hbm4b:s3+s10], $0x80, s7, s10, $0xb8;
	[tilespmem:$0x1D000] =	vst v63  }
0x176: {  	_ =	swait.ge [sflag:s12], $0x4000  }
0x177: {  	[sflag:s12] =	ssyncset.done $0x0  }
0x178: {  	[sflag:s12] =	ssyncadd.s32 $0xFFFFC000  }
0x179: {  	_ =	swait.ge [sflag:s14], $0x4000  }
0x17a: {  	[sflag:s14] =	ssyncset.done $0x0  }
0x17b: {  	s6 =	rddreg [dreg:$0xa];
	[sflag:s14] =	ssyncadd.s32 $0xFFFFC000  }
0x17c: {  	[spmem:s1] =	stream.indirect.scatter.add.f32 [tilespmem:s13], [sflag:$0x2], $0x80, s6, s10, $0xb8;
	[tilespmem:$0x1D000] =	vst v63  }
0x17d: {  	s7 =	rddreg [dreg:$0xb]  }
0x17e: {  	[tilespmem:s11], [sflag:$0x1] =	stream.indirect.gather [hbm4b:s3+s10], $0x80, s7, s10, $0xb8;
	[tilespmem:$0x1D000] =	vst v63  }
0x17f: {  	_ =	swait.ge [sflag:s12], $0x4000  }
0x180: {  	[sflag:s12] =	ssyncset.done $0x0  }
0x181: {  	[sflag:s12] =	ssyncadd.s32 $0xFFFFC000  }
0x182: {  	_ =	swait.ge [sflag:s14], $0x4000  }
0x183: {  	[sflag:s14] =	ssyncset.done $0x0  }
0x184: {  	s6 =	rddreg [dreg:$0xc];
	[sflag:s14] =	ssyncadd.s32 $0xFFFFC000  }
0x185: {  	[spmem:s1] =	stream.indirect.scatter.add.f32 [tilespmem:s11], [sflag:$0x2], $0x80, s6, s10, $0xb8;
	[tilespmem:$0x1D000] =	vst v63  }
0x186: {  	s7 =	rddreg [dreg:$0xd]  }
0x187: {  	[tilespmem:s13], [sflag:$0x1] =	stream.indirect.gather [hbm4b:s3+s10], $0x80, s7, s10, $0xb8;
	[tilespmem:$0x1D000] =	vst v63  }
0x188: {  	_ =	swait.ge [sflag:s12], $0x4000  }
0x189: {  	[sflag:s12] =	ssyncset.done $0x0  }
0x18a: {  	[sflag:s12] =	ssyncadd.s32 $0xFFFFC000  }
0x18b: {  	_ =	swait.ge [sflag:s14], $0x4000  }
0x18c: {  	[sflag:s14] =	ssyncset.done $0x0  }
0x18d: {  	s6 =	rddreg [dreg:$0xe];
	[sflag:s14] =	ssyncadd.s32 $0xFFFFC000  }
0x18e: {  	[spmem:s1] =	stream.indirect.scatter.add.f32 [tilespmem:s13], [sflag:$0x2], $0x80, s6, s10, $0xb8;
	[tilespmem:$0x1D000] =	vst v63  }
0x18f: {  	s7 =	rddreg [dreg:$0xf]  }
0x190: {  	[tilespmem:s11], [sflag:$0x1] =	stream.indirect.gather [hbm4b:s3+s10], $0x80, s7, s10, $0xb8;
	[tilespmem:$0x1D000] =	vst v63  }
0x191: {  	_ =	swait.ge [sflag:s12], $0x4000  }
0x192: {  	[sflag:s12] =	ssyncset.done $0x0  }
0x193: {  	[sflag:s12] =	ssyncadd.s32 $0xFFFFC000  }
0x194: {  	_ =	swait.ge [sflag:s14], $0x4000  }
0x195: {  	[sflag:s14] =	ssyncset.done $0x0  }
0x196: {  	s6 =	rddreg [dreg:$0x10];
	[sflag:s14] =	ssyncadd.s32 $0xFFFFC000  }
0x197: {  	[spmem:s1] =	stream.indirect.scatter.add.f32 [tilespmem:s11], [sflag:$0x2], $0x80, s6, s10, $0xb8;
	[tilespmem:$0x1D000] =	vst v63  }
0x198: {  	s7 =	rddreg [dreg:$0x11]  }
0x199: {  	[tilespmem:s13], [sflag:$0x1] =	stream.indirect.gather [hbm4b:s3+s10], $0x80, s7, s10, $0xb8;
	[tilespmem:$0x1D000] =	vst v63  }
0x19a: {  	_ =	swait.ge [sflag:s12], $0x4000  }
0x19b: {  	[sflag:s12] =	ssyncset.done $0x0  }
0x19c: {  	[sflag:s12] =	ssyncadd.s32 $0xFFFFC000  }
0x19d: {  	_ =	swait.ge [sflag:s14], $0x4000  }
0x19e: {  	[sflag:s14] =	ssyncset.done $0x0  }
0x19f: {  	[sflag:s14] =	ssyncadd.s32 $0xFFFFC000  }
0x1a0: {  	[spmem:s1] =	stream.indirect.scatter.add.f32 [tilespmem:s13], [sflag:$0x2], $0x80, s15, s10, $0xb8;
	[tilespmem:$0x1D000] =	vst v63  }
0x1a1: {  	_ = 	snop  }
0x1a2: {  	[tilespmem:s11], [sflag:$0x1] =	stream.indirect.gather [hbm4b:s3+s10], $0x80, s16, s10, $0xb8;
	[tilespmem:$0x1D000] =	vst v63  }
0x1a3: {  	_ =	swait.ge [sflag:s12], $0x4000  }
0x1a4: {  	[sflag:s12] =	ssyncset.done $0x0  }
0x1a5: {  	[sflag:s12] =	ssyncadd.s32 $0xFFFFC000  }
0x1a6: {  	_ =	swait.ge [sflag:s14], $0x4000  }
0x1a7: {  	[sflag:s14] =	ssyncset.done $0x0  }
0x1a8: {  	[sflag:s14] =	ssyncadd.s32 $0xFFFFC000  }
0x1a9: {  	[spmem:s1] =	stream.indirect.scatter.add.f32 [tilespmem:s11], [sflag:$0x2], $0x80, s17, s10, $0xb8;
	[tilespmem:$0x1D000] =	vst v63  }
0x1aa: {  	_ = 	snop  }
0x1ab: {  	[tilespmem:s13], [sflag:$0x1] =	stream.indirect.gather [hbm4b:s3+s10], $0x80, s18, s10, $0xb8;
	[tilespmem:$0x1D000] =	vst v63  }
0x1ac: {  	_ =	swait.ge [sflag:s12], $0x4000  }
0x1ad: {  	[sflag:s12] =	ssyncset.done $0x0  }
0x1ae: {  	[sflag:s12] =	ssyncadd.s32 $0xFFFFC000  }
0x1af: {  	_ =	swait.ge [sflag:s14], $0x4000  }
0x1b0: {  	[sflag:s14] =	ssyncset.done $0x0  }
0x1b1: {  	[sflag:s14] =	ssyncadd.s32 $0xFFFFC000  }
0x1b2: {  	[spmem:s1] =	stream.indirect.scatter.add.f32 [tilespmem:s13], [sflag:$0x2], $0x80, s19, s10, $0xb8;
	[tilespmem:$0x1D000] =	vst v63  }
0x1b3: {  	_ = 	snop  }
0x1b4: {  	[tilespmem:s11], [sflag:$0x1] =	stream.indirect.gather [hbm4b:s3+s10], $0x80, s20, s10, $0xb8;
	[tilespmem:$0x1D000] =	vst v63  }
0x1b5: {  	_ =	swait.ge [sflag:s12], $0x4000  }
0x1b6: {  	[sflag:s12] =	ssyncset.done $0x0  }
0x1b7: {  	[sflag:s12] =	ssyncadd.s32 $0xFFFFC000  }
0x1b8: {  	_ =	swait.ge [sflag:s14], $0x4000  }
0x1b9: {  	[sflag:s14] =	ssyncset.done $0x0  }
0x1ba: {  	[sflag:s14] =	ssyncadd.s32 $0xFFFFC000  }
0x1bb: {  	[spmem:s1] =	stream.indirect.scatter.add.f32 [tilespmem:s11], [sflag:$0x2], $0x80, s21, s10, $0xb8;
	[tilespmem:$0x1D000] =	vst v63  }
0x1bc: {  	_ = 	snop  }
0x1bd: {  	[tilespmem:s13], [sflag:$0x1] =	stream.indirect.gather [hbm4b:s3+s10], $0x80, s22, s10, $0xb8;
	[tilespmem:$0x1D000] =	vst v63  }
0x1be: {  	_ =	swait.ge [sflag:s12], $0x4000  }
0x1bf: {  	[sflag:s12] =	ssyncset.done $0x0  }
0x1c0: {  	[sflag:s12] =	ssyncadd.s32 $0xFFFFC000  }
0x1c1: {  	_ =	swait.ge [sflag:s14], $0x4000  }
0x1c2: {  	[sflag:s14] =	ssyncset.done $0x0  }
0x1c3: {  	[sflag:s14] =	ssyncadd.s32 $0xFFFFC000  }
0x1c4: {  	[spmem:s1] =	stream.indirect.scatter.add.f32 [tilespmem:s13], [sflag:$0x2], $0x80, s23, s10, $0xb8;
	[tilespmem:$0x1D000] =	vst v63  }
0x1c5: {  	_ = 	snop  }
0x1c6: {  	[tilespmem:s11], [sflag:$0x1] =	stream.indirect.gather [hbm4b:s3+s10], $0x80, s24, s10, $0xb8;
	[tilespmem:$0x1D000] =	vst v63  }
0x1c7: {  	_ =	swait.ge [sflag:s12], $0x4000  }
0x1c8: {  	[sflag:s12] =	ssyncset.done $0x0  }
0x1c9: {  	[sflag:s12] =	ssyncadd.s32 $0xFFFFC000  }
0x1ca: {  	_ =	swait.ge [sflag:s14], $0x4000  }
0x1cb: {  	[sflag:s14] =	ssyncset.done $0x0  }
0x1cc: {  	[sflag:s14] =	ssyncadd.s32 $0xFFFFC000  }
0x1cd: {  	[spmem:s1] =	stream.indirect.scatter.add.f32 [tilespmem:s11], [sflag:$0x2], $0x80, s25, s10, $0xb8;
	[tilespmem:$0x1D000] =	vst v63  }
0x1ce: {  	_ = 	snop  }
0x1cf: {  	[tilespmem:s13], [sflag:$0x1] =	stream.indirect.gather [hbm4b:s3+s10], $0x80, s26, s10, $0xb8;
	[tilespmem:$0x1D000] =	vst v63  }
0x1d0: {  	_ =	swait.ge [sflag:s12], $0x4000  }
0x1d1: {  	[sflag:s12] =	ssyncset.done $0x0  }
0x1d2: {  	[sflag:s12] =	ssyncadd.s32 $0xFFFFC000  }
0x1d3: {  	_ =	swait.ge [sflag:s14], $0x4000  }
0x1d4: {  	[sflag:s14] =	ssyncset.done $0x0  }
0x1d5: {  	[sflag:s14] =	ssyncadd.s32 $0xFFFFC000  }
0x1d6: {  	[spmem:s1] =	stream.indirect.scatter.add.f32 [tilespmem:s13], [sflag:$0x2], $0x80, s28, s10, $0xb8;
	[tilespmem:$0x1D000] =	vst v63  }
0x1d7: {  	_ = 	snop  }
0x1d8: {  	[tilespmem:s11], [sflag:$0x1] =	stream.indirect.gather [hbm4b:s3+s10], $0x80, s29, s10, $0xb8;
	[tilespmem:$0x1D000] =	vst v63  }
0x1d9: {  	_ =	swait.ge [sflag:s12], $0x4000  }
0x1da: {  	[sflag:s12] =	ssyncset.done $0x0  }
0x1db: {  	[sflag:s12] =	ssyncadd.s32 $0xFFFFC000  }
0x1dc: {  	_ =	swait.ge [sflag:s14], $0x4000  }
0x1dd: {  	[sflag:s14] =	ssyncset.done $0x0  }
0x1de: {  	[sflag:s14] =	ssyncadd.s32 $0xFFFFC000  }
0x1df: {  	[spmem:s1] =	stream.indirect.scatter.add.f32 [tilespmem:s11], [sflag:$0x2], $0x80, s30, s10, $0xb8;
	[tilespmem:$0x1D000] =	vst v63  }
0x1e0: {  	_ = 	snop  }
0x1e1: {  	[tilespmem:s13], [sflag:$0x1] =	stream.indirect.gather [hbm4b:s3+s10], $0x80, s31, s10, $0xb8;
	[tilespmem:$0x1D000] =	vst v63  }
0x1e2: {  	_ =	swait.ge [sflag:s12], $0x4000  }
0x1e3: {  	[sflag:s12] =	ssyncset.done $0x0  }
0x1e4: {  	[sflag:s12] =	ssyncadd.s32 $0xFFFFC000  }
0x1e5: {  	_ =	swait.ge [sflag:s14], $0x4000  }
0x1e6: {  	[sflag:s14] =	ssyncset.done $0x0  }
0x1e7: {  	[sflag:s14] =	ssyncadd.s32 $0xFFFFC000  }
0x1e8: {  	[spmem:s1] =	stream.indirect.scatter.add.f32 [tilespmem:s13], [sflag:$0x2], $0x80, s0, s10, $0xb8;
	[tilespmem:$0x1D000] =	vst v63  }
0x1e9: {  	_ =	swait.ge [sflag:s14], $0x4000  }
0x1ea: {  	[sflag:s14] =	ssyncset.done $0x0  }
0x1eb: {  	[sflag:s14] =	ssyncadd.s32 $0xFFFFC000  }
0x1ec: {  	[bflag:$0x0] =	sbarrier.arrive $0xFFFF  }
0x1ed: {  	s5 =	rddreg [dreg:$0x13]  }
0x1ee: {  	s4 =	simm.s32 @!p0 $0x1C03;
	s6 =	rddreg [dreg:$0x15]  }
0x1ef: {  	[hbm:s5], [sflag:s4] =	dma.local @!p0 [spmem:s6], $0x28000  }
0x1f0: {  	s4 =	simm.s32 @!p0 $0x3  }
0x1f1: {  	_ =	swait.ge @!p0 [sflag:s4], $0x28000  }
0x1f2: {  	s5 =	rddreg [dreg:$0x16]  }
0x1f3: {  	s7 =	sadd.s32 $0x1, s5;
	s5 =	rddreg [dreg:$0x14]  }
0x1f4: {  	p1 =	sne.s32 s7, s5  }
.Ltmp1:
0x1f5: {  	_ = 	snop;
	(pc) =	sbr.rel @p1 .LBB2_1-.Ltmp1, $3  }
0x1f6: {  	_ =	sdelay $0x1  }
0x1f7: {  	[sflag:s4] =	ssyncset.done @!p0 $0x0  }
0x1f8: {  	[sflag:s4] =	ssyncadd.s32 @!p0 $0xFFFD8000  }
0x1f9: {  	_ =	sfence.sel $0x180000  }
0x1fa: {  	[bflag:$0x0] =	sbarrier.arrive $0xFFFF  }
0x1fb: {  	_ =	strace $0x90000050  }
0x1fc: {  	[bflag:$0x2] =	sbarrier.arrive $0xFFFF  }
0x1fd: {  	s0 =	rddreg [dreg:$0x3]  }
0x1fe: {  	s0 =	sadd.s32 @!p0 $0x100000, s0  }
0x1ff: {  	[sflag:s0] =	ssyncadd.tile.s32 @!p0 $0x1;
	_ =	shalt  }
.Lfunc_end2:
_tile_overlayer_lowered:
.L_overlay_start_2:
0x200: {  	(tag) =	ssettag $0x2  }
0x201: {  	s0 =	rddreg [dreg:$0x0];
	s2 =	stileid.u32  }
0x202: {  	s1 =	rddreg [dreg:$0x1];
	p0 =	sne.s32 s2, $0x0  }
0x203: {  	s3 =	rddreg [dreg:$0x2];
	[bflag:$0x3] =	sbarrier.arrive $0xFFFF;
	s2 =	simm.s32 @!p0 $0x1C03  }
0x204: {  	[timem:s3], [sflag:s2] =	dma.local @!p0 [hbm:s0], s1  }
0x205: {  	s0 =	simm.s32 @!p0 $0x3  }
0x206: {  	_ =	swait.ge @!p0 [sflag:s0], s1  }
0x207: {  	s1 =	ssub.s32 @!p0 $0x0, s1;
	[sflag:s0] =	ssyncset.done @!p0 $0x0  }
0x208: {  	[sflag:s0] =	ssyncadd.s32 @!p0 s1  }
0x209: {  	[bflag:$0x3] =	sbarrier.arrive $0xFFFF  }
0x20a: {  	_ =	shalt  }

</sc_bundles>
